<compile_context>
chip_gen: v7x
topology: tpu7x:2x2x1
jax: 0.10.2.dev20260603
libtpu: 0.0.44.dev20260713+nightly
codegen_flags: <defaults>
</compile_context>

<pallas_src>
import functools

import jax
import jax.numpy as jnp
import numpy as np
from jax import lax
from jax.experimental import pallas as pl
from jax.experimental.pallas import tpu as pltpu
from jax.experimental.pallas import tpu_sc as plsc

N = 10000
E = 320000
F = 128
NCLASS = 40

NPAD = 10240
NW = 32
K = 128
ETOT = E + N
C = 84
EPAD = NW * C * K
NDUM = NPAD - N
ROWS_PER_TILE = NPAD // 16
NR = NPAD // 128
NG = C * K // 16



@functools.cache
def _sc_kernels():
    mesh = plsc.VectorSubcoreMesh(core_axis_name="c", subcore_axis_name="s")

    @functools.partial(
        pl.kernel,
        mesh=mesh,
        compiler_params=pltpu.CompilerParams(needs_layout_passes=False),
        out_type=[
            jax.ShapeDtypeStruct((2, NR, 128), jnp.float32),
            jax.ShapeDtypeStruct((2, NR, 128), jnp.float32),
        ],
        scratch_types=[
            pltpu.VMEM((C * K,), jnp.int32),
            pltpu.VMEM((C * K,), jnp.int32),
            pltpu.VMEM((NR, 128), jnp.float32),
            pltpu.VMEM((NR, 128), jnp.float32),
            pltpu.VMEM((1, NR), jnp.int32),
            pltpu.VMEM_SHARED((NR, 128), jnp.float32),
            pltpu.VMEM_SHARED((NR, 128), jnp.float32),
        ],
    )
    def deg_kernel(src_hbm, dst_hbm, zeros_hbm, iota_hbm, out_o, out_i,
                   sidx, didx, acc_o, acc_i, idrows, sh_o, sh_i):
        c = lax.axis_index("c")
        s = lax.axis_index("s")
        w = s * 2 + c
        pltpu.sync_copy(zeros_hbm, acc_o)
        pltpu.sync_copy(zeros_hbm, acc_i)
        pltpu.sync_copy(iota_hbm, idrows)
        pltpu.sync_copy(src_hbm.at[w], sidx)
        pltpu.sync_copy(dst_hbm.at[w], didx)

        @pl.when(s < 10)
        def _zero():
            pltpu.sync_copy(zeros_hbm.at[pl.ds(s * 8, 8)], sh_o.at[pl.ds(s * 8, 8)])
            pltpu.sync_copy(zeros_hbm.at[pl.ds(s * 8, 8)], sh_i.at[pl.ds(s * 8, 8)])

        plsc.subcore_barrier()

        ones = jnp.full((16,), 1.0, jnp.float32)

        def body(g, carry):
            i0 = g * 16
            si = sidx[pl.ds(i0, 16)]
            plsc.addupdate_scatter(acc_o, [si >> 7, si & 127], ones)
            di = didx[pl.ds(i0, 16)]
            plsc.addupdate_scatter(acc_i, [di >> 7, di & 127], ones)
            return carry

        lax.fori_loop(jnp.int32(0), jnp.int32(NG), body, jnp.int32(0))
        pltpu.sync_copy(acc_o, sh_o.at[idrows.at[jnp.int32(0)]], add=True)
        pltpu.sync_copy(acc_i, sh_i.at[idrows.at[jnp.int32(0)]], add=True)
        plsc.subcore_barrier()

        @pl.when(s < 10)
        def _out():
            pltpu.sync_copy(sh_o.at[pl.ds(s * 8, 8)], out_o.at[c, pl.ds(s * 8, 8)])
            pltpu.sync_copy(sh_i.at[pl.ds(s * 8, 8)], out_i.at[c, pl.ds(s * 8, 8)])

    @functools.partial(
        pl.kernel,
        mesh=mesh,
        out_type=jax.ShapeDtypeStruct((2, NPAD, F), jnp.float32),
        scratch_types=[
            pltpu.VMEM((C // 2, K), jnp.int32),
            pltpu.VMEM((C // 2, K), jnp.int32),
            pltpu.VMEM((K, F), jnp.float32),
            pltpu.VMEM((K, F), jnp.float32),
            pltpu.VMEM_SHARED((NPAD, F), jnp.float32),
            pltpu.SemaphoreType.DMA,
            pltpu.SemaphoreType.DMA,
        ],
    )
    def agg_kernel(h_hbm, src_hbm, dst_hbm, zeros_hbm, out_hbm,
                   sidx, didx, rows0, rows1, acc, ss0, ss1):
        c = lax.axis_index("c")
        s = lax.axis_index("s")
        w = s * 2 + c
        r0 = s * ROWS_PER_TILE
        pltpu.sync_copy(zeros_hbm, acc.at[pl.ds(r0, ROWS_PER_TILE)])
        plsc.subcore_barrier()

        half_c = C // 2
        pairs = half_c // 2
        k0 = pl.ds(jnp.int32(0), K)

        def drain(buf, sem):
            pltpu.make_async_copy(h_hbm.at[k0], buf, sem).wait()

        for half in range(2):
            hh = jnp.int32(half)
            pltpu.sync_copy(src_hbm.at[w, hh], sidx)
            pltpu.sync_copy(dst_hbm.at[w, hh], didx)

            def body(p, carry, first_half=(half == 0)):
                j0 = p * 2
                pltpu.sync_copy(h_hbm.at[sidx.at[j0]], rows0)
                if first_half:
                    @pl.when(p > 0)
                    def _w1():
                        drain(rows1, ss1)
                else:
                    drain(rows1, ss1)
                pltpu.async_copy(rows0, acc.at[didx.at[j0]], ss0, add=True)
                pltpu.sync_copy(h_hbm.at[sidx.at[j0 + 1]], rows1)
                drain(rows0, ss0)
                pltpu.async_copy(rows1, acc.at[didx.at[j0 + 1]], ss1, add=True)
                return carry

            lax.fori_loop(jnp.int32(0), jnp.int32(pairs), body, jnp.int32(0))
        drain(rows1, ss1)
        plsc.subcore_barrier()
        pltpu.sync_copy(acc.at[pl.ds(r0, ROWS_PER_TILE)],
                        out_hbm.at[c, pl.ds(r0, ROWS_PER_TILE)])

    return deg_kernel, agg_kernel



_BM = 1024
_GRID = NPAD // _BM
_DB = _BM // 128


def _inv_block(deg_ref):
    d = deg_ref[0] + deg_ref[1]
    return lax.rsqrt(jnp.maximum(d, 1.0))


def _scale_rows(mat, inv):
    m3 = mat.reshape(_DB, 128, F)
    return (m3 * inv[:, :, None]).reshape(_BM, F)


def _l1_body(x_ref, w_ref, dego_ref, out_ref):
    h = jnp.dot(x_ref[...], w_ref[...], preferred_element_type=jnp.float32)
    out_ref[...] = _scale_rows(h, _inv_block(dego_ref))


def _mid_body(aggp_ref, degi_ref, b_ref, w_ref, dego_ref, out_ref):
    agg = aggp_ref[0] + aggp_ref[1]
    h = jnp.maximum(_scale_rows(agg, _inv_block(degi_ref)) + b_ref[...], 0.0)
    hw = jnp.dot(h, w_ref[...], preferred_element_type=jnp.float32)
    out_ref[...] = _scale_rows(hw, _inv_block(dego_ref))


def _final_body(aggp_ref, degi_ref, b_ref, w_ref, b3_ref, out_ref):
    agg = aggp_ref[0] + aggp_ref[1]
    h = jnp.maximum(_scale_rows(agg, _inv_block(degi_ref)) + b_ref[...], 0.0)
    logits = jnp.dot(h, w_ref[...], preferred_element_type=jnp.float32) + b3_ref[...]
    m = jnp.max(logits, axis=1, keepdims=True)
    lse = jnp.log(jnp.sum(jnp.exp(logits - m), axis=1, keepdims=True))
    out_ref[...] = logits - m - lse


_I0 = np.int32(0)
_deg_spec = pl.BlockSpec((2, _DB, 128), lambda i: (_I0, i, _I0))
_mat_spec = pl.BlockSpec((_BM, F), lambda i: (i, _I0))
_w_spec = pl.BlockSpec((F, F), lambda i: (_I0, _I0))
_b_spec = pl.BlockSpec((1, F), lambda i: (_I0, _I0))
_aggp_spec = pl.BlockSpec((2, _BM, F), lambda i: (_I0, i, _I0))

_l1_call = pl.pallas_call(
    _l1_body,
    grid=(_GRID,),
    in_specs=[_mat_spec, _w_spec, _deg_spec],
    out_specs=_mat_spec,
    out_shape=jax.ShapeDtypeStruct((NPAD, F), jnp.float32),
)

_mid_call = pl.pallas_call(
    _mid_body,
    grid=(_GRID,),
    in_specs=[_aggp_spec, _deg_spec, _b_spec, _w_spec, _deg_spec],
    out_specs=_mat_spec,
    out_shape=jax.ShapeDtypeStruct((NPAD, F), jnp.float32),
)

_final_call = pl.pallas_call(
    _final_body,
    grid=(_GRID,),
    in_specs=[_aggp_spec, _deg_spec, _b_spec, _w_spec, _b_spec],
    out_specs=_mat_spec,
    out_shape=jax.ShapeDtypeStruct((NPAD, F), jnp.float32),
)



def kernel(x, edge_index, W1, b1, W2, b2, W3, b3):
    loop = jnp.arange(N, dtype=jnp.int32)
    src = jnp.concatenate([edge_index[0].astype(jnp.int32), loop])
    dst = jnp.concatenate([edge_index[1].astype(jnp.int32), loop])
    pad = N + jnp.arange(EPAD - ETOT, dtype=jnp.int32) % NDUM
    srcp = jnp.concatenate([src, pad])
    dstp = jnp.concatenate([dst, pad])
    src3 = srcp.reshape(NW, 2, C // 2, K)
    dst3 = dstp.reshape(NW, 2, C // 2, K)
    src2 = srcp.reshape(NW, C * K)
    dst2 = dstp.reshape(NW, C * K)

    x_pad = jnp.zeros((NPAD, F), jnp.float32).at[:N].set(x.astype(jnp.float32))
    zerosR = jnp.zeros((NR, 128), jnp.float32)
    iotaR = jnp.arange(NR, dtype=jnp.int32).reshape(1, NR)
    zerosF = jnp.zeros((ROWS_PER_TILE, F), jnp.float32)

    deg_kernel, agg_kernel = _sc_kernels()
    dego_p, degi_p = deg_kernel(src2, dst2, zerosR, iotaR)

    h1 = _l1_call(x_pad, W1.astype(jnp.float32), dego_p)
    agg1 = agg_kernel(h1, src3, dst3, zerosF)

    b1r = b1.astype(jnp.float32).reshape(1, F)
    h2 = _mid_call(agg1, degi_p, b1r, W2.astype(jnp.float32), dego_p)
    agg2 = agg_kernel(h2, src3, dst3, zerosF)

    W3p = jnp.zeros((F, F), jnp.float32).at[:, :NCLASS].set(W3.astype(jnp.float32))
    b3p = jnp.full((1, F), -1e30, jnp.float32).at[0, :NCLASS].set(b3.astype(jnp.float32))
    b2r = b2.astype(jnp.float32).reshape(1, F)
    out = _final_call(agg2, degi_p, b2r, W3p, b3p)
    return out[:N, :NCLASS].astype(jnp.float64)

# --- scband reference (transcript-rebuilt; emitter-appended) ---
"""Pipeline reference for scband-gcn-18459769438249 (READ-ONLY COPY).

The authoritative reference and input builder live on the scoring server;
editing this copy changes nothing except your own understanding.
"""

import jax, jax.numpy as jnp
import numpy as np
jax.config.update("jax_enable_x64", True)

N = 10000
E = 320000
NFEAT = 128
NHID1 = 128
NHID2 = 128
NCLASS = 40


def setup_inputs(seed: int = 0) -> dict:
    key = jax.random.key(seed)
    ks = jax.random.split(key, 9)
    x = jax.random.normal(ks[0], (N, NFEAT), dtype=jnp.float32)
    edge_index = jax.random.randint(ks[1], (2, E), 0, N, dtype=jnp.int64)
    W1 = jax.random.normal(ks[2], (NFEAT, NHID1), dtype=jnp.float32) * (1.0 / np.sqrt(NFEAT))
    b1 = jnp.zeros((NHID1,), dtype=jnp.float32)
    W2 = jax.random.normal(ks[3], (NHID1, NHID2), dtype=jnp.float32) * (1.0 / np.sqrt(NHID1))
    b2 = jnp.zeros((NHID2,), dtype=jnp.float32)
    W3 = jax.random.normal(ks[4], (NHID2, NCLASS), dtype=jnp.float32) * (1.0 / np.sqrt(NHID2))
    b3 = jnp.zeros((NCLASS,), dtype=jnp.float32)
    return {"x": x, "edge_index": edge_index, "W1": W1, "b1": b1, "W2": W2, "b2": b2, "W3": W3, "b3": b3}


def _gcn_layer(x, W, b, src, dst, inv_sqrt_out, inv_sqrt_in):
    # DGL GraphConv norm='both': D_out^{-1/2} applied to src feats, sum-aggregate, D_in^{-1/2} at dst
    h = x @ W
    h = h * inv_sqrt_out[:, None]
    agg = jax.ops.segment_sum(h[src], dst, num_segments=N)
    agg = agg * inv_sqrt_in[:, None]
    return agg + b


def reference(x, edge_index, W1, b1, W2, b2, W3, b3):
    # g = dgl.add_self_loop(g)
    loop = jnp.arange(N, dtype=edge_index.dtype)
    src = jnp.concatenate([edge_index[0], loop])
    dst = jnp.concatenate([edge_index[1], loop])
    ones = jnp.ones(src.shape[0], dtype=x.dtype)
    deg_out = jnp.maximum(jax.ops.segment_sum(ones, src, num_segments=N), 1.0)
    deg_in = jnp.maximum(jax.ops.segment_sum(ones, dst, num_segments=N), 1.0)
    inv_sqrt_out = jax.lax.rsqrt(deg_out)
    inv_sqrt_in = jax.lax.rsqrt(deg_in)
    h = jax.nn.relu(_gcn_layer(x, W1, b1, src, dst, inv_sqrt_out, inv_sqrt_in))
    # dropout is identity in eval mode
    h = jax.nn.relu(_gcn_layer(h, W2, b2, src, dst, inv_sqrt_out, inv_sqrt_in))
    logits = h @ W3 + b3
    return jax.nn.log_softmax(logits, axis=1)

if __name__ == "__main__":
    import jax
    _d = setup_inputs()
    print(jax.jit(kernel)(*tuple(_d.values())))

</pallas_src>

<mosaic_0001>
#map = affine_map<(d0, d1) -> (0, 0)>
#map1 = affine_map<(d0, d1) -> (0, 0, 0, 0)>
#map2 = affine_map<(d0, d1) -> (0, 0, 0)>
module attributes {stable_mosaic.version = 14 : i64} {
  func.func @agg_kernel(%arg0: i32, %arg1: i32, %arg2: memref<10240x128xf32, #tpu.memory_space<hbm>>, %arg3: memref<32x2x42x128xi32, #tpu.memory_space<hbm>>, %arg4: memref<32x2x42x128xi32, #tpu.memory_space<hbm>>, %arg5: memref<640x128xf32, #tpu.memory_space<hbm>>, %arg6: memref<2x10240x128xf32, #tpu.memory_space<hbm>>, %arg7: memref<42x128xi32, #tpu.memory_space<vmem>>, %arg8: memref<42x128xi32, #tpu.memory_space<vmem>>, %arg9: memref<128x128xf32, #tpu.memory_space<vmem>>, %arg10: memref<128x128xf32, #tpu.memory_space<vmem>>, %arg11: memref<10240x128xf32, #tpu.memory_space<vmem_shared>>, %arg12: memref<!tpu.dma_semaphore, #tpu.memory_space<semaphore_mem>>, %arg13: memref<!tpu.dma_semaphore, #tpu.memory_space<semaphore_mem>>) attributes {dimension_semantics = [#tpu.dimension_semantics<core_parallel>, #tpu.dimension_semantics<subcore_parallel>], iteration_bounds = array<i64: 2, 16>, scalar_prefetch = 0 : i64, scratch_operands = 7 : i64, tpu.core_type = #tpu.core_type<sc_vector_subcore>, window_params = [{transform_indices = #map}, {transform_indices = #map1}, {transform_indices = #map1}, {transform_indices = #map}, {transform_indices = #map2}]} {
    %mul3A = arith.constant 2 : i32
    %mul3A_0 = arith.muli %arg1, %mul3A : i32
    %add3A = arith.addi %mul3A_0, %arg0 : i32
    %mul3A_1 = arith.constant 640 : i32
    %mul3A_2 = arith.muli %arg1, %mul3A_1 : i32
    "tpu.region"() ({
      %run_scoped3A_34 = tpu.sem_alloc : memref<!tpu.dma_semaphore, #tpu.memory_space<semaphore_mem>>
      %dma_start3A = arith.constant 0 : i32
      %dma_start3A_35 = tpu.memref_slice %arg11[%mul3A_2, %dma_start3A] : memref<10240x128xf32, #tpu.memory_space<vmem_shared>> -> memref<640x128xf32, #tpu.memory_space<vmem_shared>>
      tpu.enqueue_dma source(%arg5 : memref<640x128xf32, #tpu.memory_space<hbm>>) target(%dma_start3A_35 : memref<640x128xf32, #tpu.memory_space<vmem_shared>>) target_semaphore(%run_scoped3A_34 : memref<!tpu.dma_semaphore, #tpu.memory_space<semaphore_mem>>)
      %dma_wait3A_36 = arith.constant 0 : i32
      %dma_wait3A_37 = tpu.memref_slice %arg11[%mul3A_2, %dma_wait3A_36] : memref<10240x128xf32, #tpu.memory_space<vmem_shared>> -> memref<640x128xf32, #tpu.memory_space<vmem_shared>>
      tpu.wait_dma2 semaphore(%run_scoped3A_34 : memref<!tpu.dma_semaphore, #tpu.memory_space<semaphore_mem>>) src(%arg5 : memref<640x128xf32, #tpu.memory_space<hbm>>) dst(%dma_wait3A_37 : memref<640x128xf32, #tpu.memory_space<vmem_shared>>)
      tpu.yield
    }) : () -> ()
    %barrier3A = arith.constant 0 : index
    tpu.barrier barrier_id(%barrier3A)
    %run_scoped3A = arith.constant 0 : i32
    "tpu.region"() ({
      %run_scoped3A_34 = tpu.sem_alloc : memref<!tpu.dma_semaphore, #tpu.memory_space<semaphore_mem>>
      %dma_start3A = arith.constant 0 : i32
      %dma_start3A_35 = arith.constant 0 : i32
      %dma_start3A_36 = tpu.memref_slice %arg3[%add3A, %run_scoped3A, %dma_start3A, %dma_start3A_35] : memref<32x2x42x128xi32, #tpu.memory_space<hbm>> -> memref<1x1x42x128xi32, #tpu.memory_space<hbm>>
      %dma_start3A_37 = tpu.memref_squeeze %dma_start3A_36 : memref<1x1x42x128xi32, #tpu.memory_space<hbm>> -> memref<42x128xi32, #tpu.memory_space<hbm>>
      %dma_start3A_38 = arith.constant 0 : i32
      %dma_start3A_39 = arith.constant 0 : i32
      %dma_start3A_40 = tpu.memref_slice %arg3[%add3A, %run_scoped3A, %dma_start3A_38, %dma_start3A_39] : memref<32x2x42x128xi32, #tpu.memory_space<hbm>> -> memref<1x1x42x128xi32, #tpu.memory_space<hbm>>
      %dma_start3A_41 = tpu.memref_squeeze %dma_start3A_40 : memref<1x1x42x128xi32, #tpu.memory_space<hbm>> -> memref<42x128xi32, #tpu.memory_space<hbm>>
      tpu.enqueue_dma source(%dma_start3A_41 : memref<42x128xi32, #tpu.memory_space<hbm>>) target(%arg7 : memref<42x128xi32, #tpu.memory_space<vmem>>) target_semaphore(%run_scoped3A_34 : memref<!tpu.dma_semaphore, #tpu.memory_space<semaphore_mem>>)
      %dma_wait3A_42 = arith.constant 0 : i32
      %dma_wait3A_43 = arith.constant 0 : i32
      %dma_wait3A_44 = tpu.memref_slice %arg3[%add3A, %run_scoped3A, %dma_wait3A_42, %dma_wait3A_43] : memref<32x2x42x128xi32, #tpu.memory_space<hbm>> -> memref<1x1x42x128xi32, #tpu.memory_space<hbm>>
      %dma_wait3A_45 = tpu.memref_squeeze %dma_wait3A_44 : memref<1x1x42x128xi32, #tpu.memory_space<hbm>> -> memref<42x128xi32, #tpu.memory_space<hbm>>
      %dma_wait3A_46 = arith.constant 0 : i32
      %dma_wait3A_47 = arith.constant 0 : i32
      %dma_wait3A_48 = tpu.memref_slice %arg3[%add3A, %run_scoped3A, %dma_wait3A_46, %dma_wait3A_47] : memref<32x2x42x128xi32, #tpu.memory_space<hbm>> -> memref<1x1x42x128xi32, #tpu.memory_space<hbm>>
      %dma_wait3A_49 = tpu.memref_squeeze %dma_wait3A_48 : memref<1x1x42x128xi32, #tpu.memory_space<hbm>> -> memref<42x128xi32, #tpu.memory_space<hbm>>
      tpu.wait_dma2 semaphore(%run_scoped3A_34 : memref<!tpu.dma_semaphore, #tpu.memory_space<semaphore_mem>>) src(%dma_wait3A_49 : memref<42x128xi32, #tpu.memory_space<hbm>>) dst(%arg7 : memref<42x128xi32, #tpu.memory_space<vmem>>)
      tpu.yield
    }) : () -> ()
    %run_scoped3A_3 = arith.constant 0 : i32
    "tpu.region"() ({
      %run_scoped3A_34 = tpu.sem_alloc : memref<!tpu.dma_semaphore, #tpu.memory_space<semaphore_mem>>
      %dma_start3A = arith.constant 0 : i32
      %dma_start3A_35 = arith.constant 0 : i32
      %dma_start3A_36 = tpu.memref_slice %arg4[%add3A, %run_scoped3A_3, %dma_start3A, %dma_start3A_35] : memref<32x2x42x128xi32, #tpu.memory_space<hbm>> -> memref<1x1x42x128xi32, #tpu.memory_space<hbm>>
      %dma_start3A_37 = tpu.memref_squeeze %dma_start3A_36 : memref<1x1x42x128xi32, #tpu.memory_space<hbm>> -> memref<42x128xi32, #tpu.memory_space<hbm>>
      %dma_start3A_38 = arith.constant 0 : i32
      %dma_start3A_39 = arith.constant 0 : i32
      %dma_start3A_40 = tpu.memref_slice %arg4[%add3A, %run_scoped3A_3, %dma_start3A_38, %dma_start3A_39] : memref<32x2x42x128xi32, #tpu.memory_space<hbm>> -> memref<1x1x42x128xi32, #tpu.memory_space<hbm>>
      %dma_start3A_41 = tpu.memref_squeeze %dma_start3A_40 : memref<1x1x42x128xi32, #tpu.memory_space<hbm>> -> memref<42x128xi32, #tpu.memory_space<hbm>>
      tpu.enqueue_dma source(%dma_start3A_41 : memref<42x128xi32, #tpu.memory_space<hbm>>) target(%arg8 : memref<42x128xi32, #tpu.memory_space<vmem>>) target_semaphore(%run_scoped3A_34 : memref<!tpu.dma_semaphore, #tpu.memory_space<semaphore_mem>>)
      %dma_wait3A_42 = arith.constant 0 : i32
      %dma_wait3A_43 = arith.constant 0 : i32
      %dma_wait3A_44 = tpu.memref_slice %arg4[%add3A, %run_scoped3A_3, %dma_wait3A_42, %dma_wait3A_43] : memref<32x2x42x128xi32, #tpu.memory_space<hbm>> -> memref<1x1x42x128xi32, #tpu.memory_space<hbm>>
      %dma_wait3A_45 = tpu.memref_squeeze %dma_wait3A_44 : memref<1x1x42x128xi32, #tpu.memory_space<hbm>> -> memref<42x128xi32, #tpu.memory_space<hbm>>
      %dma_wait3A_46 = arith.constant 0 : i32
      %dma_wait3A_47 = arith.constant 0 : i32
      %dma_wait3A_48 = tpu.memref_slice %arg4[%add3A, %run_scoped3A_3, %dma_wait3A_46, %dma_wait3A_47] : memref<32x2x42x128xi32, #tpu.memory_space<hbm>> -> memref<1x1x42x128xi32, #tpu.memory_space<hbm>>
      %dma_wait3A_49 = tpu.memref_squeeze %dma_wait3A_48 : memref<1x1x42x128xi32, #tpu.memory_space<hbm>> -> memref<42x128xi32, #tpu.memory_space<hbm>>
      tpu.wait_dma2 semaphore(%run_scoped3A_34 : memref<!tpu.dma_semaphore, #tpu.memory_space<semaphore_mem>>) src(%dma_wait3A_49 : memref<42x128xi32, #tpu.memory_space<hbm>>) dst(%arg8 : memref<42x128xi32, #tpu.memory_space<vmem>>)
      tpu.yield
    }) : () -> ()
    %while3A = arith.constant 0 : i32
    %while3A_4 = arith.constant 0 : i32
    %while3A_5 = arith.constant 0 : i32
    %while3A_6 = arith.constant 21 : i32
    %while3A_7 = arith.subi %while3A_6, %while3A_5 : i32
    %while3A_8 = arith.addi %while3A_5, %while3A_7 : i32
    %while3A_9 = arith.constant 1 : i32
    %while3A_10 = arith.divsi %while3A_7, %while3A_9 : i32
    %while3A_11 = arith.muli %while3A_10, %while3A_9 : i32
    %while3A_12 = arith.addi %while3A_5, %while3A_11 : i32
    %while3A_13 = arith.constant 1 : i32
    scf.for %while3A_34 = %while3A_5 to %while3A_12 step %while3A_13  : i32 {
      %mul3A_35 = arith.constant 2 : i32
      %mul3A_36 = arith.muli %while3A_34, %mul3A_35 : i32
      "tpu.region"() ({
        %run_scoped3A_58 = tpu.sem_alloc : memref<!tpu.dma_semaphore, #tpu.memory_space<semaphore_mem>>
        %dma_start3A_59 = arith.constant 0 : i32
        %dma_start3A_60 = tpu.memref_slice %arg7[%mul3A_36, %dma_start3A_59] : memref<42x128xi32, #tpu.memory_space<vmem>> -> memref<1x128xi32, #tpu.memory_space<vmem>>
        %dma_start3A_61 = tpu.memref_squeeze %dma_start3A_60 : memref<1x128xi32, #tpu.memory_space<vmem>> -> memref<128xi32, #tpu.memory_space<vmem>>
        %dma_start3A_62 = arith.constant 0 : i32
        %dma_start3A_63 = arith.constant 0 : i32
        %dma_start3A_64 = tpu.memref_slice %arg2[%dma_start3A_62, %dma_start3A_63] : memref<10240x128xf32, #tpu.memory_space<hbm>> -> memref<10240x128xf32, #tpu.memory_space<hbm>>
        tpu.enqueue_indirect_dma source(%dma_start3A_64 : memref<10240x128xf32, #tpu.memory_space<hbm>>) target(%arg9 : memref<128x128xf32, #tpu.memory_space<vmem>>) offsets(%dma_start3A_61 : memref<128xi32, #tpu.memory_space<vmem>>) semaphore(%run_scoped3A_58 : memref<!tpu.dma_semaphore, #tpu.memory_space<semaphore_mem>>)
        %dma_wait3A_65 = arith.constant 0 : i32
        %dma_wait3A_66 = tpu.memref_slice %arg7[%mul3A_36, %dma_wait3A_65] : memref<42x128xi32, #tpu.memory_space<vmem>> -> memref<1x128xi32, #tpu.memory_space<vmem>>
        %dma_wait3A_67 = tpu.memref_squeeze %dma_wait3A_66 : memref<1x128xi32, #tpu.memory_space<vmem>> -> memref<128xi32, #tpu.memory_space<vmem>>
        %dma_wait3A_68 = arith.constant 0 : i32
        %dma_wait3A_69 = arith.constant 0 : i32
        %dma_wait3A_70 = tpu.memref_slice %arg2[%dma_wait3A_68, %dma_wait3A_69] : memref<10240x128xf32, #tpu.memory_space<hbm>> -> memref<10240x128xf32, #tpu.memory_space<hbm>>
        tpu.wait_indirect_dma semaphore(%run_scoped3A_58 : memref<!tpu.dma_semaphore, #tpu.memory_space<semaphore_mem>>) src(%dma_wait3A_70 : memref<10240x128xf32, #tpu.memory_space<hbm>>) dst(%arg9 : memref<128x128xf32, #tpu.memory_space<vmem>>)
        tpu.yield
      }) : () -> ()
      %gt3A = arith.constant 0 : i32
      %gt3A_37 = arith.cmpi sgt, %while3A_34, %gt3A : i32
      %convert_element_type3A = arith.extui %gt3A_37 : i1 to i32
      %cond3A = arith.constant 0 : i32
      %cond3A_38 = arith.cmpi ne, %convert_element_type3A, %cond3A : i32
      scf.if %cond3A_38 {
        %dma_wait3A_58 = arith.constant 0 : i32
        %dma_wait3A_59 = tpu.memref_slice %arg2[%while3A_4, %dma_wait3A_58] : memref<10240x128xf32, #tpu.memory_space<hbm>> -> memref<128x128xf32, #tpu.memory_space<hbm>>
        %dma_wait3A_60 = arith.constant 0 : i32
        %dma_wait3A_61 = tpu.memref_slice %arg2[%while3A_4, %dma_wait3A_60] : memref<10240x128xf32, #tpu.memory_space<hbm>> -> memref<128x128xf32, #tpu.memory_space<hbm>>
        tpu.wait_dma2 semaphore(%arg13 : memref<!tpu.dma_semaphore, #tpu.memory_space<semaphore_mem>>) src(%dma_wait3A_61 : memref<128x128xf32, #tpu.memory_space<hbm>>) dst(%arg10 : memref<128x128xf32, #tpu.memory_space<vmem>>)
      } else {
      }
      %dma_start3A = arith.constant 0 : i32
      %dma_start3A_39 = tpu.memref_slice %arg8[%mul3A_36, %dma_start3A] : memref<42x128xi32, #tpu.memory_space<vmem>> -> memref<1x128xi32, #tpu.memory_space<vmem>>
      %dma_start3A_40 = tpu.memref_squeeze %dma_start3A_39 : memref<1x128xi32, #tpu.memory_space<vmem>> -> memref<128xi32, #tpu.memory_space<vmem>>
      %dma_start3A_41 = arith.constant 0 : i32
      %dma_start3A_42 = arith.constant 0 : i32
      %dma_start3A_43 = tpu.memref_slice %arg11[%dma_start3A_41, %dma_start3A_42] : memref<10240x128xf32, #tpu.memory_space<vmem_shared>> -> memref<10240x128xf32, #tpu.memory_space<vmem_shared>>
      tpu.enqueue_indirect_dma source(%arg9 : memref<128x128xf32, #tpu.memory_space<vmem>>) target(%dma_start3A_43 : memref<10240x128xf32, #tpu.memory_space<vmem_shared>>) offsets(%dma_start3A_40 : memref<128xi32, #tpu.memory_space<vmem>>) semaphore(%arg12 : memref<!tpu.dma_semaphore, #tpu.memory_space<semaphore_mem>>) {add = true}
      %add3A_44 = arith.constant 1 : i32
      %add3A_45 = arith.addi %mul3A_36, %add3A_44 : i32
      "tpu.region"() ({
        %run_scoped3A_58 = tpu.sem_alloc : memref<!tpu.dma_semaphore, #tpu.memory_space<semaphore_mem>>
        %dma_start3A_59 = arith.constant 0 : i32
        %dma_start3A_60 = tpu.memref_slice %arg7[%add3A_45, %dma_start3A_59] : memref<42x128xi32, #tpu.memory_space<vmem>> -> memref<1x128xi32, #tpu.memory_space<vmem>>
        %dma_start3A_61 = tpu.memref_squeeze %dma_start3A_60 : memref<1x128xi32, #tpu.memory_space<vmem>> -> memref<128xi32, #tpu.memory_space<vmem>>
        %dma_start3A_62 = arith.constant 0 : i32
        %dma_start3A_63 = arith.constant 0 : i32
        %dma_start3A_64 = tpu.memref_slice %arg2[%dma_start3A_62, %dma_start3A_63] : memref<10240x128xf32, #tpu.memory_space<hbm>> -> memref<10240x128xf32, #tpu.memory_space<hbm>>
        tpu.enqueue_indirect_dma source(%dma_start3A_64 : memref<10240x128xf32, #tpu.memory_space<hbm>>) target(%arg10 : memref<128x128xf32, #tpu.memory_space<vmem>>) offsets(%dma_start3A_61 : memref<128xi32, #tpu.memory_space<vmem>>) semaphore(%run_scoped3A_58 : memref<!tpu.dma_semaphore, #tpu.memory_space<semaphore_mem>>)
        %dma_wait3A_65 = arith.constant 0 : i32
        %dma_wait3A_66 = tpu.memref_slice %arg7[%add3A_45, %dma_wait3A_65] : memref<42x128xi32, #tpu.memory_space<vmem>> -> memref<1x128xi32, #tpu.memory_space<vmem>>
        %dma_wait3A_67 = tpu.memref_squeeze %dma_wait3A_66 : memref<1x128xi32, #tpu.memory_space<vmem>> -> memref<128xi32, #tpu.memory_space<vmem>>
        %dma_wait3A_68 = arith.constant 0 : i32
        %dma_wait3A_69 = arith.constant 0 : i32
        %dma_wait3A_70 = tpu.memref_slice %arg2[%dma_wait3A_68, %dma_wait3A_69] : memref<10240x128xf32, #tpu.memory_space<hbm>> -> memref<10240x128xf32, #tpu.memory_space<hbm>>
        tpu.wait_indirect_dma semaphore(%run_scoped3A_58 : memref<!tpu.dma_semaphore, #tpu.memory_space<semaphore_mem>>) src(%dma_wait3A_70 : memref<10240x128xf32, #tpu.memory_space<hbm>>) dst(%arg10 : memref<128x128xf32, #tpu.memory_space<vmem>>)
        tpu.yield
      }) : () -> ()
      %dma_wait3A_46 = arith.constant 0 : i32
      %dma_wait3A_47 = tpu.memref_slice %arg2[%while3A_4, %dma_wait3A_46] : memref<10240x128xf32, #tpu.memory_space<hbm>> -> memref<128x128xf32, #tpu.memory_space<hbm>>
      %dma_wait3A_48 = arith.constant 0 : i32
      %dma_wait3A_49 = tpu.memref_slice %arg2[%while3A_4, %dma_wait3A_48] : memref<10240x128xf32, #tpu.memory_space<hbm>> -> memref<128x128xf32, #tpu.memory_space<hbm>>
      tpu.wait_dma2 semaphore(%arg12 : memref<!tpu.dma_semaphore, #tpu.memory_space<semaphore_mem>>) src(%dma_wait3A_49 : memref<128x128xf32, #tpu.memory_space<hbm>>) dst(%arg9 : memref<128x128xf32, #tpu.memory_space<vmem>>)
      %add3A_50 = arith.constant 1 : i32
      %add3A_51 = arith.addi %mul3A_36, %add3A_50 : i32
      %dma_start3A_52 = arith.constant 0 : i32
      %dma_start3A_53 = tpu.memref_slice %arg8[%add3A_51, %dma_start3A_52] : memref<42x128xi32, #tpu.memory_space<vmem>> -> memref<1x128xi32, #tpu.memory_space<vmem>>
      %dma_start3A_54 = tpu.memref_squeeze %dma_start3A_53 : memref<1x128xi32, #tpu.memory_space<vmem>> -> memref<128xi32, #tpu.memory_space<vmem>>
      %dma_start3A_55 = arith.constant 0 : i32
      %dma_start3A_56 = arith.constant 0 : i32
      %dma_start3A_57 = tpu.memref_slice %arg11[%dma_start3A_55, %dma_start3A_56] : memref<10240x128xf32, #tpu.memory_space<vmem_shared>> -> memref<10240x128xf32, #tpu.memory_space<vmem_shared>>
      tpu.enqueue_indirect_dma source(%arg10 : memref<128x128xf32, #tpu.memory_space<vmem>>) target(%dma_start3A_57 : memref<10240x128xf32, #tpu.memory_space<vmem_shared>>) offsets(%dma_start3A_54 : memref<128xi32, #tpu.memory_space<vmem>>) semaphore(%arg13 : memref<!tpu.dma_semaphore, #tpu.memory_space<semaphore_mem>>) {add = true}
    }
    %while3A_14 = arith.constant 1 : i32
    scf.for %while3A_34 = %while3A_12 to %while3A_8 step %while3A_14  : i32 {
      %mul3A_35 = arith.constant 2 : i32
      %mul3A_36 = arith.muli %while3A_34, %mul3A_35 : i32
      "tpu.region"() ({
        %run_scoped3A_58 = tpu.sem_alloc : memref<!tpu.dma_semaphore, #tpu.memory_space<semaphore_mem>>
        %dma_start3A_59 = arith.constant 0 : i32
        %dma_start3A_60 = tpu.memref_slice %arg7[%mul3A_36, %dma_start3A_59] : memref<42x128xi32, #tpu.memory_space<vmem>> -> memref<1x128xi32, #tpu.memory_space<vmem>>
        %dma_start3A_61 = tpu.memref_squeeze %dma_start3A_60 : memref<1x128xi32, #tpu.memory_space<vmem>> -> memref<128xi32, #tpu.memory_space<vmem>>
        %dma_start3A_62 = arith.constant 0 : i32
        %dma_start3A_63 = arith.constant 0 : i32
        %dma_start3A_64 = tpu.memref_slice %arg2[%dma_start3A_62, %dma_start3A_63] : memref<10240x128xf32, #tpu.memory_space<hbm>> -> memref<10240x128xf32, #tpu.memory_space<hbm>>
        tpu.enqueue_indirect_dma source(%dma_start3A_64 : memref<10240x128xf32, #tpu.memory_space<hbm>>) target(%arg9 : memref<128x128xf32, #tpu.memory_space<vmem>>) offsets(%dma_start3A_61 : memref<128xi32, #tpu.memory_space<vmem>>) semaphore(%run_scoped3A_58 : memref<!tpu.dma_semaphore, #tpu.memory_space<semaphore_mem>>)
        %dma_wait3A_65 = arith.constant 0 : i32
        %dma_wait3A_66 = tpu.memref_slice %arg7[%mul3A_36, %dma_wait3A_65] : memref<42x128xi32, #tpu.memory_space<vmem>> -> memref<1x128xi32, #tpu.memory_space<vmem>>
        %dma_wait3A_67 = tpu.memref_squeeze %dma_wait3A_66 : memref<1x128xi32, #tpu.memory_space<vmem>> -> memref<128xi32, #tpu.memory_space<vmem>>
        %dma_wait3A_68 = arith.constant 0 : i32
        %dma_wait3A_69 = arith.constant 0 : i32
        %dma_wait3A_70 = tpu.memref_slice %arg2[%dma_wait3A_68, %dma_wait3A_69] : memref<10240x128xf32, #tpu.memory_space<hbm>> -> memref<10240x128xf32, #tpu.memory_space<hbm>>
        tpu.wait_indirect_dma semaphore(%run_scoped3A_58 : memref<!tpu.dma_semaphore, #tpu.memory_space<semaphore_mem>>) src(%dma_wait3A_70 : memref<10240x128xf32, #tpu.memory_space<hbm>>) dst(%arg9 : memref<128x128xf32, #tpu.memory_space<vmem>>)
        tpu.yield
      }) : () -> ()
      %gt3A = arith.constant 0 : i32
      %gt3A_37 = arith.cmpi sgt, %while3A_34, %gt3A : i32
      %convert_element_type3A = arith.extui %gt3A_37 : i1 to i32
      %cond3A = arith.constant 0 : i32
      %cond3A_38 = arith.cmpi ne, %convert_element_type3A, %cond3A : i32
      scf.if %cond3A_38 {
        %dma_wait3A_58 = arith.constant 0 : i32
        %dma_wait3A_59 = tpu.memref_slice %arg2[%while3A_4, %dma_wait3A_58] : memref<10240x128xf32, #tpu.memory_space<hbm>> -> memref<128x128xf32, #tpu.memory_space<hbm>>
        %dma_wait3A_60 = arith.constant 0 : i32
        %dma_wait3A_61 = tpu.memref_slice %arg2[%while3A_4, %dma_wait3A_60] : memref<10240x128xf32, #tpu.memory_space<hbm>> -> memref<128x128xf32, #tpu.memory_space<hbm>>
        tpu.wait_dma2 semaphore(%arg13 : memref<!tpu.dma_semaphore, #tpu.memory_space<semaphore_mem>>) src(%dma_wait3A_61 : memref<128x128xf32, #tpu.memory_space<hbm>>) dst(%arg10 : memref<128x128xf32, #tpu.memory_space<vmem>>)
      } else {
      }
      %dma_start3A = arith.constant 0 : i32
      %dma_start3A_39 = tpu.memref_slice %arg8[%mul3A_36, %dma_start3A] : memref<42x128xi32, #tpu.memory_space<vmem>> -> memref<1x128xi32, #tpu.memory_space<vmem>>
      %dma_start3A_40 = tpu.memref_squeeze %dma_start3A_39 : memref<1x128xi32, #tpu.memory_space<vmem>> -> memref<128xi32, #tpu.memory_space<vmem>>
      %dma_start3A_41 = arith.constant 0 : i32
      %dma_start3A_42 = arith.constant 0 : i32
      %dma_start3A_43 = tpu.memref_slice %arg11[%dma_start3A_41, %dma_start3A_42] : memref<10240x128xf32, #tpu.memory_space<vmem_shared>> -> memref<10240x128xf32, #tpu.memory_space<vmem_shared>>
      tpu.enqueue_indirect_dma source(%arg9 : memref<128x128xf32, #tpu.memory_space<vmem>>) target(%dma_start3A_43 : memref<10240x128xf32, #tpu.memory_space<vmem_shared>>) offsets(%dma_start3A_40 : memref<128xi32, #tpu.memory_space<vmem>>) semaphore(%arg12 : memref<!tpu.dma_semaphore, #tpu.memory_space<semaphore_mem>>) {add = true}
      %add3A_44 = arith.constant 1 : i32
      %add3A_45 = arith.addi %mul3A_36, %add3A_44 : i32
      "tpu.region"() ({
        %run_scoped3A_58 = tpu.sem_alloc : memref<!tpu.dma_semaphore, #tpu.memory_space<semaphore_mem>>
        %dma_start3A_59 = arith.constant 0 : i32
        %dma_start3A_60 = tpu.memref_slice %arg7[%add3A_45, %dma_start3A_59] : memref<42x128xi32, #tpu.memory_space<vmem>> -> memref<1x128xi32, #tpu.memory_space<vmem>>
        %dma_start3A_61 = tpu.memref_squeeze %dma_start3A_60 : memref<1x128xi32, #tpu.memory_space<vmem>> -> memref<128xi32, #tpu.memory_space<vmem>>
        %dma_start3A_62 = arith.constant 0 : i32
        %dma_start3A_63 = arith.constant 0 : i32
        %dma_start3A_64 = tpu.memref_slice %arg2[%dma_start3A_62, %dma_start3A_63] : memref<10240x128xf32, #tpu.memory_space<hbm>> -> memref<10240x128xf32, #tpu.memory_space<hbm>>
        tpu.enqueue_indirect_dma source(%dma_start3A_64 : memref<10240x128xf32, #tpu.memory_space<hbm>>) target(%arg10 : memref<128x128xf32, #tpu.memory_space<vmem>>) offsets(%dma_start3A_61 : memref<128xi32, #tpu.memory_space<vmem>>) semaphore(%run_scoped3A_58 : memref<!tpu.dma_semaphore, #tpu.memory_space<semaphore_mem>>)
        %dma_wait3A_65 = arith.constant 0 : i32
        %dma_wait3A_66 = tpu.memref_slice %arg7[%add3A_45, %dma_wait3A_65] : memref<42x128xi32, #tpu.memory_space<vmem>> -> memref<1x128xi32, #tpu.memory_space<vmem>>
        %dma_wait3A_67 = tpu.memref_squeeze %dma_wait3A_66 : memref<1x128xi32, #tpu.memory_space<vmem>> -> memref<128xi32, #tpu.memory_space<vmem>>
        %dma_wait3A_68 = arith.constant 0 : i32
        %dma_wait3A_69 = arith.constant 0 : i32
        %dma_wait3A_70 = tpu.memref_slice %arg2[%dma_wait3A_68, %dma_wait3A_69] : memref<10240x128xf32, #tpu.memory_space<hbm>> -> memref<10240x128xf32, #tpu.memory_space<hbm>>
        tpu.wait_indirect_dma semaphore(%run_scoped3A_58 : memref<!tpu.dma_semaphore, #tpu.memory_space<semaphore_mem>>) src(%dma_wait3A_70 : memref<10240x128xf32, #tpu.memory_space<hbm>>) dst(%arg10 : memref<128x128xf32, #tpu.memory_space<vmem>>)
        tpu.yield
      }) : () -> ()
      %dma_wait3A_46 = arith.constant 0 : i32
      %dma_wait3A_47 = tpu.memref_slice %arg2[%while3A_4, %dma_wait3A_46] : memref<10240x128xf32, #tpu.memory_space<hbm>> -> memref<128x128xf32, #tpu.memory_space<hbm>>
      %dma_wait3A_48 = arith.constant 0 : i32
      %dma_wait3A_49 = tpu.memref_slice %arg2[%while3A_4, %dma_wait3A_48] : memref<10240x128xf32, #tpu.memory_space<hbm>> -> memref<128x128xf32, #tpu.memory_space<hbm>>
      tpu.wait_dma2 semaphore(%arg12 : memref<!tpu.dma_semaphore, #tpu.memory_space<semaphore_mem>>) src(%dma_wait3A_49 : memref<128x128xf32, #tpu.memory_space<hbm>>) dst(%arg9 : memref<128x128xf32, #tpu.memory_space<vmem>>)
      %add3A_50 = arith.constant 1 : i32
      %add3A_51 = arith.addi %mul3A_36, %add3A_50 : i32
      %dma_start3A_52 = arith.constant 0 : i32
      %dma_start3A_53 = tpu.memref_slice %arg8[%add3A_51, %dma_start3A_52] : memref<42x128xi32, #tpu.memory_space<vmem>> -> memref<1x128xi32, #tpu.memory_space<vmem>>
      %dma_start3A_54 = tpu.memref_squeeze %dma_start3A_53 : memref<1x128xi32, #tpu.memory_space<vmem>> -> memref<128xi32, #tpu.memory_space<vmem>>
      %dma_start3A_55 = arith.constant 0 : i32
      %dma_start3A_56 = arith.constant 0 : i32
      %dma_start3A_57 = tpu.memref_slice %arg11[%dma_start3A_55, %dma_start3A_56] : memref<10240x128xf32, #tpu.memory_space<vmem_shared>> -> memref<10240x128xf32, #tpu.memory_space<vmem_shared>>
      tpu.enqueue_indirect_dma source(%arg10 : memref<128x128xf32, #tpu.memory_space<vmem>>) target(%dma_start3A_57 : memref<10240x128xf32, #tpu.memory_space<vmem_shared>>) offsets(%dma_start3A_54 : memref<128xi32, #tpu.memory_space<vmem>>) semaphore(%arg13 : memref<!tpu.dma_semaphore, #tpu.memory_space<semaphore_mem>>) {add = true}
    }
    %run_scoped3A_15 = arith.constant 1 : i32
    "tpu.region"() ({
      %run_scoped3A_34 = tpu.sem_alloc : memref<!tpu.dma_semaphore, #tpu.memory_space<semaphore_mem>>
      %dma_start3A = arith.constant 0 : i32
      %dma_start3A_35 = arith.constant 0 : i32
      %dma_start3A_36 = tpu.memref_slice %arg3[%add3A, %run_scoped3A_15, %dma_start3A, %dma_start3A_35] : memref<32x2x42x128xi32, #tpu.memory_space<hbm>> -> memref<1x1x42x128xi32, #tpu.memory_space<hbm>>
      %dma_start3A_37 = tpu.memref_squeeze %dma_start3A_36 : memref<1x1x42x128xi32, #tpu.memory_space<hbm>> -> memref<42x128xi32, #tpu.memory_space<hbm>>
      %dma_start3A_38 = arith.constant 0 : i32
      %dma_start3A_39 = arith.constant 0 : i32
      %dma_start3A_40 = tpu.memref_slice %arg3[%add3A, %run_scoped3A_15, %dma_start3A_38, %dma_start3A_39] : memref<32x2x42x128xi32, #tpu.memory_space<hbm>> -> memref<1x1x42x128xi32, #tpu.memory_space<hbm>>
      %dma_start3A_41 = tpu.memref_squeeze %dma_start3A_40 : memref<1x1x42x128xi32, #tpu.memory_space<hbm>> -> memref<42x128xi32, #tpu.memory_space<hbm>>
      tpu.enqueue_dma source(%dma_start3A_41 : memref<42x128xi32, #tpu.memory_space<hbm>>) target(%arg7 : memref<42x128xi32, #tpu.memory_space<vmem>>) target_semaphore(%run_scoped3A_34 : memref<!tpu.dma_semaphore, #tpu.memory_space<semaphore_mem>>)
      %dma_wait3A_42 = arith.constant 0 : i32
      %dma_wait3A_43 = arith.constant 0 : i32
      %dma_wait3A_44 = tpu.memref_slice %arg3[%add3A, %run_scoped3A_15, %dma_wait3A_42, %dma_wait3A_43] : memref<32x2x42x128xi32, #tpu.memory_space<hbm>> -> memref<1x1x42x128xi32, #tpu.memory_space<hbm>>
      %dma_wait3A_45 = tpu.memref_squeeze %dma_wait3A_44 : memref<1x1x42x128xi32, #tpu.memory_space<hbm>> -> memref<42x128xi32, #tpu.memory_space<hbm>>
      %dma_wait3A_46 = arith.constant 0 : i32
      %dma_wait3A_47 = arith.constant 0 : i32
      %dma_wait3A_48 = tpu.memref_slice %arg3[%add3A, %run_scoped3A_15, %dma_wait3A_46, %dma_wait3A_47] : memref<32x2x42x128xi32, #tpu.memory_space<hbm>> -> memref<1x1x42x128xi32, #tpu.memory_space<hbm>>
      %dma_wait3A_49 = tpu.memref_squeeze %dma_wait3A_48 : memref<1x1x42x128xi32, #tpu.memory_space<hbm>> -> memref<42x128xi32, #tpu.memory_space<hbm>>
      tpu.wait_dma2 semaphore(%run_scoped3A_34 : memref<!tpu.dma_semaphore, #tpu.memory_space<semaphore_mem>>) src(%dma_wait3A_49 : memref<42x128xi32, #tpu.memory_space<hbm>>) dst(%arg7 : memref<42x128xi32, #tpu.memory_space<vmem>>)
      tpu.yield
    }) : () -> ()
    %run_scoped3A_16 = arith.constant 1 : i32
    "tpu.region"() ({
      %run_scoped3A_34 = tpu.sem_alloc : memref<!tpu.dma_semaphore, #tpu.memory_space<semaphore_mem>>
      %dma_start3A = arith.constant 0 : i32
      %dma_start3A_35 = arith.constant 0 : i32
      %dma_start3A_36 = tpu.memref_slice %arg4[%add3A, %run_scoped3A_16, %dma_start3A, %dma_start3A_35] : memref<32x2x42x128xi32, #tpu.memory_space<hbm>> -> memref<1x1x42x128xi32, #tpu.memory_space<hbm>>
      %dma_start3A_37 = tpu.memref_squeeze %dma_start3A_36 : memref<1x1x42x128xi32, #tpu.memory_space<hbm>> -> memref<42x128xi32, #tpu.memory_space<hbm>>
      %dma_start3A_38 = arith.constant 0 : i32
      %dma_start3A_39 = arith.constant 0 : i32
      %dma_start3A_40 = tpu.memref_slice %arg4[%add3A, %run_scoped3A_16, %dma_start3A_38, %dma_start3A_39] : memref<32x2x42x128xi32, #tpu.memory_space<hbm>> -> memref<1x1x42x128xi32, #tpu.memory_space<hbm>>
      %dma_start3A_41 = tpu.memref_squeeze %dma_start3A_40 : memref<1x1x42x128xi32, #tpu.memory_space<hbm>> -> memref<42x128xi32, #tpu.memory_space<hbm>>
      tpu.enqueue_dma source(%dma_start3A_41 : memref<42x128xi32, #tpu.memory_space<hbm>>) target(%arg8 : memref<42x128xi32, #tpu.memory_space<vmem>>) target_semaphore(%run_scoped3A_34 : memref<!tpu.dma_semaphore, #tpu.memory_space<semaphore_mem>>)
      %dma_wait3A_42 = arith.constant 0 : i32
      %dma_wait3A_43 = arith.constant 0 : i32
      %dma_wait3A_44 = tpu.memref_slice %arg4[%add3A, %run_scoped3A_16, %dma_wait3A_42, %dma_wait3A_43] : memref<32x2x42x128xi32, #tpu.memory_space<hbm>> -> memref<1x1x42x128xi32, #tpu.memory_space<hbm>>
      %dma_wait3A_45 = tpu.memref_squeeze %dma_wait3A_44 : memref<1x1x42x128xi32, #tpu.memory_space<hbm>> -> memref<42x128xi32, #tpu.memory_space<hbm>>
      %dma_wait3A_46 = arith.constant 0 : i32
      %dma_wait3A_47 = arith.constant 0 : i32
      %dma_wait3A_48 = tpu.memref_slice %arg4[%add3A, %run_scoped3A_16, %dma_wait3A_46, %dma_wait3A_47] : memref<32x2x42x128xi32, #tpu.memory_space<hbm>> -> memref<1x1x42x128xi32, #tpu.memory_space<hbm>>
      %dma_wait3A_49 = tpu.memref_squeeze %dma_wait3A_48 : memref<1x1x42x128xi32, #tpu.memory_space<hbm>> -> memref<42x128xi32, #tpu.memory_space<hbm>>
      tpu.wait_dma2 semaphore(%run_scoped3A_34 : memref<!tpu.dma_semaphore, #tpu.memory_space<semaphore_mem>>) src(%dma_wait3A_49 : memref<42x128xi32, #tpu.memory_space<hbm>>) dst(%arg8 : memref<42x128xi32, #tpu.memory_space<vmem>>)
      tpu.yield
    }) : () -> ()
    %while3A_17 = arith.constant 0 : i32
    %while3A_18 = arith.constant 0 : i32
    %while3A_19 = arith.constant 0 : i32
    %while3A_20 = arith.constant 21 : i32
    %while3A_21 = arith.subi %while3A_20, %while3A_19 : i32
    %while3A_22 = arith.addi %while3A_19, %while3A_21 : i32
    %while3A_23 = arith.constant 1 : i32
    %while3A_24 = arith.divsi %while3A_21, %while3A_23 : i32
    %while3A_25 = arith.muli %while3A_24, %while3A_23 : i32
    %while3A_26 = arith.addi %while3A_19, %while3A_25 : i32
    %while3A_27 = arith.constant 1 : i32
    scf.for %while3A_34 = %while3A_19 to %while3A_26 step %while3A_27  : i32 {
      %mul3A_35 = arith.constant 2 : i32
      %mul3A_36 = arith.muli %while3A_34, %mul3A_35 : i32
      "tpu.region"() ({
        %run_scoped3A_60 = tpu.sem_alloc : memref<!tpu.dma_semaphore, #tpu.memory_space<semaphore_mem>>
        %dma_start3A_61 = arith.constant 0 : i32
        %dma_start3A_62 = tpu.memref_slice %arg7[%mul3A_36, %dma_start3A_61] : memref<42x128xi32, #tpu.memory_space<vmem>> -> memref<1x128xi32, #tpu.memory_space<vmem>>
        %dma_start3A_63 = tpu.memref_squeeze %dma_start3A_62 : memref<1x128xi32, #tpu.memory_space<vmem>> -> memref<128xi32, #tpu.memory_space<vmem>>
        %dma_start3A_64 = arith.constant 0 : i32
        %dma_start3A_65 = arith.constant 0 : i32
        %dma_start3A_66 = tpu.memref_slice %arg2[%dma_start3A_64, %dma_start3A_65] : memref<10240x128xf32, #tpu.memory_space<hbm>> -> memref<10240x128xf32, #tpu.memory_space<hbm>>
        tpu.enqueue_indirect_dma source(%dma_start3A_66 : memref<10240x128xf32, #tpu.memory_space<hbm>>) target(%arg9 : memref<128x128xf32, #tpu.memory_space<vmem>>) offsets(%dma_start3A_63 : memref<128xi32, #tpu.memory_space<vmem>>) semaphore(%run_scoped3A_60 : memref<!tpu.dma_semaphore, #tpu.memory_space<semaphore_mem>>)
        %dma_wait3A_67 = arith.constant 0 : i32
        %dma_wait3A_68 = tpu.memref_slice %arg7[%mul3A_36, %dma_wait3A_67] : memref<42x128xi32, #tpu.memory_space<vmem>> -> memref<1x128xi32, #tpu.memory_space<vmem>>
        %dma_wait3A_69 = tpu.memref_squeeze %dma_wait3A_68 : memref<1x128xi32, #tpu.memory_space<vmem>> -> memref<128xi32, #tpu.memory_space<vmem>>
        %dma_wait3A_70 = arith.constant 0 : i32
        %dma_wait3A_71 = arith.constant 0 : i32
        %dma_wait3A_72 = tpu.memref_slice %arg2[%dma_wait3A_70, %dma_wait3A_71] : memref<10240x128xf32, #tpu.memory_space<hbm>> -> memref<10240x128xf32, #tpu.memory_space<hbm>>
        tpu.wait_indirect_dma semaphore(%run_scoped3A_60 : memref<!tpu.dma_semaphore, #tpu.memory_space<semaphore_mem>>) src(%dma_wait3A_72 : memref<10240x128xf32, #tpu.memory_space<hbm>>) dst(%arg9 : memref<128x128xf32, #tpu.memory_space<vmem>>)
        tpu.yield
      }) : () -> ()
      %dma_wait3A_37 = arith.constant 0 : i32
      %dma_wait3A_38 = tpu.memref_slice %arg2[%while3A_18, %dma_wait3A_37] : memref<10240x128xf32, #tpu.memory_space<hbm>> -> memref<128x128xf32, #tpu.memory_space<hbm>>
      %dma_wait3A_39 = arith.constant 0 : i32
      %dma_wait3A_40 = tpu.memref_slice %arg2[%while3A_18, %dma_wait3A_39] : memref<10240x128xf32, #tpu.memory_space<hbm>> -> memref<128x128xf32, #tpu.memory_space<hbm>>
      tpu.wait_dma2 semaphore(%arg13 : memref<!tpu.dma_semaphore, #tpu.memory_space<semaphore_mem>>) src(%dma_wait3A_40 : memref<128x128xf32, #tpu.memory_space<hbm>>) dst(%arg10 : memref<128x128xf32, #tpu.memory_space<vmem>>)
      %dma_start3A = arith.constant 0 : i32
      %dma_start3A_41 = tpu.memref_slice %arg8[%mul3A_36, %dma_start3A] : memref<42x128xi32, #tpu.memory_space<vmem>> -> memref<1x128xi32, #tpu.memory_space<vmem>>
      %dma_start3A_42 = tpu.memref_squeeze %dma_start3A_41 : memref<1x128xi32, #tpu.memory_space<vmem>> -> memref<128xi32, #tpu.memory_space<vmem>>
      %dma_start3A_43 = arith.constant 0 : i32
      %dma_start3A_44 = arith.constant 0 : i32
      %dma_start3A_45 = tpu.memref_slice %arg11[%dma_start3A_43, %dma_start3A_44] : memref<10240x128xf32, #tpu.memory_space<vmem_shared>> -> memref<10240x128xf32, #tpu.memory_space<vmem_shared>>
      tpu.enqueue_indirect_dma source(%arg9 : memref<128x128xf32, #tpu.memory_space<vmem>>) target(%dma_start3A_45 : memref<10240x128xf32, #tpu.memory_space<vmem_shared>>) offsets(%dma_start3A_42 : memref<128xi32, #tpu.memory_space<vmem>>) semaphore(%arg12 : memref<!tpu.dma_semaphore, #tpu.memory_space<semaphore_mem>>) {add = true}
      %add3A_46 = arith.constant 1 : i32
      %add3A_47 = arith.addi %mul3A_36, %add3A_46 : i32
      "tpu.region"() ({
        %run_scoped3A_60 = tpu.sem_alloc : memref<!tpu.dma_semaphore, #tpu.memory_space<semaphore_mem>>
        %dma_start3A_61 = arith.constant 0 : i32
        %dma_start3A_62 = tpu.memref_slice %arg7[%add3A_47, %dma_start3A_61] : memref<42x128xi32, #tpu.memory_space<vmem>> -> memref<1x128xi32, #tpu.memory_space<vmem>>
        %dma_start3A_63 = tpu.memref_squeeze %dma_start3A_62 : memref<1x128xi32, #tpu.memory_space<vmem>> -> memref<128xi32, #tpu.memory_space<vmem>>
        %dma_start3A_64 = arith.constant 0 : i32
        %dma_start3A_65 = arith.constant 0 : i32
        %dma_start3A_66 = tpu.memref_slice %arg2[%dma_start3A_64, %dma_start3A_65] : memref<10240x128xf32, #tpu.memory_space<hbm>> -> memref<10240x128xf32, #tpu.memory_space<hbm>>
        tpu.enqueue_indirect_dma source(%dma_start3A_66 : memref<10240x128xf32, #tpu.memory_space<hbm>>) target(%arg10 : memref<128x128xf32, #tpu.memory_space<vmem>>) offsets(%dma_start3A_63 : memref<128xi32, #tpu.memory_space<vmem>>) semaphore(%run_scoped3A_60 : memref<!tpu.dma_semaphore, #tpu.memory_space<semaphore_mem>>)
        %dma_wait3A_67 = arith.constant 0 : i32
        %dma_wait3A_68 = tpu.memref_slice %arg7[%add3A_47, %dma_wait3A_67] : memref<42x128xi32, #tpu.memory_space<vmem>> -> memref<1x128xi32, #tpu.memory_space<vmem>>
        %dma_wait3A_69 = tpu.memref_squeeze %dma_wait3A_68 : memref<1x128xi32, #tpu.memory_space<vmem>> -> memref<128xi32, #tpu.memory_space<vmem>>
        %dma_wait3A_70 = arith.constant 0 : i32
        %dma_wait3A_71 = arith.constant 0 : i32
        %dma_wait3A_72 = tpu.memref_slice %arg2[%dma_wait3A_70, %dma_wait3A_71] : memref<10240x128xf32, #tpu.memory_space<hbm>> -> memref<10240x128xf32, #tpu.memory_space<hbm>>
        tpu.wait_indirect_dma semaphore(%run_scoped3A_60 : memref<!tpu.dma_semaphore, #tpu.memory_space<semaphore_mem>>) src(%dma_wait3A_72 : memref<10240x128xf32, #tpu.memory_space<hbm>>) dst(%arg10 : memref<128x128xf32, #tpu.memory_space<vmem>>)
        tpu.yield
      }) : () -> ()
      %dma_wait3A_48 = arith.constant 0 : i32
      %dma_wait3A_49 = tpu.memref_slice %arg2[%while3A_18, %dma_wait3A_48] : memref<10240x128xf32, #tpu.memory_space<hbm>> -> memref<128x128xf32, #tpu.memory_space<hbm>>
      %dma_wait3A_50 = arith.constant 0 : i32
      %dma_wait3A_51 = tpu.memref_slice %arg2[%while3A_18, %dma_wait3A_50] : memref<10240x128xf32, #tpu.memory_space<hbm>> -> memref<128x128xf32, #tpu.memory_space<hbm>>
      tpu.wait_dma2 semaphore(%arg12 : memref<!tpu.dma_semaphore, #tpu.memory_space<semaphore_mem>>) src(%dma_wait3A_51 : memref<128x128xf32, #tpu.memory_space<hbm>>) dst(%arg9 : memref<128x128xf32, #tpu.memory_space<vmem>>)
      %add3A_52 = arith.constant 1 : i32
      %add3A_53 = arith.addi %mul3A_36, %add3A_52 : i32
      %dma_start3A_54 = arith.constant 0 : i32
      %dma_start3A_55 = tpu.memref_slice %arg8[%add3A_53, %dma_start3A_54] : memref<42x128xi32, #tpu.memory_space<vmem>> -> memref<1x128xi32, #tpu.memory_space<vmem>>
      %dma_start3A_56 = tpu.memref_squeeze %dma_start3A_55 : memref<1x128xi32, #tpu.memory_space<vmem>> -> memref<128xi32, #tpu.memory_space<vmem>>
      %dma_start3A_57 = arith.constant 0 : i32
      %dma_start3A_58 = arith.constant 0 : i32
      %dma_start3A_59 = tpu.memref_slice %arg11[%dma_start3A_57, %dma_start3A_58] : memref<10240x128xf32, #tpu.memory_space<vmem_shared>> -> memref<10240x128xf32, #tpu.memory_space<vmem_shared>>
      tpu.enqueue_indirect_dma source(%arg10 : memref<128x128xf32, #tpu.memory_space<vmem>>) target(%dma_start3A_59 : memref<10240x128xf32, #tpu.memory_space<vmem_shared>>) offsets(%dma_start3A_56 : memref<128xi32, #tpu.memory_space<vmem>>) semaphore(%arg13 : memref<!tpu.dma_semaphore, #tpu.memory_space<semaphore_mem>>) {add = true}
    }
    %while3A_28 = arith.constant 1 : i32
    scf.for %while3A_34 = %while3A_26 to %while3A_22 step %while3A_28  : i32 {
      %mul3A_35 = arith.constant 2 : i32
      %mul3A_36 = arith.muli %while3A_34, %mul3A_35 : i32
      "tpu.region"() ({
        %run_scoped3A_60 = tpu.sem_alloc : memref<!tpu.dma_semaphore, #tpu.memory_space<semaphore_mem>>
        %dma_start3A_61 = arith.constant 0 : i32
        %dma_start3A_62 = tpu.memref_slice %arg7[%mul3A_36, %dma_start3A_61] : memref<42x128xi32, #tpu.memory_space<vmem>> -> memref<1x128xi32, #tpu.memory_space<vmem>>
        %dma_start3A_63 = tpu.memref_squeeze %dma_start3A_62 : memref<1x128xi32, #tpu.memory_space<vmem>> -> memref<128xi32, #tpu.memory_space<vmem>>
        %dma_start3A_64 = arith.constant 0 : i32
        %dma_start3A_65 = arith.constant 0 : i32
        %dma_start3A_66 = tpu.memref_slice %arg2[%dma_start3A_64, %dma_start3A_65] : memref<10240x128xf32, #tpu.memory_space<hbm>> -> memref<10240x128xf32, #tpu.memory_space<hbm>>
        tpu.enqueue_indirect_dma source(%dma_start3A_66 : memref<10240x128xf32, #tpu.memory_space<hbm>>) target(%arg9 : memref<128x128xf32, #tpu.memory_space<vmem>>) offsets(%dma_start3A_63 : memref<128xi32, #tpu.memory_space<vmem>>) semaphore(%run_scoped3A_60 : memref<!tpu.dma_semaphore, #tpu.memory_space<semaphore_mem>>)
        %dma_wait3A_67 = arith.constant 0 : i32
        %dma_wait3A_68 = tpu.memref_slice %arg7[%mul3A_36, %dma_wait3A_67] : memref<42x128xi32, #tpu.memory_space<vmem>> -> memref<1x128xi32, #tpu.memory_space<vmem>>
        %dma_wait3A_69 = tpu.memref_squeeze %dma_wait3A_68 : memref<1x128xi32, #tpu.memory_space<vmem>> -> memref<128xi32, #tpu.memory_space<vmem>>
        %dma_wait3A_70 = arith.constant 0 : i32
        %dma_wait3A_71 = arith.constant 0 : i32
        %dma_wait3A_72 = tpu.memref_slice %arg2[%dma_wait3A_70, %dma_wait3A_71] : memref<10240x128xf32, #tpu.memory_space<hbm>> -> memref<10240x128xf32, #tpu.memory_space<hbm>>
        tpu.wait_indirect_dma semaphore(%run_scoped3A_60 : memref<!tpu.dma_semaphore, #tpu.memory_space<semaphore_mem>>) src(%dma_wait3A_72 : memref<10240x128xf32, #tpu.memory_space<hbm>>) dst(%arg9 : memref<128x128xf32, #tpu.memory_space<vmem>>)
        tpu.yield
      }) : () -> ()
      %dma_wait3A_37 = arith.constant 0 : i32
      %dma_wait3A_38 = tpu.memref_slice %arg2[%while3A_18, %dma_wait3A_37] : memref<10240x128xf32, #tpu.memory_space<hbm>> -> memref<128x128xf32, #tpu.memory_space<hbm>>
      %dma_wait3A_39 = arith.constant 0 : i32
      %dma_wait3A_40 = tpu.memref_slice %arg2[%while3A_18, %dma_wait3A_39] : memref<10240x128xf32, #tpu.memory_space<hbm>> -> memref<128x128xf32, #tpu.memory_space<hbm>>
      tpu.wait_dma2 semaphore(%arg13 : memref<!tpu.dma_semaphore, #tpu.memory_space<semaphore_mem>>) src(%dma_wait3A_40 : memref<128x128xf32, #tpu.memory_space<hbm>>) dst(%arg10 : memref<128x128xf32, #tpu.memory_space<vmem>>)
      %dma_start3A = arith.constant 0 : i32
      %dma_start3A_41 = tpu.memref_slice %arg8[%mul3A_36, %dma_start3A] : memref<42x128xi32, #tpu.memory_space<vmem>> -> memref<1x128xi32, #tpu.memory_space<vmem>>
      %dma_start3A_42 = tpu.memref_squeeze %dma_start3A_41 : memref<1x128xi32, #tpu.memory_space<vmem>> -> memref<128xi32, #tpu.memory_space<vmem>>
      %dma_start3A_43 = arith.constant 0 : i32
      %dma_start3A_44 = arith.constant 0 : i32
      %dma_start3A_45 = tpu.memref_slice %arg11[%dma_start3A_43, %dma_start3A_44] : memref<10240x128xf32, #tpu.memory_space<vmem_shared>> -> memref<10240x128xf32, #tpu.memory_space<vmem_shared>>
      tpu.enqueue_indirect_dma source(%arg9 : memref<128x128xf32, #tpu.memory_space<vmem>>) target(%dma_start3A_45 : memref<10240x128xf32, #tpu.memory_space<vmem_shared>>) offsets(%dma_start3A_42 : memref<128xi32, #tpu.memory_space<vmem>>) semaphore(%arg12 : memref<!tpu.dma_semaphore, #tpu.memory_space<semaphore_mem>>) {add = true}
      %add3A_46 = arith.constant 1 : i32
      %add3A_47 = arith.addi %mul3A_36, %add3A_46 : i32
      "tpu.region"() ({
        %run_scoped3A_60 = tpu.sem_alloc : memref<!tpu.dma_semaphore, #tpu.memory_space<semaphore_mem>>
        %dma_start3A_61 = arith.constant 0 : i32
        %dma_start3A_62 = tpu.memref_slice %arg7[%add3A_47, %dma_start3A_61] : memref<42x128xi32, #tpu.memory_space<vmem>> -> memref<1x128xi32, #tpu.memory_space<vmem>>
        %dma_start3A_63 = tpu.memref_squeeze %dma_start3A_62 : memref<1x128xi32, #tpu.memory_space<vmem>> -> memref<128xi32, #tpu.memory_space<vmem>>
        %dma_start3A_64 = arith.constant 0 : i32
        %dma_start3A_65 = arith.constant 0 : i32
        %dma_start3A_66 = tpu.memref_slice %arg2[%dma_start3A_64, %dma_start3A_65] : memref<10240x128xf32, #tpu.memory_space<hbm>> -> memref<10240x128xf32, #tpu.memory_space<hbm>>
        tpu.enqueue_indirect_dma source(%dma_start3A_66 : memref<10240x128xf32, #tpu.memory_space<hbm>>) target(%arg10 : memref<128x128xf32, #tpu.memory_space<vmem>>) offsets(%dma_start3A_63 : memref<128xi32, #tpu.memory_space<vmem>>) semaphore(%run_scoped3A_60 : memref<!tpu.dma_semaphore, #tpu.memory_space<semaphore_mem>>)
        %dma_wait3A_67 = arith.constant 0 : i32
        %dma_wait3A_68 = tpu.memref_slice %arg7[%add3A_47, %dma_wait3A_67] : memref<42x128xi32, #tpu.memory_space<vmem>> -> memref<1x128xi32, #tpu.memory_space<vmem>>
        %dma_wait3A_69 = tpu.memref_squeeze %dma_wait3A_68 : memref<1x128xi32, #tpu.memory_space<vmem>> -> memref<128xi32, #tpu.memory_space<vmem>>
        %dma_wait3A_70 = arith.constant 0 : i32
        %dma_wait3A_71 = arith.constant 0 : i32
        %dma_wait3A_72 = tpu.memref_slice %arg2[%dma_wait3A_70, %dma_wait3A_71] : memref<10240x128xf32, #tpu.memory_space<hbm>> -> memref<10240x128xf32, #tpu.memory_space<hbm>>
        tpu.wait_indirect_dma semaphore(%run_scoped3A_60 : memref<!tpu.dma_semaphore, #tpu.memory_space<semaphore_mem>>) src(%dma_wait3A_72 : memref<10240x128xf32, #tpu.memory_space<hbm>>) dst(%arg10 : memref<128x128xf32, #tpu.memory_space<vmem>>)
        tpu.yield
      }) : () -> ()
      %dma_wait3A_48 = arith.constant 0 : i32
      %dma_wait3A_49 = tpu.memref_slice %arg2[%while3A_18, %dma_wait3A_48] : memref<10240x128xf32, #tpu.memory_space<hbm>> -> memref<128x128xf32, #tpu.memory_space<hbm>>
      %dma_wait3A_50 = arith.constant 0 : i32
      %dma_wait3A_51 = tpu.memref_slice %arg2[%while3A_18, %dma_wait3A_50] : memref<10240x128xf32, #tpu.memory_space<hbm>> -> memref<128x128xf32, #tpu.memory_space<hbm>>
      tpu.wait_dma2 semaphore(%arg12 : memref<!tpu.dma_semaphore, #tpu.memory_space<semaphore_mem>>) src(%dma_wait3A_51 : memref<128x128xf32, #tpu.memory_space<hbm>>) dst(%arg9 : memref<128x128xf32, #tpu.memory_space<vmem>>)
      %add3A_52 = arith.constant 1 : i32
      %add3A_53 = arith.addi %mul3A_36, %add3A_52 : i32
      %dma_start3A_54 = arith.constant 0 : i32
      %dma_start3A_55 = tpu.memref_slice %arg8[%add3A_53, %dma_start3A_54] : memref<42x128xi32, #tpu.memory_space<vmem>> -> memref<1x128xi32, #tpu.memory_space<vmem>>
      %dma_start3A_56 = tpu.memref_squeeze %dma_start3A_55 : memref<1x128xi32, #tpu.memory_space<vmem>> -> memref<128xi32, #tpu.memory_space<vmem>>
      %dma_start3A_57 = arith.constant 0 : i32
      %dma_start3A_58 = arith.constant 0 : i32
      %dma_start3A_59 = tpu.memref_slice %arg11[%dma_start3A_57, %dma_start3A_58] : memref<10240x128xf32, #tpu.memory_space<vmem_shared>> -> memref<10240x128xf32, #tpu.memory_space<vmem_shared>>
      tpu.enqueue_indirect_dma source(%arg10 : memref<128x128xf32, #tpu.memory_space<vmem>>) target(%dma_start3A_59 : memref<10240x128xf32, #tpu.memory_space<vmem_shared>>) offsets(%dma_start3A_56 : memref<128xi32, #tpu.memory_space<vmem>>) semaphore(%arg13 : memref<!tpu.dma_semaphore, #tpu.memory_space<semaphore_mem>>) {add = true}
    }
    %dma_wait3A = arith.constant 0 : i32
    %dma_wait3A_29 = arith.constant 0 : i32
    %dma_wait3A_30 = tpu.memref_slice %arg2[%dma_wait3A, %dma_wait3A_29] : memref<10240x128xf32, #tpu.memory_space<hbm>> -> memref<128x128xf32, #tpu.memory_space<hbm>>
    %dma_wait3A_31 = arith.constant 0 : i32
    %dma_wait3A_32 = tpu.memref_slice %arg2[%dma_wait3A, %dma_wait3A_31] : memref<10240x128xf32, #tpu.memory_space<hbm>> -> memref<128x128xf32, #tpu.memory_space<hbm>>
    tpu.wait_dma2 semaphore(%arg13 : memref<!tpu.dma_semaphore, #tpu.memory_space<semaphore_mem>>) src(%dma_wait3A_32 : memref<128x128xf32, #tpu.memory_space<hbm>>) dst(%arg10 : memref<128x128xf32, #tpu.memory_space<vmem>>)
    %barrier3A_33 = arith.constant 0 : index
    tpu.barrier barrier_id(%barrier3A_33)
    "tpu.region"() ({
      %run_scoped3A_34 = tpu.sem_alloc : memref<!tpu.dma_semaphore, #tpu.memory_space<semaphore_mem>>
      %dma_start3A = arith.constant 0 : i32
      %dma_start3A_35 = tpu.memref_slice %arg6[%arg0, %mul3A_2, %dma_start3A] : memref<2x10240x128xf32, #tpu.memory_space<hbm>> -> memref<1x640x128xf32, #tpu.memory_space<hbm>>
      %dma_start3A_36 = tpu.memref_squeeze %dma_start3A_35 : memref<1x640x128xf32, #tpu.memory_space<hbm>> -> memref<640x128xf32, #tpu.memory_space<hbm>>
      %dma_start3A_37 = arith.constant 0 : i32
      %dma_start3A_38 = tpu.memref_slice %arg11[%mul3A_2, %dma_start3A_37] : memref<10240x128xf32, #tpu.memory_space<vmem_shared>> -> memref<640x128xf32, #tpu.memory_space<vmem_shared>>
      tpu.enqueue_dma source(%dma_start3A_38 : memref<640x128xf32, #tpu.memory_space<vmem_shared>>) target(%dma_start3A_36 : memref<640x128xf32, #tpu.memory_space<hbm>>) target_semaphore(%run_scoped3A_34 : memref<!tpu.dma_semaphore, #tpu.memory_space<semaphore_mem>>)
      %dma_wait3A_39 = arith.constant 0 : i32
      %dma_wait3A_40 = tpu.memref_slice %arg6[%arg0, %mul3A_2, %dma_wait3A_39] : memref<2x10240x128xf32, #tpu.memory_space<hbm>> -> memref<1x640x128xf32, #tpu.memory_space<hbm>>
      %dma_wait3A_41 = tpu.memref_squeeze %dma_wait3A_40 : memref<1x640x128xf32, #tpu.memory_space<hbm>> -> memref<640x128xf32, #tpu.memory_space<hbm>>
      %dma_wait3A_42 = arith.constant 0 : i32
      %dma_wait3A_43 = tpu.memref_slice %arg11[%mul3A_2, %dma_wait3A_42] : memref<10240x128xf32, #tpu.memory_space<vmem_shared>> -> memref<640x128xf32, #tpu.memory_space<vmem_shared>>
      tpu.wait_dma2 semaphore(%run_scoped3A_34 : memref<!tpu.dma_semaphore, #tpu.memory_space<semaphore_mem>>) src(%dma_wait3A_43 : memref<640x128xf32, #tpu.memory_space<vmem_shared>>) dst(%dma_wait3A_41 : memref<640x128xf32, #tpu.memory_space<hbm>>)
      tpu.yield
    }) : () -> ()
    return
  }
}

#map = affine_map<(d0, d1) -> (0, 0)>
#map1 = affine_map<(d0, d1) -> (0, 0, 0)>
module attributes {stable_mosaic.version = 14 : i64} {
  func.func @deg_kernel(%arg0: i32, %arg1: i32, %arg2: memref<32x10752xi32, #tpu.memory_space<hbm>>, %arg3: memref<32x10752xi32, #tpu.memory_space<hbm>>, %arg4: memref<80x128xf32, #tpu.memory_space<hbm>>, %arg5: memref<1x80xi32, #tpu.memory_space<hbm>>, %arg6: memref<2x80x128xf32, #tpu.memory_space<hbm>>, %arg7: memref<2x80x128xf32, #tpu.memory_space<hbm>>, %arg8: memref<10752xi32, #tpu.memory_space<vmem>>, %arg9: memref<10752xi32, #tpu.memory_space<vmem>>, %arg10: memref<80x128xf32, #tpu.memory_space<vmem>>, %arg11: memref<80x128xf32, #tpu.memory_space<vmem>>, %arg12: memref<1x80xi32, #tpu.memory_space<vmem>>, %arg13: memref<80x128xf32, #tpu.memory_space<vmem_shared>>, %arg14: memref<80x128xf32, #tpu.memory_space<vmem_shared>>) attributes {dimension_semantics = [#tpu.dimension_semantics<core_parallel>, #tpu.dimension_semantics<subcore_parallel>], iteration_bounds = array<i64: 2, 16>, scalar_prefetch = 0 : i64, scratch_operands = 7 : i64, tpu.core_type = #tpu.core_type<sc_vector_subcore>, window_params = [{transform_indices = #map}, {transform_indices = #map}, {transform_indices = #map}, {transform_indices = #map}, {transform_indices = #map1}, {transform_indices = #map1}]} {
    %mul3A = arith.constant 2 : i32
    %mul3A_0 = arith.muli %arg1, %mul3A : i32
    %add3A = arith.addi %mul3A_0, %arg0 : i32
    "tpu.region"() ({
      %run_scoped3A_21 = tpu.sem_alloc : memref<!tpu.dma_semaphore, #tpu.memory_space<semaphore_mem>>
      tpu.enqueue_dma source(%arg4 : memref<80x128xf32, #tpu.memory_space<hbm>>) target(%arg10 : memref<80x128xf32, #tpu.memory_space<vmem>>) target_semaphore(%run_scoped3A_21 : memref<!tpu.dma_semaphore, #tpu.memory_space<semaphore_mem>>)
      tpu.wait_dma2 semaphore(%run_scoped3A_21 : memref<!tpu.dma_semaphore, #tpu.memory_space<semaphore_mem>>) src(%arg4 : memref<80x128xf32, #tpu.memory_space<hbm>>) dst(%arg10 : memref<80x128xf32, #tpu.memory_space<vmem>>)
      tpu.yield
    }) : () -> ()
    "tpu.region"() ({
      %run_scoped3A_21 = tpu.sem_alloc : memref<!tpu.dma_semaphore, #tpu.memory_space<semaphore_mem>>
      tpu.enqueue_dma source(%arg4 : memref<80x128xf32, #tpu.memory_space<hbm>>) target(%arg11 : memref<80x128xf32, #tpu.memory_space<vmem>>) target_semaphore(%run_scoped3A_21 : memref<!tpu.dma_semaphore, #tpu.memory_space<semaphore_mem>>)
      tpu.wait_dma2 semaphore(%run_scoped3A_21 : memref<!tpu.dma_semaphore, #tpu.memory_space<semaphore_mem>>) src(%arg4 : memref<80x128xf32, #tpu.memory_space<hbm>>) dst(%arg11 : memref<80x128xf32, #tpu.memory_space<vmem>>)
      tpu.yield
    }) : () -> ()
    "tpu.region"() ({
      %run_scoped3A_21 = tpu.sem_alloc : memref<!tpu.dma_semaphore, #tpu.memory_space<semaphore_mem>>
      tpu.enqueue_dma source(%arg5 : memref<1x80xi32, #tpu.memory_space<hbm>>) target(%arg12 : memref<1x80xi32, #tpu.memory_space<vmem>>) target_semaphore(%run_scoped3A_21 : memref<!tpu.dma_semaphore, #tpu.memory_space<semaphore_mem>>)
      tpu.wait_dma2 semaphore(%run_scoped3A_21 : memref<!tpu.dma_semaphore, #tpu.memory_space<semaphore_mem>>) src(%arg5 : memref<1x80xi32, #tpu.memory_space<hbm>>) dst(%arg12 : memref<1x80xi32, #tpu.memory_space<vmem>>)
      tpu.yield
    }) : () -> ()
    "tpu.region"() ({
      %run_scoped3A_21 = tpu.sem_alloc : memref<!tpu.dma_semaphore, #tpu.memory_space<semaphore_mem>>
      %dma_start3A = arith.constant 0 : i32
      %dma_start3A_22 = tpu.memref_slice %arg2[%add3A, %dma_start3A] : memref<32x10752xi32, #tpu.memory_space<hbm>> -> memref<1x10752xi32, #tpu.memory_space<hbm>>
      %dma_start3A_23 = tpu.memref_squeeze %dma_start3A_22 : memref<1x10752xi32, #tpu.memory_space<hbm>> -> memref<10752xi32, #tpu.memory_space<hbm>>
      %dma_start3A_24 = arith.constant 0 : i32
      %dma_start3A_25 = tpu.memref_slice %arg2[%add3A, %dma_start3A_24] : memref<32x10752xi32, #tpu.memory_space<hbm>> -> memref<1x10752xi32, #tpu.memory_space<hbm>>
      %dma_start3A_26 = tpu.memref_squeeze %dma_start3A_25 : memref<1x10752xi32, #tpu.memory_space<hbm>> -> memref<10752xi32, #tpu.memory_space<hbm>>
      tpu.enqueue_dma source(%dma_start3A_26 : memref<10752xi32, #tpu.memory_space<hbm>>) target(%arg8 : memref<10752xi32, #tpu.memory_space<vmem>>) target_semaphore(%run_scoped3A_21 : memref<!tpu.dma_semaphore, #tpu.memory_space<semaphore_mem>>)
      %dma_wait3A = arith.constant 0 : i32
      %dma_wait3A_27 = tpu.memref_slice %arg2[%add3A, %dma_wait3A] : memref<32x10752xi32, #tpu.memory_space<hbm>> -> memref<1x10752xi32, #tpu.memory_space<hbm>>
      %dma_wait3A_28 = tpu.memref_squeeze %dma_wait3A_27 : memref<1x10752xi32, #tpu.memory_space<hbm>> -> memref<10752xi32, #tpu.memory_space<hbm>>
      %dma_wait3A_29 = arith.constant 0 : i32
      %dma_wait3A_30 = tpu.memref_slice %arg2[%add3A, %dma_wait3A_29] : memref<32x10752xi32, #tpu.memory_space<hbm>> -> memref<1x10752xi32, #tpu.memory_space<hbm>>
      %dma_wait3A_31 = tpu.memref_squeeze %dma_wait3A_30 : memref<1x10752xi32, #tpu.memory_space<hbm>> -> memref<10752xi32, #tpu.memory_space<hbm>>
      tpu.wait_dma2 semaphore(%run_scoped3A_21 : memref<!tpu.dma_semaphore, #tpu.memory_space<semaphore_mem>>) src(%dma_wait3A_31 : memref<10752xi32, #tpu.memory_space<hbm>>) dst(%arg8 : memref<10752xi32, #tpu.memory_space<vmem>>)
      tpu.yield
    }) : () -> ()
    "tpu.region"() ({
      %run_scoped3A_21 = tpu.sem_alloc : memref<!tpu.dma_semaphore, #tpu.memory_space<semaphore_mem>>
      %dma_start3A = arith.constant 0 : i32
      %dma_start3A_22 = tpu.memref_slice %arg3[%add3A, %dma_start3A] : memref<32x10752xi32, #tpu.memory_space<hbm>> -> memref<1x10752xi32, #tpu.memory_space<hbm>>
      %dma_start3A_23 = tpu.memref_squeeze %dma_start3A_22 : memref<1x10752xi32, #tpu.memory_space<hbm>> -> memref<10752xi32, #tpu.memory_space<hbm>>
      %dma_start3A_24 = arith.constant 0 : i32
      %dma_start3A_25 = tpu.memref_slice %arg3[%add3A, %dma_start3A_24] : memref<32x10752xi32, #tpu.memory_space<hbm>> -> memref<1x10752xi32, #tpu.memory_space<hbm>>
      %dma_start3A_26 = tpu.memref_squeeze %dma_start3A_25 : memref<1x10752xi32, #tpu.memory_space<hbm>> -> memref<10752xi32, #tpu.memory_space<hbm>>
      tpu.enqueue_dma source(%dma_start3A_26 : memref<10752xi32, #tpu.memory_space<hbm>>) target(%arg9 : memref<10752xi32, #tpu.memory_space<vmem>>) target_semaphore(%run_scoped3A_21 : memref<!tpu.dma_semaphore, #tpu.memory_space<semaphore_mem>>)
      %dma_wait3A = arith.constant 0 : i32
      %dma_wait3A_27 = tpu.memref_slice %arg3[%add3A, %dma_wait3A] : memref<32x10752xi32, #tpu.memory_space<hbm>> -> memref<1x10752xi32, #tpu.memory_space<hbm>>
      %dma_wait3A_28 = tpu.memref_squeeze %dma_wait3A_27 : memref<1x10752xi32, #tpu.memory_space<hbm>> -> memref<10752xi32, #tpu.memory_space<hbm>>
      %dma_wait3A_29 = arith.constant 0 : i32
      %dma_wait3A_30 = tpu.memref_slice %arg3[%add3A, %dma_wait3A_29] : memref<32x10752xi32, #tpu.memory_space<hbm>> -> memref<1x10752xi32, #tpu.memory_space<hbm>>
      %dma_wait3A_31 = tpu.memref_squeeze %dma_wait3A_30 : memref<1x10752xi32, #tpu.memory_space<hbm>> -> memref<10752xi32, #tpu.memory_space<hbm>>
      tpu.wait_dma2 semaphore(%run_scoped3A_21 : memref<!tpu.dma_semaphore, #tpu.memory_space<semaphore_mem>>) src(%dma_wait3A_31 : memref<10752xi32, #tpu.memory_space<hbm>>) dst(%arg9 : memref<10752xi32, #tpu.memory_space<vmem>>)
      tpu.yield
    }) : () -> ()
    %lt3A = arith.constant 10 : i32
    %lt3A_1 = arith.cmpi slt, %arg1, %lt3A : i32
    %convert_element_type3A = arith.extui %lt3A_1 : i1 to i32
    %cond3A = arith.constant 0 : i32
    %cond3A_2 = arith.cmpi ne, %convert_element_type3A, %cond3A : i32
    scf.if %cond3A_2 {
      %mul3A_21 = arith.constant 8 : i32
      %mul3A_22 = arith.muli %arg1, %mul3A_21 : i32
      %mul3A_23 = arith.constant 8 : i32
      %mul3A_24 = arith.muli %arg1, %mul3A_23 : i32
      "tpu.region"() ({
        %run_scoped3A_29 = tpu.sem_alloc : memref<!tpu.dma_semaphore, #tpu.memory_space<semaphore_mem>>
        %dma_start3A = arith.constant 0 : i32
        %dma_start3A_30 = tpu.memref_slice %arg13[%mul3A_24, %dma_start3A] : memref<80x128xf32, #tpu.memory_space<vmem_shared>> -> memref<8x128xf32, #tpu.memory_space<vmem_shared>>
        %dma_start3A_31 = arith.constant 0 : i32
        %dma_start3A_32 = tpu.memref_slice %arg4[%mul3A_22, %dma_start3A_31] : memref<80x128xf32, #tpu.memory_space<hbm>> -> memref<8x128xf32, #tpu.memory_space<hbm>>
        tpu.enqueue_dma source(%dma_start3A_32 : memref<8x128xf32, #tpu.memory_space<hbm>>) target(%dma_start3A_30 : memref<8x128xf32, #tpu.memory_space<vmem_shared>>) target_semaphore(%run_scoped3A_29 : memref<!tpu.dma_semaphore, #tpu.memory_space<semaphore_mem>>)
        %dma_wait3A = arith.constant 0 : i32
        %dma_wait3A_33 = tpu.memref_slice %arg13[%mul3A_24, %dma_wait3A] : memref<80x128xf32, #tpu.memory_space<vmem_shared>> -> memref<8x128xf32, #tpu.memory_space<vmem_shared>>
        %dma_wait3A_34 = arith.constant 0 : i32
        %dma_wait3A_35 = tpu.memref_slice %arg4[%mul3A_22, %dma_wait3A_34] : memref<80x128xf32, #tpu.memory_space<hbm>> -> memref<8x128xf32, #tpu.memory_space<hbm>>
        tpu.wait_dma2 semaphore(%run_scoped3A_29 : memref<!tpu.dma_semaphore, #tpu.memory_space<semaphore_mem>>) src(%dma_wait3A_35 : memref<8x128xf32, #tpu.memory_space<hbm>>) dst(%dma_wait3A_33 : memref<8x128xf32, #tpu.memory_space<vmem_shared>>)
        tpu.yield
      }) : () -> ()
      %mul3A_25 = arith.constant 8 : i32
      %mul3A_26 = arith.muli %arg1, %mul3A_25 : i32
      %mul3A_27 = arith.constant 8 : i32
      %mul3A_28 = arith.muli %arg1, %mul3A_27 : i32
      "tpu.region"() ({
        %run_scoped3A_29 = tpu.sem_alloc : memref<!tpu.dma_semaphore, #tpu.memory_space<semaphore_mem>>
        %dma_start3A = arith.constant 0 : i32
        %dma_start3A_30 = tpu.memref_slice %arg14[%mul3A_28, %dma_start3A] : memref<80x128xf32, #tpu.memory_space<vmem_shared>> -> memref<8x128xf32, #tpu.memory_space<vmem_shared>>
        %dma_start3A_31 = arith.constant 0 : i32
        %dma_start3A_32 = tpu.memref_slice %arg4[%mul3A_26, %dma_start3A_31] : memref<80x128xf32, #tpu.memory_space<hbm>> -> memref<8x128xf32, #tpu.memory_space<hbm>>
        tpu.enqueue_dma source(%dma_start3A_32 : memref<8x128xf32, #tpu.memory_space<hbm>>) target(%dma_start3A_30 : memref<8x128xf32, #tpu.memory_space<vmem_shared>>) target_semaphore(%run_scoped3A_29 : memref<!tpu.dma_semaphore, #tpu.memory_space<semaphore_mem>>)
        %dma_wait3A = arith.constant 0 : i32
        %dma_wait3A_33 = tpu.memref_slice %arg14[%mul3A_28, %dma_wait3A] : memref<80x128xf32, #tpu.memory_space<vmem_shared>> -> memref<8x128xf32, #tpu.memory_space<vmem_shared>>
        %dma_wait3A_34 = arith.constant 0 : i32
        %dma_wait3A_35 = tpu.memref_slice %arg4[%mul3A_26, %dma_wait3A_34] : memref<80x128xf32, #tpu.memory_space<hbm>> -> memref<8x128xf32, #tpu.memory_space<hbm>>
        tpu.wait_dma2 semaphore(%run_scoped3A_29 : memref<!tpu.dma_semaphore, #tpu.memory_space<semaphore_mem>>) src(%dma_wait3A_35 : memref<8x128xf32, #tpu.memory_space<hbm>>) dst(%dma_wait3A_33 : memref<8x128xf32, #tpu.memory_space<vmem_shared>>)
        tpu.yield
      }) : () -> ()
    } else {
    }
    %barrier3A = arith.constant 0 : index
    tpu.barrier barrier_id(%barrier3A)
    %broadcast_in_dim3A = arith.constant 1.000000e+00 : f32
    %broadcast_in_dim3A_3 = vector.broadcast %broadcast_in_dim3A : f32 to vector<16xf32>
    %while3A = arith.constant 0 : i32
    %while3A_4 = arith.constant 0 : i32
    %while3A_5 = arith.constant 672 : i32
    %while3A_6 = arith.subi %while3A_5, %while3A_4 : i32
    %while3A_7 = arith.addi %while3A_4, %while3A_6 : i32
    %while3A_8 = arith.constant 1 : i32
    %while3A_9 = arith.divsi %while3A_6, %while3A_8 : i32
    %while3A_10 = arith.muli %while3A_9, %while3A_8 : i32
    %while3A_11 = arith.addi %while3A_4, %while3A_10 : i32
    %while3A_12 = arith.constant 1 : i32
    scf.for %while3A_21 = %while3A_4 to %while3A_11 step %while3A_12  : i32 {
      %mul3A_22 = arith.constant 16 : i32
      %mul3A_23 = arith.muli %while3A_21, %mul3A_22 : i32
      %get3A = arith.index_cast %mul3A_23 : i32 to index
      %get3A_24 = tpu.vector_load %arg8[%get3A] {strides = array<i32>} : memref<10752xi32, #tpu.memory_space<vmem>>, vector<16xi32>,
      %shift_right_arithmetic3A = arith.constant 7 : i32
      %shift_right_arithmetic3A_25 = vector.broadcast %shift_right_arithmetic3A : i32 to vector<16xi32>
      %shift_right_arithmetic3A_26 = arith.shrsi %get3A_24, %shift_right_arithmetic3A_25 : vector<16xi32>
      %and3A = arith.constant 127 : i32
      %and3A_27 = vector.broadcast %and3A : i32 to vector<16xi32>
      %and3A_28 = arith.andi %get3A_24, %and3A_27 : vector<16xi32>
      tpu.vector_store_idx %arg10[%shift_right_arithmetic3A_26, %and3A_28], %broadcast_in_dim3A_3 {add = true} : memref<80x128xf32, #tpu.memory_space<vmem>>[vector<16xi32>, vector<16xi32>], vector<16xf32>,
      %get3A_29 = arith.index_cast %mul3A_23 : i32 to index
      %get3A_30 = tpu.vector_load %arg9[%get3A_29] {strides = array<i32>} : memref<10752xi32, #tpu.memory_space<vmem>>, vector<16xi32>,
      %shift_right_arithmetic3A_31 = arith.constant 7 : i32
      %shift_right_arithmetic3A_32 = vector.broadcast %shift_right_arithmetic3A_31 : i32 to vector<16xi32>
      %shift_right_arithmetic3A_33 = arith.shrsi %get3A_30, %shift_right_arithmetic3A_32 : vector<16xi32>
      %and3A_34 = arith.constant 127 : i32
      %and3A_35 = vector.broadcast %and3A_34 : i32 to vector<16xi32>
      %and3A_36 = arith.andi %get3A_30, %and3A_35 : vector<16xi32>
      tpu.vector_store_idx %arg11[%shift_right_arithmetic3A_33, %and3A_36], %broadcast_in_dim3A_3 {add = true} : memref<80x128xf32, #tpu.memory_space<vmem>>[vector<16xi32>, vector<16xi32>], vector<16xf32>,
    }
    %while3A_13 = arith.constant 1 : i32
    scf.for %while3A_21 = %while3A_11 to %while3A_7 step %while3A_13  : i32 {
      %mul3A_22 = arith.constant 16 : i32
      %mul3A_23 = arith.muli %while3A_21, %mul3A_22 : i32
      %get3A = arith.index_cast %mul3A_23 : i32 to index
      %get3A_24 = tpu.vector_load %arg8[%get3A] {strides = array<i32>} : memref<10752xi32, #tpu.memory_space<vmem>>, vector<16xi32>,
      %shift_right_arithmetic3A = arith.constant 7 : i32
      %shift_right_arithmetic3A_25 = vector.broadcast %shift_right_arithmetic3A : i32 to vector<16xi32>
      %shift_right_arithmetic3A_26 = arith.shrsi %get3A_24, %shift_right_arithmetic3A_25 : vector<16xi32>
      %and3A = arith.constant 127 : i32
      %and3A_27 = vector.broadcast %and3A : i32 to vector<16xi32>
      %and3A_28 = arith.andi %get3A_24, %and3A_27 : vector<16xi32>
      tpu.vector_store_idx %arg10[%shift_right_arithmetic3A_26, %and3A_28], %broadcast_in_dim3A_3 {add = true} : memref<80x128xf32, #tpu.memory_space<vmem>>[vector<16xi32>, vector<16xi32>], vector<16xf32>,
      %get3A_29 = arith.index_cast %mul3A_23 : i32 to index
      %get3A_30 = tpu.vector_load %arg9[%get3A_29] {strides = array<i32>} : memref<10752xi32, #tpu.memory_space<vmem>>, vector<16xi32>,
      %shift_right_arithmetic3A_31 = arith.constant 7 : i32
      %shift_right_arithmetic3A_32 = vector.broadcast %shift_right_arithmetic3A_31 : i32 to vector<16xi32>
      %shift_right_arithmetic3A_33 = arith.shrsi %get3A_30, %shift_right_arithmetic3A_32 : vector<16xi32>
      %and3A_34 = arith.constant 127 : i32
      %and3A_35 = vector.broadcast %and3A_34 : i32 to vector<16xi32>
      %and3A_36 = arith.andi %get3A_30, %and3A_35 : vector<16xi32>
      tpu.vector_store_idx %arg11[%shift_right_arithmetic3A_33, %and3A_36], %broadcast_in_dim3A_3 {add = true} : memref<80x128xf32, #tpu.memory_space<vmem>>[vector<16xi32>, vector<16xi32>], vector<16xf32>,
    }
    %run_scoped3A = arith.constant 0 : i32
    "tpu.region"() ({
      %run_scoped3A_21 = tpu.sem_alloc : memref<!tpu.dma_semaphore, #tpu.memory_space<semaphore_mem>>
      %dma_start3A = arith.constant 0 : i32
      %dma_start3A_22 = tpu.memref_slice %arg12[%run_scoped3A, %dma_start3A] : memref<1x80xi32, #tpu.memory_space<vmem>> -> memref<1x80xi32, #tpu.memory_space<vmem>>
      %dma_start3A_23 = tpu.memref_squeeze %dma_start3A_22 : memref<1x80xi32, #tpu.memory_space<vmem>> -> memref<80xi32, #tpu.memory_space<vmem>>
      %dma_start3A_24 = arith.constant 0 : i32
      %dma_start3A_25 = arith.constant 0 : i32
      %dma_start3A_26 = tpu.memref_slice %arg13[%dma_start3A_24, %dma_start3A_25] : memref<80x128xf32, #tpu.memory_space<vmem_shared>> -> memref<80x128xf32, #tpu.memory_space<vmem_shared>>
      tpu.enqueue_indirect_dma source(%arg10 : memref<80x128xf32, #tpu.memory_space<vmem>>) target(%dma_start3A_26 : memref<80x128xf32, #tpu.memory_space<vmem_shared>>) offsets(%dma_start3A_23 : memref<80xi32, #tpu.memory_space<vmem>>) semaphore(%run_scoped3A_21 : memref<!tpu.dma_semaphore, #tpu.memory_space<semaphore_mem>>) {add = true}
      %dma_wait3A = arith.constant 0 : i32
      %dma_wait3A_27 = tpu.memref_slice %arg12[%run_scoped3A, %dma_wait3A] : memref<1x80xi32, #tpu.memory_space<vmem>> -> memref<1x80xi32, #tpu.memory_space<vmem>>
      %dma_wait3A_28 = tpu.memref_squeeze %dma_wait3A_27 : memref<1x80xi32, #tpu.memory_space<vmem>> -> memref<80xi32, #tpu.memory_space<vmem>>
      %dma_wait3A_29 = arith.constant 0 : i32
      %dma_wait3A_30 = arith.constant 0 : i32
      %dma_wait3A_31 = tpu.memref_slice %arg13[%dma_wait3A_29, %dma_wait3A_30] : memref<80x128xf32, #tpu.memory_space<vmem_shared>> -> memref<80x128xf32, #tpu.memory_space<vmem_shared>>
      tpu.wait_indirect_dma semaphore(%run_scoped3A_21 : memref<!tpu.dma_semaphore, #tpu.memory_space<semaphore_mem>>) src(%arg10 : memref<80x128xf32, #tpu.memory_space<vmem>>) dst(%dma_wait3A_31 : memref<80x128xf32, #tpu.memory_space<vmem_shared>>)
      tpu.yield
    }) : () -> ()
    %run_scoped3A_14 = arith.constant 0 : i32
    "tpu.region"() ({
      %run_scoped3A_21 = tpu.sem_alloc : memref<!tpu.dma_semaphore, #tpu.memory_space<semaphore_mem>>
      %dma_start3A = arith.constant 0 : i32
      %dma_start3A_22 = tpu.memref_slice %arg12[%run_scoped3A_14, %dma_start3A] : memref<1x80xi32, #tpu.memory_space<vmem>> -> memref<1x80xi32, #tpu.memory_space<vmem>>
      %dma_start3A_23 = tpu.memref_squeeze %dma_start3A_22 : memref<1x80xi32, #tpu.memory_space<vmem>> -> memref<80xi32, #tpu.memory_space<vmem>>
      %dma_start3A_24 = arith.constant 0 : i32
      %dma_start3A_25 = arith.constant 0 : i32
      %dma_start3A_26 = tpu.memref_slice %arg14[%dma_start3A_24, %dma_start3A_25] : memref<80x128xf32, #tpu.memory_space<vmem_shared>> -> memref<80x128xf32, #tpu.memory_space<vmem_shared>>
      tpu.enqueue_indirect_dma source(%arg11 : memref<80x128xf32, #tpu.memory_space<vmem>>) target(%dma_start3A_26 : memref<80x128xf32, #tpu.memory_space<vmem_shared>>) offsets(%dma_start3A_23 : memref<80xi32, #tpu.memory_space<vmem>>) semaphore(%run_scoped3A_21 : memref<!tpu.dma_semaphore, #tpu.memory_space<semaphore_mem>>) {add = true}
      %dma_wait3A = arith.constant 0 : i32
      %dma_wait3A_27 = tpu.memref_slice %arg12[%run_scoped3A_14, %dma_wait3A] : memref<1x80xi32, #tpu.memory_space<vmem>> -> memref<1x80xi32, #tpu.memory_space<vmem>>
      %dma_wait3A_28 = tpu.memref_squeeze %dma_wait3A_27 : memref<1x80xi32, #tpu.memory_space<vmem>> -> memref<80xi32, #tpu.memory_space<vmem>>
      %dma_wait3A_29 = arith.constant 0 : i32
      %dma_wait3A_30 = arith.constant 0 : i32
      %dma_wait3A_31 = tpu.memref_slice %arg14[%dma_wait3A_29, %dma_wait3A_30] : memref<80x128xf32, #tpu.memory_space<vmem_shared>> -> memref<80x128xf32, #tpu.memory_space<vmem_shared>>
      tpu.wait_indirect_dma semaphore(%run_scoped3A_21 : memref<!tpu.dma_semaphore, #tpu.memory_space<semaphore_mem>>) src(%arg11 : memref<80x128xf32, #tpu.memory_space<vmem>>) dst(%dma_wait3A_31 : memref<80x128xf32, #tpu.memory_space<vmem_shared>>)
      tpu.yield
    }) : () -> ()
    %barrier3A_15 = arith.constant 0 : index
    tpu.barrier barrier_id(%barrier3A_15)
    %lt3A_16 = arith.constant 10 : i32
    %lt3A_17 = arith.cmpi slt, %arg1, %lt3A_16 : i32
    %convert_element_type3A_18 = arith.extui %lt3A_17 : i1 to i32
    %cond3A_19 = arith.constant 0 : i32
    %cond3A_20 = arith.cmpi ne, %convert_element_type3A_18, %cond3A_19 : i32
    scf.if %cond3A_20 {
      %mul3A_21 = arith.constant 8 : i32
      %mul3A_22 = arith.muli %arg1, %mul3A_21 : i32
      %mul3A_23 = arith.constant 8 : i32
      %mul3A_24 = arith.muli %arg1, %mul3A_23 : i32
      "tpu.region"() ({
        %run_scoped3A_29 = tpu.sem_alloc : memref<!tpu.dma_semaphore, #tpu.memory_space<semaphore_mem>>
        %dma_start3A = arith.constant 0 : i32
        %dma_start3A_30 = tpu.memref_slice %arg6[%arg0, %mul3A_24, %dma_start3A] : memref<2x80x128xf32, #tpu.memory_space<hbm>> -> memref<1x8x128xf32, #tpu.memory_space<hbm>>
        %dma_start3A_31 = tpu.memref_squeeze %dma_start3A_30 : memref<1x8x128xf32, #tpu.memory_space<hbm>> -> memref<8x128xf32, #tpu.memory_space<hbm>>
        %dma_start3A_32 = arith.constant 0 : i32
        %dma_start3A_33 = tpu.memref_slice %arg13[%mul3A_22, %dma_start3A_32] : memref<80x128xf32, #tpu.memory_space<vmem_shared>> -> memref<8x128xf32, #tpu.memory_space<vmem_shared>>
        tpu.enqueue_dma source(%dma_start3A_33 : memref<8x128xf32, #tpu.memory_space<vmem_shared>>) target(%dma_start3A_31 : memref<8x128xf32, #tpu.memory_space<hbm>>) target_semaphore(%run_scoped3A_29 : memref<!tpu.dma_semaphore, #tpu.memory_space<semaphore_mem>>)
        %dma_wait3A = arith.constant 0 : i32
        %dma_wait3A_34 = tpu.memref_slice %arg6[%arg0, %mul3A_24, %dma_wait3A] : memref<2x80x128xf32, #tpu.memory_space<hbm>> -> memref<1x8x128xf32, #tpu.memory_space<hbm>>
        %dma_wait3A_35 = tpu.memref_squeeze %dma_wait3A_34 : memref<1x8x128xf32, #tpu.memory_space<hbm>> -> memref<8x128xf32, #tpu.memory_space<hbm>>
        %dma_wait3A_36 = arith.constant 0 : i32
        %dma_wait3A_37 = tpu.memref_slice %arg13[%mul3A_22, %dma_wait3A_36] : memref<80x128xf32, #tpu.memory_space<vmem_shared>> -> memref<8x128xf32, #tpu.memory_space<vmem_shared>>
        tpu.wait_dma2 semaphore(%run_scoped3A_29 : memref<!tpu.dma_semaphore, #tpu.memory_space<semaphore_mem>>) src(%dma_wait3A_37 : memref<8x128xf32, #tpu.memory_space<vmem_shared>>) dst(%dma_wait3A_35 : memref<8x128xf32, #tpu.memory_space<hbm>>)
        tpu.yield
      }) : () -> ()
      %mul3A_25 = arith.constant 8 : i32
      %mul3A_26 = arith.muli %arg1, %mul3A_25 : i32
      %mul3A_27 = arith.constant 8 : i32
      %mul3A_28 = arith.muli %arg1, %mul3A_27 : i32
      "tpu.region"() ({
        %run_scoped3A_29 = tpu.sem_alloc : memref<!tpu.dma_semaphore, #tpu.memory_space<semaphore_mem>>
        %dma_start3A = arith.constant 0 : i32
        %dma_start3A_30 = tpu.memref_slice %arg7[%arg0, %mul3A_28, %dma_start3A] : memref<2x80x128xf32, #tpu.memory_space<hbm>> -> memref<1x8x128xf32, #tpu.memory_space<hbm>>
        %dma_start3A_31 = tpu.memref_squeeze %dma_start3A_30 : memref<1x8x128xf32, #tpu.memory_space<hbm>> -> memref<8x128xf32, #tpu.memory_space<hbm>>
        %dma_start3A_32 = arith.constant 0 : i32
        %dma_start3A_33 = tpu.memref_slice %arg14[%mul3A_26, %dma_start3A_32] : memref<80x128xf32, #tpu.memory_space<vmem_shared>> -> memref<8x128xf32, #tpu.memory_space<vmem_shared>>
        tpu.enqueue_dma source(%dma_start3A_33 : memref<8x128xf32, #tpu.memory_space<vmem_shared>>) target(%dma_start3A_31 : memref<8x128xf32, #tpu.memory_space<hbm>>) target_semaphore(%run_scoped3A_29 : memref<!tpu.dma_semaphore, #tpu.memory_space<semaphore_mem>>)
        %dma_wait3A = arith.constant 0 : i32
        %dma_wait3A_34 = tpu.memref_slice %arg7[%arg0, %mul3A_28, %dma_wait3A] : memref<2x80x128xf32, #tpu.memory_space<hbm>> -> memref<1x8x128xf32, #tpu.memory_space<hbm>>
        %dma_wait3A_35 = tpu.memref_squeeze %dma_wait3A_34 : memref<1x8x128xf32, #tpu.memory_space<hbm>> -> memref<8x128xf32, #tpu.memory_space<hbm>>
        %dma_wait3A_36 = arith.constant 0 : i32
        %dma_wait3A_37 = tpu.memref_slice %arg14[%mul3A_26, %dma_wait3A_36] : memref<80x128xf32, #tpu.memory_space<vmem_shared>> -> memref<8x128xf32, #tpu.memory_space<vmem_shared>>
        tpu.wait_dma2 semaphore(%run_scoped3A_29 : memref<!tpu.dma_semaphore, #tpu.memory_space<semaphore_mem>>) src(%dma_wait3A_37 : memref<8x128xf32, #tpu.memory_space<vmem_shared>>) dst(%dma_wait3A_35 : memref<8x128xf32, #tpu.memory_space<hbm>>)
        tpu.yield
      }) : () -> ()
    } else {
    }
    return
  }
}

#map = affine_map<(d0, d1) -> (0, 0)>
#map1 = affine_map<(d0, d1) -> (0, 0, 0, 0)>
#map2 = affine_map<(d0, d1) -> (0, 0, 0)>
module attributes {stable_mosaic.version = 14 : i64} {
  func.func @agg_kernel(%arg0: i32, %arg1: i32, %arg2: memref<10240x128xf32, #tpu.memory_space<hbm>>, %arg3: memref<32x2x42x128xi32, #tpu.memory_space<hbm>>, %arg4: memref<32x2x42x128xi32, #tpu.memory_space<hbm>>, %arg5: memref<640x128xf32, #tpu.memory_space<hbm>>, %arg6: memref<2x10240x128xf32, #tpu.memory_space<hbm>>, %arg7: memref<42x128xi32, #tpu.memory_space<vmem>>, %arg8: memref<42x128xi32, #tpu.memory_space<vmem>>, %arg9: memref<128x128xf32, #tpu.memory_space<vmem>>, %arg10: memref<128x128xf32, #tpu.memory_space<vmem>>, %arg11: memref<10240x128xf32, #tpu.memory_space<vmem_shared>>, %arg12: memref<!tpu.dma_semaphore, #tpu.memory_space<semaphore_mem>>, %arg13: memref<!tpu.dma_semaphore, #tpu.memory_space<semaphore_mem>>) attributes {dimension_semantics = [#tpu.dimension_semantics<core_parallel>, #tpu.dimension_semantics<subcore_parallel>], iteration_bounds = array<i64: 2, 16>, scalar_prefetch = 0 : i64, scratch_operands = 7 : i64, tpu.core_type = #tpu.core_type<sc_vector_subcore>, window_params = [{transform_indices = #map}, {transform_indices = #map1}, {transform_indices = #map1}, {transform_indices = #map}, {transform_indices = #map2}]} {
    %mul3A = arith.constant 2 : i32
    %mul3A_0 = arith.muli %arg1, %mul3A : i32
    %add3A = arith.addi %mul3A_0, %arg0 : i32
    %mul3A_1 = arith.constant 640 : i32
    %mul3A_2 = arith.muli %arg1, %mul3A_1 : i32
    "tpu.region"() ({
      %run_scoped3A_34 = tpu.sem_alloc : memref<!tpu.dma_semaphore, #tpu.memory_space<semaphore_mem>>
      %dma_start3A = arith.constant 0 : i32
      %dma_start3A_35 = tpu.memref_slice %arg11[%mul3A_2, %dma_start3A] : memref<10240x128xf32, #tpu.memory_space<vmem_shared>> -> memref<640x128xf32, #tpu.memory_space<vmem_shared>>
      tpu.enqueue_dma source(%arg5 : memref<640x128xf32, #tpu.memory_space<hbm>>) target(%dma_start3A_35 : memref<640x128xf32, #tpu.memory_space<vmem_shared>>) target_semaphore(%run_scoped3A_34 : memref<!tpu.dma_semaphore, #tpu.memory_space<semaphore_mem>>)
      %dma_wait3A_36 = arith.constant 0 : i32
      %dma_wait3A_37 = tpu.memref_slice %arg11[%mul3A_2, %dma_wait3A_36] : memref<10240x128xf32, #tpu.memory_space<vmem_shared>> -> memref<640x128xf32, #tpu.memory_space<vmem_shared>>
      tpu.wait_dma2 semaphore(%run_scoped3A_34 : memref<!tpu.dma_semaphore, #tpu.memory_space<semaphore_mem>>) src(%arg5 : memref<640x128xf32, #tpu.memory_space<hbm>>) dst(%dma_wait3A_37 : memref<640x128xf32, #tpu.memory_space<vmem_shared>>)
      tpu.yield
    }) : () -> ()
    %barrier3A = arith.constant 0 : index
    tpu.barrier barrier_id(%barrier3A)
    %run_scoped3A = arith.constant 0 : i32
    "tpu.region"() ({
      %run_scoped3A_34 = tpu.sem_alloc : memref<!tpu.dma_semaphore, #tpu.memory_space<semaphore_mem>>
      %dma_start3A = arith.constant 0 : i32
      %dma_start3A_35 = arith.constant 0 : i32
      %dma_start3A_36 = tpu.memref_slice %arg3[%add3A, %run_scoped3A, %dma_start3A, %dma_start3A_35] : memref<32x2x42x128xi32, #tpu.memory_space<hbm>> -> memref<1x1x42x128xi32, #tpu.memory_space<hbm>>
      %dma_start3A_37 = tpu.memref_squeeze %dma_start3A_36 : memref<1x1x42x128xi32, #tpu.memory_space<hbm>> -> memref<42x128xi32, #tpu.memory_space<hbm>>
      %dma_start3A_38 = arith.constant 0 : i32
      %dma_start3A_39 = arith.constant 0 : i32
      %dma_start3A_40 = tpu.memref_slice %arg3[%add3A, %run_scoped3A, %dma_start3A_38, %dma_start3A_39] : memref<32x2x42x128xi32, #tpu.memory_space<hbm>> -> memref<1x1x42x128xi32, #tpu.memory_space<hbm>>
      %dma_start3A_41 = tpu.memref_squeeze %dma_start3A_40 : memref<1x1x42x128xi32, #tpu.memory_space<hbm>> -> memref<42x128xi32, #tpu.memory_space<hbm>>
      tpu.enqueue_dma source(%dma_start3A_41 : memref<42x128xi32, #tpu.memory_space<hbm>>) target(%arg7 : memref<42x128xi32, #tpu.memory_space<vmem>>) target_semaphore(%run_scoped3A_34 : memref<!tpu.dma_semaphore, #tpu.memory_space<semaphore_mem>>)
      %dma_wait3A_42 = arith.constant 0 : i32
      %dma_wait3A_43 = arith.constant 0 : i32
      %dma_wait3A_44 = tpu.memref_slice %arg3[%add3A, %run_scoped3A, %dma_wait3A_42, %dma_wait3A_43] : memref<32x2x42x128xi32, #tpu.memory_space<hbm>> -> memref<1x1x42x128xi32, #tpu.memory_space<hbm>>
      %dma_wait3A_45 = tpu.memref_squeeze %dma_wait3A_44 : memref<1x1x42x128xi32, #tpu.memory_space<hbm>> -> memref<42x128xi32, #tpu.memory_space<hbm>>
      %dma_wait3A_46 = arith.constant 0 : i32
      %dma_wait3A_47 = arith.constant 0 : i32
      %dma_wait3A_48 = tpu.memref_slice %arg3[%add3A, %run_scoped3A, %dma_wait3A_46, %dma_wait3A_47] : memref<32x2x42x128xi32, #tpu.memory_space<hbm>> -> memref<1x1x42x128xi32, #tpu.memory_space<hbm>>
      %dma_wait3A_49 = tpu.memref_squeeze %dma_wait3A_48 : memref<1x1x42x128xi32, #tpu.memory_space<hbm>> -> memref<42x128xi32, #tpu.memory_space<hbm>>
      tpu.wait_dma2 semaphore(%run_scoped3A_34 : memref<!tpu.dma_semaphore, #tpu.memory_space<semaphore_mem>>) src(%dma_wait3A_49 : memref<42x128xi32, #tpu.memory_space<hbm>>) dst(%arg7 : memref<42x128xi32, #tpu.memory_space<vmem>>)
      tpu.yield
    }) : () -> ()
    %run_scoped3A_3 = arith.constant 0 : i32
    "tpu.region"() ({
      %run_scoped3A_34 = tpu.sem_alloc : memref<!tpu.dma_semaphore, #tpu.memory_space<semaphore_mem>>
      %dma_start3A = arith.constant 0 : i32
      %dma_start3A_35 = arith.constant 0 : i32
      %dma_start3A_36 = tpu.memref_slice %arg4[%add3A, %run_scoped3A_3, %dma_start3A, %dma_start3A_35] : memref<32x2x42x128xi32, #tpu.memory_space<hbm>> -> memref<1x1x42x128xi32, #tpu.memory_space<hbm>>
      %dma_start3A_37 = tpu.memref_squeeze %dma_start3A_36 : memref<1x1x42x128xi32, #tpu.memory_space<hbm>> -> memref<42x128xi32, #tpu.memory_space<hbm>>
      %dma_start3A_38 = arith.constant 0 : i32
      %dma_start3A_39 = arith.constant 0 : i32
      %dma_start3A_40 = tpu.memref_slice %arg4[%add3A, %run_scoped3A_3, %dma_start3A_38, %dma_start3A_39] : memref<32x2x42x128xi32, #tpu.memory_space<hbm>> -> memref<1x1x42x128xi32, #tpu.memory_space<hbm>>
      %dma_start3A_41 = tpu.memref_squeeze %dma_start3A_40 : memref<1x1x42x128xi32, #tpu.memory_space<hbm>> -> memref<42x128xi32, #tpu.memory_space<hbm>>
      tpu.enqueue_dma source(%dma_start3A_41 : memref<42x128xi32, #tpu.memory_space<hbm>>) target(%arg8 : memref<42x128xi32, #tpu.memory_space<vmem>>) target_semaphore(%run_scoped3A_34 : memref<!tpu.dma_semaphore, #tpu.memory_space<semaphore_mem>>)
      %dma_wait3A_42 = arith.constant 0 : i32
      %dma_wait3A_43 = arith.constant 0 : i32
      %dma_wait3A_44 = tpu.memref_slice %arg4[%add3A, %run_scoped3A_3, %dma_wait3A_42, %dma_wait3A_43] : memref<32x2x42x128xi32, #tpu.memory_space<hbm>> -> memref<1x1x42x128xi32, #tpu.memory_space<hbm>>
      %dma_wait3A_45 = tpu.memref_squeeze %dma_wait3A_44 : memref<1x1x42x128xi32, #tpu.memory_space<hbm>> -> memref<42x128xi32, #tpu.memory_space<hbm>>
      %dma_wait3A_46 = arith.constant 0 : i32
      %dma_wait3A_47 = arith.constant 0 : i32
      %dma_wait3A_48 = tpu.memref_slice %arg4[%add3A, %run_scoped3A_3, %dma_wait3A_46, %dma_wait3A_47] : memref<32x2x42x128xi32, #tpu.memory_space<hbm>> -> memref<1x1x42x128xi32, #tpu.memory_space<hbm>>
      %dma_wait3A_49 = tpu.memref_squeeze %dma_wait3A_48 : memref<1x1x42x128xi32, #tpu.memory_space<hbm>> -> memref<42x128xi32, #tpu.memory_space<hbm>>
      tpu.wait_dma2 semaphore(%run_scoped3A_34 : memref<!tpu.dma_semaphore, #tpu.memory_space<semaphore_mem>>) src(%dma_wait3A_49 : memref<42x128xi32, #tpu.memory_space<hbm>>) dst(%arg8 : memref<42x128xi32, #tpu.memory_space<vmem>>)
      tpu.yield
    }) : () -> ()
    %while3A = arith.constant 0 : i32
    %while3A_4 = arith.constant 0 : i32
    %while3A_5 = arith.constant 0 : i32
    %while3A_6 = arith.constant 21 : i32
    %while3A_7 = arith.subi %while3A_6, %while3A_5 : i32
    %while3A_8 = arith.addi %while3A_5, %while3A_7 : i32
    %while3A_9 = arith.constant 1 : i32
    %while3A_10 = arith.divsi %while3A_7, %while3A_9 : i32
    %while3A_11 = arith.muli %while3A_10, %while3A_9 : i32
    %while3A_12 = arith.addi %while3A_5, %while3A_11 : i32
    %while3A_13 = arith.constant 1 : i32
    scf.for %while3A_34 = %while3A_5 to %while3A_12 step %while3A_13  : i32 {
      %mul3A_35 = arith.constant 2 : i32
      %mul3A_36 = arith.muli %while3A_34, %mul3A_35 : i32
      "tpu.region"() ({
        %run_scoped3A_58 = tpu.sem_alloc : memref<!tpu.dma_semaphore, #tpu.memory_space<semaphore_mem>>
        %dma_start3A_59 = arith.constant 0 : i32
        %dma_start3A_60 = tpu.memref_slice %arg7[%mul3A_36, %dma_start3A_59] : memref<42x128xi32, #tpu.memory_space<vmem>> -> memref<1x128xi32, #tpu.memory_space<vmem>>
        %dma_start3A_61 = tpu.memref_squeeze %dma_start3A_60 : memref<1x128xi32, #tpu.memory_space<vmem>> -> memref<128xi32, #tpu.memory_space<vmem>>
        %dma_start3A_62 = arith.constant 0 : i32
        %dma_start3A_63 = arith.constant 0 : i32
        %dma_start3A_64 = tpu.memref_slice %arg2[%dma_start3A_62, %dma_start3A_63] : memref<10240x128xf32, #tpu.memory_space<hbm>> -> memref<10240x128xf32, #tpu.memory_space<hbm>>
        tpu.enqueue_indirect_dma source(%dma_start3A_64 : memref<10240x128xf32, #tpu.memory_space<hbm>>) target(%arg9 : memref<128x128xf32, #tpu.memory_space<vmem>>) offsets(%dma_start3A_61 : memref<128xi32, #tpu.memory_space<vmem>>) semaphore(%run_scoped3A_58 : memref<!tpu.dma_semaphore, #tpu.memory_space<semaphore_mem>>)
        %dma_wait3A_65 = arith.constant 0 : i32
        %dma_wait3A_66 = tpu.memref_slice %arg7[%mul3A_36, %dma_wait3A_65] : memref<42x128xi32, #tpu.memory_space<vmem>> -> memref<1x128xi32, #tpu.memory_space<vmem>>
        %dma_wait3A_67 = tpu.memref_squeeze %dma_wait3A_66 : memref<1x128xi32, #tpu.memory_space<vmem>> -> memref<128xi32, #tpu.memory_space<vmem>>
        %dma_wait3A_68 = arith.constant 0 : i32
        %dma_wait3A_69 = arith.constant 0 : i32
        %dma_wait3A_70 = tpu.memref_slice %arg2[%dma_wait3A_68, %dma_wait3A_69] : memref<10240x128xf32, #tpu.memory_space<hbm>> -> memref<10240x128xf32, #tpu.memory_space<hbm>>
        tpu.wait_indirect_dma semaphore(%run_scoped3A_58 : memref<!tpu.dma_semaphore, #tpu.memory_space<semaphore_mem>>) src(%dma_wait3A_70 : memref<10240x128xf32, #tpu.memory_space<hbm>>) dst(%arg9 : memref<128x128xf32, #tpu.memory_space<vmem>>)
        tpu.yield
      }) : () -> ()
      %gt3A = arith.constant 0 : i32
      %gt3A_37 = arith.cmpi sgt, %while3A_34, %gt3A : i32
      %convert_element_type3A = arith.extui %gt3A_37 : i1 to i32
      %cond3A = arith.constant 0 : i32
      %cond3A_38 = arith.cmpi ne, %convert_element_type3A, %cond3A : i32
      scf.if %cond3A_38 {
        %dma_wait3A_58 = arith.constant 0 : i32
        %dma_wait3A_59 = tpu.memref_slice %arg2[%while3A_4, %dma_wait3A_58] : memref<10240x128xf32, #tpu.memory_space<hbm>> -> memref<128x128xf32, #tpu.memory_space<hbm>>
        %dma_wait3A_60 = arith.constant 0 : i32
        %dma_wait3A_61 = tpu.memref_slice %arg2[%while3A_4, %dma_wait3A_60] : memref<10240x128xf32, #tpu.memory_space<hbm>> -> memref<128x128xf32, #tpu.memory_space<hbm>>
        tpu.wait_dma2 semaphore(%arg13 : memref<!tpu.dma_semaphore, #tpu.memory_space<semaphore_mem>>) src(%dma_wait3A_61 : memref<128x128xf32, #tpu.memory_space<hbm>>) dst(%arg10 : memref<128x128xf32, #tpu.memory_space<vmem>>)
      } else {
      }
      %dma_start3A = arith.constant 0 : i32
      %dma_start3A_39 = tpu.memref_slice %arg8[%mul3A_36, %dma_start3A] : memref<42x128xi32, #tpu.memory_space<vmem>> -> memref<1x128xi32, #tpu.memory_space<vmem>>
      %dma_start3A_40 = tpu.memref_squeeze %dma_start3A_39 : memref<1x128xi32, #tpu.memory_space<vmem>> -> memref<128xi32, #tpu.memory_space<vmem>>
      %dma_start3A_41 = arith.constant 0 : i32
      %dma_start3A_42 = arith.constant 0 : i32
      %dma_start3A_43 = tpu.memref_slice %arg11[%dma_start3A_41, %dma_start3A_42] : memref<10240x128xf32, #tpu.memory_space<vmem_shared>> -> memref<10240x128xf32, #tpu.memory_space<vmem_shared>>
      tpu.enqueue_indirect_dma source(%arg9 : memref<128x128xf32, #tpu.memory_space<vmem>>) target(%dma_start3A_43 : memref<10240x128xf32, #tpu.memory_space<vmem_shared>>) offsets(%dma_start3A_40 : memref<128xi32, #tpu.memory_space<vmem>>) semaphore(%arg12 : memref<!tpu.dma_semaphore, #tpu.memory_space<semaphore_mem>>) {add = true}
      %add3A_44 = arith.constant 1 : i32
      %add3A_45 = arith.addi %mul3A_36, %add3A_44 : i32
      "tpu.region"() ({
        %run_scoped3A_58 = tpu.sem_alloc : memref<!tpu.dma_semaphore, #tpu.memory_space<semaphore_mem>>
        %dma_start3A_59 = arith.constant 0 : i32
        %dma_start3A_60 = tpu.memref_slice %arg7[%add3A_45, %dma_start3A_59] : memref<42x128xi32, #tpu.memory_space<vmem>> -> memref<1x128xi32, #tpu.memory_space<vmem>>
        %dma_start3A_61 = tpu.memref_squeeze %dma_start3A_60 : memref<1x128xi32, #tpu.memory_space<vmem>> -> memref<128xi32, #tpu.memory_space<vmem>>
        %dma_start3A_62 = arith.constant 0 : i32
        %dma_start3A_63 = arith.constant 0 : i32
        %dma_start3A_64 = tpu.memref_slice %arg2[%dma_start3A_62, %dma_start3A_63] : memref<10240x128xf32, #tpu.memory_space<hbm>> -> memref<10240x128xf32, #tpu.memory_space<hbm>>
        tpu.enqueue_indirect_dma source(%dma_start3A_64 : memref<10240x128xf32, #tpu.memory_space<hbm>>) target(%arg10 : memref<128x128xf32, #tpu.memory_space<vmem>>) offsets(%dma_start3A_61 : memref<128xi32, #tpu.memory_space<vmem>>) semaphore(%run_scoped3A_58 : memref<!tpu.dma_semaphore, #tpu.memory_space<semaphore_mem>>)
        %dma_wait3A_65 = arith.constant 0 : i32
        %dma_wait3A_66 = tpu.memref_slice %arg7[%add3A_45, %dma_wait3A_65] : memref<42x128xi32, #tpu.memory_space<vmem>> -> memref<1x128xi32, #tpu.memory_space<vmem>>
        %dma_wait3A_67 = tpu.memref_squeeze %dma_wait3A_66 : memref<1x128xi32, #tpu.memory_space<vmem>> -> memref<128xi32, #tpu.memory_space<vmem>>
        %dma_wait3A_68 = arith.constant 0 : i32
        %dma_wait3A_69 = arith.constant 0 : i32
        %dma_wait3A_70 = tpu.memref_slice %arg2[%dma_wait3A_68, %dma_wait3A_69] : memref<10240x128xf32, #tpu.memory_space<hbm>> -> memref<10240x128xf32, #tpu.memory_space<hbm>>
        tpu.wait_indirect_dma semaphore(%run_scoped3A_58 : memref<!tpu.dma_semaphore, #tpu.memory_space<semaphore_mem>>) src(%dma_wait3A_70 : memref<10240x128xf32, #tpu.memory_space<hbm>>) dst(%arg10 : memref<128x128xf32, #tpu.memory_space<vmem>>)
        tpu.yield
      }) : () -> ()
      %dma_wait3A_46 = arith.constant 0 : i32
      %dma_wait3A_47 = tpu.memref_slice %arg2[%while3A_4, %dma_wait3A_46] : memref<10240x128xf32, #tpu.memory_space<hbm>> -> memref<128x128xf32, #tpu.memory_space<hbm>>
      %dma_wait3A_48 = arith.constant 0 : i32
      %dma_wait3A_49 = tpu.memref_slice %arg2[%while3A_4, %dma_wait3A_48] : memref<10240x128xf32, #tpu.memory_space<hbm>> -> memref<128x128xf32, #tpu.memory_space<hbm>>
      tpu.wait_dma2 semaphore(%arg12 : memref<!tpu.dma_semaphore, #tpu.memory_space<semaphore_mem>>) src(%dma_wait3A_49 : memref<128x128xf32, #tpu.memory_space<hbm>>) dst(%arg9 : memref<128x128xf32, #tpu.memory_space<vmem>>)
      %add3A_50 = arith.constant 1 : i32
      %add3A_51 = arith.addi %mul3A_36, %add3A_50 : i32
      %dma_start3A_52 = arith.constant 0 : i32
      %dma_start3A_53 = tpu.memref_slice %arg8[%add3A_51, %dma_start3A_52] : memref<42x128xi32, #tpu.memory_space<vmem>> -> memref<1x128xi32, #tpu.memory_space<vmem>>
      %dma_start3A_54 = tpu.memref_squeeze %dma_start3A_53 : memref<1x128xi32, #tpu.memory_space<vmem>> -> memref<128xi32, #tpu.memory_space<vmem>>
      %dma_start3A_55 = arith.constant 0 : i32
      %dma_start3A_56 = arith.constant 0 : i32
      %dma_start3A_57 = tpu.memref_slice %arg11[%dma_start3A_55, %dma_start3A_56] : memref<10240x128xf32, #tpu.memory_space<vmem_shared>> -> memref<10240x128xf32, #tpu.memory_space<vmem_shared>>
      tpu.enqueue_indirect_dma source(%arg10 : memref<128x128xf32, #tpu.memory_space<vmem>>) target(%dma_start3A_57 : memref<10240x128xf32, #tpu.memory_space<vmem_shared>>) offsets(%dma_start3A_54 : memref<128xi32, #tpu.memory_space<vmem>>) semaphore(%arg13 : memref<!tpu.dma_semaphore, #tpu.memory_space<semaphore_mem>>) {add = true}
    }
    %while3A_14 = arith.constant 1 : i32
    scf.for %while3A_34 = %while3A_12 to %while3A_8 step %while3A_14  : i32 {
      %mul3A_35 = arith.constant 2 : i32
      %mul3A_36 = arith.muli %while3A_34, %mul3A_35 : i32
      "tpu.region"() ({
        %run_scoped3A_58 = tpu.sem_alloc : memref<!tpu.dma_semaphore, #tpu.memory_space<semaphore_mem>>
        %dma_start3A_59 = arith.constant 0 : i32
        %dma_start3A_60 = tpu.memref_slice %arg7[%mul3A_36, %dma_start3A_59] : memref<42x128xi32, #tpu.memory_space<vmem>> -> memref<1x128xi32, #tpu.memory_space<vmem>>
        %dma_start3A_61 = tpu.memref_squeeze %dma_start3A_60 : memref<1x128xi32, #tpu.memory_space<vmem>> -> memref<128xi32, #tpu.memory_space<vmem>>
        %dma_start3A_62 = arith.constant 0 : i32
        %dma_start3A_63 = arith.constant 0 : i32
        %dma_start3A_64 = tpu.memref_slice %arg2[%dma_start3A_62, %dma_start3A_63] : memref<10240x128xf32, #tpu.memory_space<hbm>> -> memref<10240x128xf32, #tpu.memory_space<hbm>>
        tpu.enqueue_indirect_dma source(%dma_start3A_64 : memref<10240x128xf32, #tpu.memory_space<hbm>>) target(%arg9 : memref<128x128xf32, #tpu.memory_space<vmem>>) offsets(%dma_start3A_61 : memref<128xi32, #tpu.memory_space<vmem>>) semaphore(%run_scoped3A_58 : memref<!tpu.dma_semaphore, #tpu.memory_space<semaphore_mem>>)
        %dma_wait3A_65 = arith.constant 0 : i32
        %dma_wait3A_66 = tpu.memref_slice %arg7[%mul3A_36, %dma_wait3A_65] : memref<42x128xi32, #tpu.memory_space<vmem>> -> memref<1x128xi32, #tpu.memory_space<vmem>>
        %dma_wait3A_67 = tpu.memref_squeeze %dma_wait3A_66 : memref<1x128xi32, #tpu.memory_space<vmem>> -> memref<128xi32, #tpu.memory_space<vmem>>
        %dma_wait3A_68 = arith.constant 0 : i32
        %dma_wait3A_69 = arith.constant 0 : i32
        %dma_wait3A_70 = tpu.memref_slice %arg2[%dma_wait3A_68, %dma_wait3A_69] : memref<10240x128xf32, #tpu.memory_space<hbm>> -> memref<10240x128xf32, #tpu.memory_space<hbm>>
        tpu.wait_indirect_dma semaphore(%run_scoped3A_58 : memref<!tpu.dma_semaphore, #tpu.memory_space<semaphore_mem>>) src(%dma_wait3A_70 : memref<10240x128xf32, #tpu.memory_space<hbm>>) dst(%arg9 : memref<128x128xf32, #tpu.memory_space<vmem>>)
        tpu.yield
      }) : () -> ()
      %gt3A = arith.constant 0 : i32
      %gt3A_37 = arith.cmpi sgt, %while3A_34, %gt3A : i32
      %convert_element_type3A = arith.extui %gt3A_37 : i1 to i32
      %cond3A = arith.constant 0 : i32
      %cond3A_38 = arith.cmpi ne, %convert_element_type3A, %cond3A : i32
      scf.if %cond3A_38 {
        %dma_wait3A_58 = arith.constant 0 : i32
        %dma_wait3A_59 = tpu.memref_slice %arg2[%while3A_4, %dma_wait3A_58] : memref<10240x128xf32, #tpu.memory_space<hbm>> -> memref<128x128xf32, #tpu.memory_space<hbm>>
        %dma_wait3A_60 = arith.constant 0 : i32
        %dma_wait3A_61 = tpu.memref_slice %arg2[%while3A_4, %dma_wait3A_60] : memref<10240x128xf32, #tpu.memory_space<hbm>> -> memref<128x128xf32, #tpu.memory_space<hbm>>
        tpu.wait_dma2 semaphore(%arg13 : memref<!tpu.dma_semaphore, #tpu.memory_space<semaphore_mem>>) src(%dma_wait3A_61 : memref<128x128xf32, #tpu.memory_space<hbm>>) dst(%arg10 : memref<128x128xf32, #tpu.memory_space<vmem>>)
      } else {
      }
      %dma_start3A = arith.constant 0 : i32
      %dma_start3A_39 = tpu.memref_slice %arg8[%mul3A_36, %dma_start3A] : memref<42x128xi32, #tpu.memory_space<vmem>> -> memref<1x128xi32, #tpu.memory_space<vmem>>
      %dma_start3A_40 = tpu.memref_squeeze %dma_start3A_39 : memref<1x128xi32, #tpu.memory_space<vmem>> -> memref<128xi32, #tpu.memory_space<vmem>>
      %dma_start3A_41 = arith.constant 0 : i32
      %dma_start3A_42 = arith.constant 0 : i32
      %dma_start3A_43 = tpu.memref_slice %arg11[%dma_start3A_41, %dma_start3A_42] : memref<10240x128xf32, #tpu.memory_space<vmem_shared>> -> memref<10240x128xf32, #tpu.memory_space<vmem_shared>>
      tpu.enqueue_indirect_dma source(%arg9 : memref<128x128xf32, #tpu.memory_space<vmem>>) target(%dma_start3A_43 : memref<10240x128xf32, #tpu.memory_space<vmem_shared>>) offsets(%dma_start3A_40 : memref<128xi32, #tpu.memory_space<vmem>>) semaphore(%arg12 : memref<!tpu.dma_semaphore, #tpu.memory_space<semaphore_mem>>) {add = true}
      %add3A_44 = arith.constant 1 : i32
      %add3A_45 = arith.addi %mul3A_36, %add3A_44 : i32
      "tpu.region"() ({
        %run_scoped3A_58 = tpu.sem_alloc : memref<!tpu.dma_semaphore, #tpu.memory_space<semaphore_mem>>
        %dma_start3A_59 = arith.constant 0 : i32
        %dma_start3A_60 = tpu.memref_slice %arg7[%add3A_45, %dma_start3A_59] : memref<42x128xi32, #tpu.memory_space<vmem>> -> memref<1x128xi32, #tpu.memory_space<vmem>>
        %dma_start3A_61 = tpu.memref_squeeze %dma_start3A_60 : memref<1x128xi32, #tpu.memory_space<vmem>> -> memref<128xi32, #tpu.memory_space<vmem>>
        %dma_start3A_62 = arith.constant 0 : i32
        %dma_start3A_63 = arith.constant 0 : i32
        %dma_start3A_64 = tpu.memref_slice %arg2[%dma_start3A_62, %dma_start3A_63] : memref<10240x128xf32, #tpu.memory_space<hbm>> -> memref<10240x128xf32, #tpu.memory_space<hbm>>
        tpu.enqueue_indirect_dma source(%dma_start3A_64 : memref<10240x128xf32, #tpu.memory_space<hbm>>) target(%arg10 : memref<128x128xf32, #tpu.memory_space<vmem>>) offsets(%dma_start3A_61 : memref<128xi32, #tpu.memory_space<vmem>>) semaphore(%run_scoped3A_58 : memref<!tpu.dma_semaphore, #tpu.memory_space<semaphore_mem>>)
        %dma_wait3A_65 = arith.constant 0 : i32
        %dma_wait3A_66 = tpu.memref_slice %arg7[%add3A_45, %dma_wait3A_65] : memref<42x128xi32, #tpu.memory_space<vmem>> -> memref<1x128xi32, #tpu.memory_space<vmem>>
        %dma_wait3A_67 = tpu.memref_squeeze %dma_wait3A_66 : memref<1x128xi32, #tpu.memory_space<vmem>> -> memref<128xi32, #tpu.memory_space<vmem>>
        %dma_wait3A_68 = arith.constant 0 : i32
        %dma_wait3A_69 = arith.constant 0 : i32
        %dma_wait3A_70 = tpu.memref_slice %arg2[%dma_wait3A_68, %dma_wait3A_69] : memref<10240x128xf32, #tpu.memory_space<hbm>> -> memref<10240x128xf32, #tpu.memory_space<hbm>>
        tpu.wait_indirect_dma semaphore(%run_scoped3A_58 : memref<!tpu.dma_semaphore, #tpu.memory_space<semaphore_mem>>) src(%dma_wait3A_70 : memref<10240x128xf32, #tpu.memory_space<hbm>>) dst(%arg10 : memref<128x128xf32, #tpu.memory_space<vmem>>)
        tpu.yield
      }) : () -> ()
      %dma_wait3A_46 = arith.constant 0 : i32
      %dma_wait3A_47 = tpu.memref_slice %arg2[%while3A_4, %dma_wait3A_46] : memref<10240x128xf32, #tpu.memory_space<hbm>> -> memref<128x128xf32, #tpu.memory_space<hbm>>
      %dma_wait3A_48 = arith.constant 0 : i32
      %dma_wait3A_49 = tpu.memref_slice %arg2[%while3A_4, %dma_wait3A_48] : memref<10240x128xf32, #tpu.memory_space<hbm>> -> memref<128x128xf32, #tpu.memory_space<hbm>>
      tpu.wait_dma2 semaphore(%arg12 : memref<!tpu.dma_semaphore, #tpu.memory_space<semaphore_mem>>) src(%dma_wait3A_49 : memref<128x128xf32, #tpu.memory_space<hbm>>) dst(%arg9 : memref<128x128xf32, #tpu.memory_space<vmem>>)
      %add3A_50 = arith.constant 1 : i32
      %add3A_51 = arith.addi %mul3A_36, %add3A_50 : i32
      %dma_start3A_52 = arith.constant 0 : i32
      %dma_start3A_53 = tpu.memref_slice %arg8[%add3A_51, %dma_start3A_52] : memref<42x128xi32, #tpu.memory_space<vmem>> -> memref<1x128xi32, #tpu.memory_space<vmem>>
      %dma_start3A_54 = tpu.memref_squeeze %dma_start3A_53 : memref<1x128xi32, #tpu.memory_space<vmem>> -> memref<128xi32, #tpu.memory_space<vmem>>
      %dma_start3A_55 = arith.constant 0 : i32
      %dma_start3A_56 = arith.constant 0 : i32
      %dma_start3A_57 = tpu.memref_slice %arg11[%dma_start3A_55, %dma_start3A_56] : memref<10240x128xf32, #tpu.memory_space<vmem_shared>> -> memref<10240x128xf32, #tpu.memory_space<vmem_shared>>
      tpu.enqueue_indirect_dma source(%arg10 : memref<128x128xf32, #tpu.memory_space<vmem>>) target(%dma_start3A_57 : memref<10240x128xf32, #tpu.memory_space<vmem_shared>>) offsets(%dma_start3A_54 : memref<128xi32, #tpu.memory_space<vmem>>) semaphore(%arg13 : memref<!tpu.dma_semaphore, #tpu.memory_space<semaphore_mem>>) {add = true}
    }
    %run_scoped3A_15 = arith.constant 1 : i32
    "tpu.region"() ({
      %run_scoped3A_34 = tpu.sem_alloc : memref<!tpu.dma_semaphore, #tpu.memory_space<semaphore_mem>>
      %dma_start3A = arith.constant 0 : i32
      %dma_start3A_35 = arith.constant 0 : i32
      %dma_start3A_36 = tpu.memref_slice %arg3[%add3A, %run_scoped3A_15, %dma_start3A, %dma_start3A_35] : memref<32x2x42x128xi32, #tpu.memory_space<hbm>> -> memref<1x1x42x128xi32, #tpu.memory_space<hbm>>
      %dma_start3A_37 = tpu.memref_squeeze %dma_start3A_36 : memref<1x1x42x128xi32, #tpu.memory_space<hbm>> -> memref<42x128xi32, #tpu.memory_space<hbm>>
      %dma_start3A_38 = arith.constant 0 : i32
      %dma_start3A_39 = arith.constant 0 : i32
      %dma_start3A_40 = tpu.memref_slice %arg3[%add3A, %run_scoped3A_15, %dma_start3A_38, %dma_start3A_39] : memref<32x2x42x128xi32, #tpu.memory_space<hbm>> -> memref<1x1x42x128xi32, #tpu.memory_space<hbm>>
      %dma_start3A_41 = tpu.memref_squeeze %dma_start3A_40 : memref<1x1x42x128xi32, #tpu.memory_space<hbm>> -> memref<42x128xi32, #tpu.memory_space<hbm>>
      tpu.enqueue_dma source(%dma_start3A_41 : memref<42x128xi32, #tpu.memory_space<hbm>>) target(%arg7 : memref<42x128xi32, #tpu.memory_space<vmem>>) target_semaphore(%run_scoped3A_34 : memref<!tpu.dma_semaphore, #tpu.memory_space<semaphore_mem>>)
      %dma_wait3A_42 = arith.constant 0 : i32
      %dma_wait3A_43 = arith.constant 0 : i32
      %dma_wait3A_44 = tpu.memref_slice %arg3[%add3A, %run_scoped3A_15, %dma_wait3A_42, %dma_wait3A_43] : memref<32x2x42x128xi32, #tpu.memory_space<hbm>> -> memref<1x1x42x128xi32, #tpu.memory_space<hbm>>
      %dma_wait3A_45 = tpu.memref_squeeze %dma_wait3A_44 : memref<1x1x42x128xi32, #tpu.memory_space<hbm>> -> memref<42x128xi32, #tpu.memory_space<hbm>>
      %dma_wait3A_46 = arith.constant 0 : i32
      %dma_wait3A_47 = arith.constant 0 : i32
      %dma_wait3A_48 = tpu.memref_slice %arg3[%add3A, %run_scoped3A_15, %dma_wait3A_46, %dma_wait3A_47] : memref<32x2x42x128xi32, #tpu.memory_space<hbm>> -> memref<1x1x42x128xi32, #tpu.memory_space<hbm>>
      %dma_wait3A_49 = tpu.memref_squeeze %dma_wait3A_48 : memref<1x1x42x128xi32, #tpu.memory_space<hbm>> -> memref<42x128xi32, #tpu.memory_space<hbm>>
      tpu.wait_dma2 semaphore(%run_scoped3A_34 : memref<!tpu.dma_semaphore, #tpu.memory_space<semaphore_mem>>) src(%dma_wait3A_49 : memref<42x128xi32, #tpu.memory_space<hbm>>) dst(%arg7 : memref<42x128xi32, #tpu.memory_space<vmem>>)
      tpu.yield
    }) : () -> ()
    %run_scoped3A_16 = arith.constant 1 : i32
    "tpu.region"() ({
      %run_scoped3A_34 = tpu.sem_alloc : memref<!tpu.dma_semaphore, #tpu.memory_space<semaphore_mem>>
      %dma_start3A = arith.constant 0 : i32
      %dma_start3A_35 = arith.constant 0 : i32
      %dma_start3A_36 = tpu.memref_slice %arg4[%add3A, %run_scoped3A_16, %dma_start3A, %dma_start3A_35] : memref<32x2x42x128xi32, #tpu.memory_space<hbm>> -> memref<1x1x42x128xi32, #tpu.memory_space<hbm>>
      %dma_start3A_37 = tpu.memref_squeeze %dma_start3A_36 : memref<1x1x42x128xi32, #tpu.memory_space<hbm>> -> memref<42x128xi32, #tpu.memory_space<hbm>>
      %dma_start3A_38 = arith.constant 0 : i32
      %dma_start3A_39 = arith.constant 0 : i32
      %dma_start3A_40 = tpu.memref_slice %arg4[%add3A, %run_scoped3A_16, %dma_start3A_38, %dma_start3A_39] : memref<32x2x42x128xi32, #tpu.memory_space<hbm>> -> memref<1x1x42x128xi32, #tpu.memory_space<hbm>>
      %dma_start3A_41 = tpu.memref_squeeze %dma_start3A_40 : memref<1x1x42x128xi32, #tpu.memory_space<hbm>> -> memref<42x128xi32, #tpu.memory_space<hbm>>
      tpu.enqueue_dma source(%dma_start3A_41 : memref<42x128xi32, #tpu.memory_space<hbm>>) target(%arg8 : memref<42x128xi32, #tpu.memory_space<vmem>>) target_semaphore(%run_scoped3A_34 : memref<!tpu.dma_semaphore, #tpu.memory_space<semaphore_mem>>)
      %dma_wait3A_42 = arith.constant 0 : i32
      %dma_wait3A_43 = arith.constant 0 : i32
      %dma_wait3A_44 = tpu.memref_slice %arg4[%add3A, %run_scoped3A_16, %dma_wait3A_42, %dma_wait3A_43] : memref<32x2x42x128xi32, #tpu.memory_space<hbm>> -> memref<1x1x42x128xi32, #tpu.memory_space<hbm>>
      %dma_wait3A_45 = tpu.memref_squeeze %dma_wait3A_44 : memref<1x1x42x128xi32, #tpu.memory_space<hbm>> -> memref<42x128xi32, #tpu.memory_space<hbm>>
      %dma_wait3A_46 = arith.constant 0 : i32
      %dma_wait3A_47 = arith.constant 0 : i32
      %dma_wait3A_48 = tpu.memref_slice %arg4[%add3A, %run_scoped3A_16, %dma_wait3A_46, %dma_wait3A_47] : memref<32x2x42x128xi32, #tpu.memory_space<hbm>> -> memref<1x1x42x128xi32, #tpu.memory_space<hbm>>
      %dma_wait3A_49 = tpu.memref_squeeze %dma_wait3A_48 : memref<1x1x42x128xi32, #tpu.memory_space<hbm>> -> memref<42x128xi32, #tpu.memory_space<hbm>>
      tpu.wait_dma2 semaphore(%run_scoped3A_34 : memref<!tpu.dma_semaphore, #tpu.memory_space<semaphore_mem>>) src(%dma_wait3A_49 : memref<42x128xi32, #tpu.memory_space<hbm>>) dst(%arg8 : memref<42x128xi32, #tpu.memory_space<vmem>>)
      tpu.yield
    }) : () -> ()
    %while3A_17 = arith.constant 0 : i32
    %while3A_18 = arith.constant 0 : i32
    %while3A_19 = arith.constant 0 : i32
    %while3A_20 = arith.constant 21 : i32
    %while3A_21 = arith.subi %while3A_20, %while3A_19 : i32
    %while3A_22 = arith.addi %while3A_19, %while3A_21 : i32
    %while3A_23 = arith.constant 1 : i32
    %while3A_24 = arith.divsi %while3A_21, %while3A_23 : i32
    %while3A_25 = arith.muli %while3A_24, %while3A_23 : i32
    %while3A_26 = arith.addi %while3A_19, %while3A_25 : i32
    %while3A_27 = arith.constant 1 : i32
    scf.for %while3A_34 = %while3A_19 to %while3A_26 step %while3A_27  : i32 {
      %mul3A_35 = arith.constant 2 : i32
      %mul3A_36 = arith.muli %while3A_34, %mul3A_35 : i32
      "tpu.region"() ({
        %run_scoped3A_60 = tpu.sem_alloc : memref<!tpu.dma_semaphore, #tpu.memory_space<semaphore_mem>>
        %dma_start3A_61 = arith.constant 0 : i32
        %dma_start3A_62 = tpu.memref_slice %arg7[%mul3A_36, %dma_start3A_61] : memref<42x128xi32, #tpu.memory_space<vmem>> -> memref<1x128xi32, #tpu.memory_space<vmem>>
        %dma_start3A_63 = tpu.memref_squeeze %dma_start3A_62 : memref<1x128xi32, #tpu.memory_space<vmem>> -> memref<128xi32, #tpu.memory_space<vmem>>
        %dma_start3A_64 = arith.constant 0 : i32
        %dma_start3A_65 = arith.constant 0 : i32
        %dma_start3A_66 = tpu.memref_slice %arg2[%dma_start3A_64, %dma_start3A_65] : memref<10240x128xf32, #tpu.memory_space<hbm>> -> memref<10240x128xf32, #tpu.memory_space<hbm>>
        tpu.enqueue_indirect_dma source(%dma_start3A_66 : memref<10240x128xf32, #tpu.memory_space<hbm>>) target(%arg9 : memref<128x128xf32, #tpu.memory_space<vmem>>) offsets(%dma_start3A_63 : memref<128xi32, #tpu.memory_space<vmem>>) semaphore(%run_scoped3A_60 : memref<!tpu.dma_semaphore, #tpu.memory_space<semaphore_mem>>)
        %dma_wait3A_67 = arith.constant 0 : i32
        %dma_wait3A_68 = tpu.memref_slice %arg7[%mul3A_36, %dma_wait3A_67] : memref<42x128xi32, #tpu.memory_space<vmem>> -> memref<1x128xi32, #tpu.memory_space<vmem>>
        %dma_wait3A_69 = tpu.memref_squeeze %dma_wait3A_68 : memref<1x128xi32, #tpu.memory_space<vmem>> -> memref<128xi32, #tpu.memory_space<vmem>>
        %dma_wait3A_70 = arith.constant 0 : i32
        %dma_wait3A_71 = arith.constant 0 : i32
        %dma_wait3A_72 = tpu.memref_slice %arg2[%dma_wait3A_70, %dma_wait3A_71] : memref<10240x128xf32, #tpu.memory_space<hbm>> -> memref<10240x128xf32, #tpu.memory_space<hbm>>
        tpu.wait_indirect_dma semaphore(%run_scoped3A_60 : memref<!tpu.dma_semaphore, #tpu.memory_space<semaphore_mem>>) src(%dma_wait3A_72 : memref<10240x128xf32, #tpu.memory_space<hbm>>) dst(%arg9 : memref<128x128xf32, #tpu.memory_space<vmem>>)
        tpu.yield
      }) : () -> ()
      %dma_wait3A_37 = arith.constant 0 : i32
      %dma_wait3A_38 = tpu.memref_slice %arg2[%while3A_18, %dma_wait3A_37] : memref<10240x128xf32, #tpu.memory_space<hbm>> -> memref<128x128xf32, #tpu.memory_space<hbm>>
      %dma_wait3A_39 = arith.constant 0 : i32
      %dma_wait3A_40 = tpu.memref_slice %arg2[%while3A_18, %dma_wait3A_39] : memref<10240x128xf32, #tpu.memory_space<hbm>> -> memref<128x128xf32, #tpu.memory_space<hbm>>
      tpu.wait_dma2 semaphore(%arg13 : memref<!tpu.dma_semaphore, #tpu.memory_space<semaphore_mem>>) src(%dma_wait3A_40 : memref<128x128xf32, #tpu.memory_space<hbm>>) dst(%arg10 : memref<128x128xf32, #tpu.memory_space<vmem>>)
      %dma_start3A = arith.constant 0 : i32
      %dma_start3A_41 = tpu.memref_slice %arg8[%mul3A_36, %dma_start3A] : memref<42x128xi32, #tpu.memory_space<vmem>> -> memref<1x128xi32, #tpu.memory_space<vmem>>
      %dma_start3A_42 = tpu.memref_squeeze %dma_start3A_41 : memref<1x128xi32, #tpu.memory_space<vmem>> -> memref<128xi32, #tpu.memory_space<vmem>>
      %dma_start3A_43 = arith.constant 0 : i32
      %dma_start3A_44 = arith.constant 0 : i32
      %dma_start3A_45 = tpu.memref_slice %arg11[%dma_start3A_43, %dma_start3A_44] : memref<10240x128xf32, #tpu.memory_space<vmem_shared>> -> memref<10240x128xf32, #tpu.memory_space<vmem_shared>>
      tpu.enqueue_indirect_dma source(%arg9 : memref<128x128xf32, #tpu.memory_space<vmem>>) target(%dma_start3A_45 : memref<10240x128xf32, #tpu.memory_space<vmem_shared>>) offsets(%dma_start3A_42 : memref<128xi32, #tpu.memory_space<vmem>>) semaphore(%arg12 : memref<!tpu.dma_semaphore, #tpu.memory_space<semaphore_mem>>) {add = true}
      %add3A_46 = arith.constant 1 : i32
      %add3A_47 = arith.addi %mul3A_36, %add3A_46 : i32
      "tpu.region"() ({
        %run_scoped3A_60 = tpu.sem_alloc : memref<!tpu.dma_semaphore, #tpu.memory_space<semaphore_mem>>
        %dma_start3A_61 = arith.constant 0 : i32
        %dma_start3A_62 = tpu.memref_slice %arg7[%add3A_47, %dma_start3A_61] : memref<42x128xi32, #tpu.memory_space<vmem>> -> memref<1x128xi32, #tpu.memory_space<vmem>>
        %dma_start3A_63 = tpu.memref_squeeze %dma_start3A_62 : memref<1x128xi32, #tpu.memory_space<vmem>> -> memref<128xi32, #tpu.memory_space<vmem>>
        %dma_start3A_64 = arith.constant 0 : i32
        %dma_start3A_65 = arith.constant 0 : i32
        %dma_start3A_66 = tpu.memref_slice %arg2[%dma_start3A_64, %dma_start3A_65] : memref<10240x128xf32, #tpu.memory_space<hbm>> -> memref<10240x128xf32, #tpu.memory_space<hbm>>
        tpu.enqueue_indirect_dma source(%dma_start3A_66 : memref<10240x128xf32, #tpu.memory_space<hbm>>) target(%arg10 : memref<128x128xf32, #tpu.memory_space<vmem>>) offsets(%dma_start3A_63 : memref<128xi32, #tpu.memory_space<vmem>>) semaphore(%run_scoped3A_60 : memref<!tpu.dma_semaphore, #tpu.memory_space<semaphore_mem>>)
        %dma_wait3A_67 = arith.constant 0 : i32
        %dma_wait3A_68 = tpu.memref_slice %arg7[%add3A_47, %dma_wait3A_67] : memref<42x128xi32, #tpu.memory_space<vmem>> -> memref<1x128xi32, #tpu.memory_space<vmem>>
        %dma_wait3A_69 = tpu.memref_squeeze %dma_wait3A_68 : memref<1x128xi32, #tpu.memory_space<vmem>> -> memref<128xi32, #tpu.memory_space<vmem>>
        %dma_wait3A_70 = arith.constant 0 : i32
        %dma_wait3A_71 = arith.constant 0 : i32
        %dma_wait3A_72 = tpu.memref_slice %arg2[%dma_wait3A_70, %dma_wait3A_71] : memref<10240x128xf32, #tpu.memory_space<hbm>> -> memref<10240x128xf32, #tpu.memory_space<hbm>>
        tpu.wait_indirect_dma semaphore(%run_scoped3A_60 : memref<!tpu.dma_semaphore, #tpu.memory_space<semaphore_mem>>) src(%dma_wait3A_72 : memref<10240x128xf32, #tpu.memory_space<hbm>>) dst(%arg10 : memref<128x128xf32, #tpu.memory_space<vmem>>)
        tpu.yield
      }) : () -> ()
      %dma_wait3A_48 = arith.constant 0 : i32
      %dma_wait3A_49 = tpu.memref_slice %arg2[%while3A_18, %dma_wait3A_48] : memref<10240x128xf32, #tpu.memory_space<hbm>> -> memref<128x128xf32, #tpu.memory_space<hbm>>
      %dma_wait3A_50 = arith.constant 0 : i32
      %dma_wait3A_51 = tpu.memref_slice %arg2[%while3A_18, %dma_wait3A_50] : memref<10240x128xf32, #tpu.memory_space<hbm>> -> memref<128x128xf32, #tpu.memory_space<hbm>>
      tpu.wait_dma2 semaphore(%arg12 : memref<!tpu.dma_semaphore, #tpu.memory_space<semaphore_mem>>) src(%dma_wait3A_51 : memref<128x128xf32, #tpu.memory_space<hbm>>) dst(%arg9 : memref<128x128xf32, #tpu.memory_space<vmem>>)
      %add3A_52 = arith.constant 1 : i32
      %add3A_53 = arith.addi %mul3A_36, %add3A_52 : i32
      %dma_start3A_54 = arith.constant 0 : i32
      %dma_start3A_55 = tpu.memref_slice %arg8[%add3A_53, %dma_start3A_54] : memref<42x128xi32, #tpu.memory_space<vmem>> -> memref<1x128xi32, #tpu.memory_space<vmem>>
      %dma_start3A_56 = tpu.memref_squeeze %dma_start3A_55 : memref<1x128xi32, #tpu.memory_space<vmem>> -> memref<128xi32, #tpu.memory_space<vmem>>
      %dma_start3A_57 = arith.constant 0 : i32
      %dma_start3A_58 = arith.constant 0 : i32
      %dma_start3A_59 = tpu.memref_slice %arg11[%dma_start3A_57, %dma_start3A_58] : memref<10240x128xf32, #tpu.memory_space<vmem_shared>> -> memref<10240x128xf32, #tpu.memory_space<vmem_shared>>
      tpu.enqueue_indirect_dma source(%arg10 : memref<128x128xf32, #tpu.memory_space<vmem>>) target(%dma_start3A_59 : memref<10240x128xf32, #tpu.memory_space<vmem_shared>>) offsets(%dma_start3A_56 : memref<128xi32, #tpu.memory_space<vmem>>) semaphore(%arg13 : memref<!tpu.dma_semaphore, #tpu.memory_space<semaphore_mem>>) {add = true}
    }
    %while3A_28 = arith.constant 1 : i32
    scf.for %while3A_34 = %while3A_26 to %while3A_22 step %while3A_28  : i32 {
      %mul3A_35 = arith.constant 2 : i32
      %mul3A_36 = arith.muli %while3A_34, %mul3A_35 : i32
      "tpu.region"() ({
        %run_scoped3A_60 = tpu.sem_alloc : memref<!tpu.dma_semaphore, #tpu.memory_space<semaphore_mem>>
        %dma_start3A_61 = arith.constant 0 : i32
        %dma_start3A_62 = tpu.memref_slice %arg7[%mul3A_36, %dma_start3A_61] : memref<42x128xi32, #tpu.memory_space<vmem>> -> memref<1x128xi32, #tpu.memory_space<vmem>>
        %dma_start3A_63 = tpu.memref_squeeze %dma_start3A_62 : memref<1x128xi32, #tpu.memory_space<vmem>> -> memref<128xi32, #tpu.memory_space<vmem>>
        %dma_start3A_64 = arith.constant 0 : i32
        %dma_start3A_65 = arith.constant 0 : i32
        %dma_start3A_66 = tpu.memref_slice %arg2[%dma_start3A_64, %dma_start3A_65] : memref<10240x128xf32, #tpu.memory_space<hbm>> -> memref<10240x128xf32, #tpu.memory_space<hbm>>
        tpu.enqueue_indirect_dma source(%dma_start3A_66 : memref<10240x128xf32, #tpu.memory_space<hbm>>) target(%arg9 : memref<128x128xf32, #tpu.memory_space<vmem>>) offsets(%dma_start3A_63 : memref<128xi32, #tpu.memory_space<vmem>>) semaphore(%run_scoped3A_60 : memref<!tpu.dma_semaphore, #tpu.memory_space<semaphore_mem>>)
        %dma_wait3A_67 = arith.constant 0 : i32
        %dma_wait3A_68 = tpu.memref_slice %arg7[%mul3A_36, %dma_wait3A_67] : memref<42x128xi32, #tpu.memory_space<vmem>> -> memref<1x128xi32, #tpu.memory_space<vmem>>
        %dma_wait3A_69 = tpu.memref_squeeze %dma_wait3A_68 : memref<1x128xi32, #tpu.memory_space<vmem>> -> memref<128xi32, #tpu.memory_space<vmem>>
        %dma_wait3A_70 = arith.constant 0 : i32
        %dma_wait3A_71 = arith.constant 0 : i32
        %dma_wait3A_72 = tpu.memref_slice %arg2[%dma_wait3A_70, %dma_wait3A_71] : memref<10240x128xf32, #tpu.memory_space<hbm>> -> memref<10240x128xf32, #tpu.memory_space<hbm>>
        tpu.wait_indirect_dma semaphore(%run_scoped3A_60 : memref<!tpu.dma_semaphore, #tpu.memory_space<semaphore_mem>>) src(%dma_wait3A_72 : memref<10240x128xf32, #tpu.memory_space<hbm>>) dst(%arg9 : memref<128x128xf32, #tpu.memory_space<vmem>>)
        tpu.yield
      }) : () -> ()
      %dma_wait3A_37 = arith.constant 0 : i32
      %dma_wait3A_38 = tpu.memref_slice %arg2[%while3A_18, %dma_wait3A_37] : memref<10240x128xf32, #tpu.memory_space<hbm>> -> memref<128x128xf32, #tpu.memory_space<hbm>>
      %dma_wait3A_39 = arith.constant 0 : i32
      %dma_wait3A_40 = tpu.memref_slice %arg2[%while3A_18, %dma_wait3A_39] : memref<10240x128xf32, #tpu.memory_space<hbm>> -> memref<128x128xf32, #tpu.memory_space<hbm>>
      tpu.wait_dma2 semaphore(%arg13 : memref<!tpu.dma_semaphore, #tpu.memory_space<semaphore_mem>>) src(%dma_wait3A_40 : memref<128x128xf32, #tpu.memory_space<hbm>>) dst(%arg10 : memref<128x128xf32, #tpu.memory_space<vmem>>)
      %dma_start3A = arith.constant 0 : i32
      %dma_start3A_41 = tpu.memref_slice %arg8[%mul3A_36, %dma_start3A] : memref<42x128xi32, #tpu.memory_space<vmem>> -> memref<1x128xi32, #tpu.memory_space<vmem>>
      %dma_start3A_42 = tpu.memref_squeeze %dma_start3A_41 : memref<1x128xi32, #tpu.memory_space<vmem>> -> memref<128xi32, #tpu.memory_space<vmem>>
      %dma_start3A_43 = arith.constant 0 : i32
      %dma_start3A_44 = arith.constant 0 : i32
      %dma_start3A_45 = tpu.memref_slice %arg11[%dma_start3A_43, %dma_start3A_44] : memref<10240x128xf32, #tpu.memory_space<vmem_shared>> -> memref<10240x128xf32, #tpu.memory_space<vmem_shared>>
      tpu.enqueue_indirect_dma source(%arg9 : memref<128x128xf32, #tpu.memory_space<vmem>>) target(%dma_start3A_45 : memref<10240x128xf32, #tpu.memory_space<vmem_shared>>) offsets(%dma_start3A_42 : memref<128xi32, #tpu.memory_space<vmem>>) semaphore(%arg12 : memref<!tpu.dma_semaphore, #tpu.memory_space<semaphore_mem>>) {add = true}
      %add3A_46 = arith.constant 1 : i32
      %add3A_47 = arith.addi %mul3A_36, %add3A_46 : i32
      "tpu.region"() ({
        %run_scoped3A_60 = tpu.sem_alloc : memref<!tpu.dma_semaphore, #tpu.memory_space<semaphore_mem>>
        %dma_start3A_61 = arith.constant 0 : i32
        %dma_start3A_62 = tpu.memref_slice %arg7[%add3A_47, %dma_start3A_61] : memref<42x128xi32, #tpu.memory_space<vmem>> -> memref<1x128xi32, #tpu.memory_space<vmem>>
        %dma_start3A_63 = tpu.memref_squeeze %dma_start3A_62 : memref<1x128xi32, #tpu.memory_space<vmem>> -> memref<128xi32, #tpu.memory_space<vmem>>
        %dma_start3A_64 = arith.constant 0 : i32
        %dma_start3A_65 = arith.constant 0 : i32
        %dma_start3A_66 = tpu.memref_slice %arg2[%dma_start3A_64, %dma_start3A_65] : memref<10240x128xf32, #tpu.memory_space<hbm>> -> memref<10240x128xf32, #tpu.memory_space<hbm>>
        tpu.enqueue_indirect_dma source(%dma_start3A_66 : memref<10240x128xf32, #tpu.memory_space<hbm>>) target(%arg10 : memref<128x128xf32, #tpu.memory_space<vmem>>) offsets(%dma_start3A_63 : memref<128xi32, #tpu.memory_space<vmem>>) semaphore(%run_scoped3A_60 : memref<!tpu.dma_semaphore, #tpu.memory_space<semaphore_mem>>)
        %dma_wait3A_67 = arith.constant 0 : i32
        %dma_wait3A_68 = tpu.memref_slice %arg7[%add3A_47, %dma_wait3A_67] : memref<42x128xi32, #tpu.memory_space<vmem>> -> memref<1x128xi32, #tpu.memory_space<vmem>>
        %dma_wait3A_69 = tpu.memref_squeeze %dma_wait3A_68 : memref<1x128xi32, #tpu.memory_space<vmem>> -> memref<128xi32, #tpu.memory_space<vmem>>
        %dma_wait3A_70 = arith.constant 0 : i32
        %dma_wait3A_71 = arith.constant 0 : i32
        %dma_wait3A_72 = tpu.memref_slice %arg2[%dma_wait3A_70, %dma_wait3A_71] : memref<10240x128xf32, #tpu.memory_space<hbm>> -> memref<10240x128xf32, #tpu.memory_space<hbm>>
        tpu.wait_indirect_dma semaphore(%run_scoped3A_60 : memref<!tpu.dma_semaphore, #tpu.memory_space<semaphore_mem>>) src(%dma_wait3A_72 : memref<10240x128xf32, #tpu.memory_space<hbm>>) dst(%arg10 : memref<128x128xf32, #tpu.memory_space<vmem>>)
        tpu.yield
      }) : () -> ()
      %dma_wait3A_48 = arith.constant 0 : i32
      %dma_wait3A_49 = tpu.memref_slice %arg2[%while3A_18, %dma_wait3A_48] : memref<10240x128xf32, #tpu.memory_space<hbm>> -> memref<128x128xf32, #tpu.memory_space<hbm>>
      %dma_wait3A_50 = arith.constant 0 : i32
      %dma_wait3A_51 = tpu.memref_slice %arg2[%while3A_18, %dma_wait3A_50] : memref<10240x128xf32, #tpu.memory_space<hbm>> -> memref<128x128xf32, #tpu.memory_space<hbm>>
      tpu.wait_dma2 semaphore(%arg12 : memref<!tpu.dma_semaphore, #tpu.memory_space<semaphore_mem>>) src(%dma_wait3A_51 : memref<128x128xf32, #tpu.memory_space<hbm>>) dst(%arg9 : memref<128x128xf32, #tpu.memory_space<vmem>>)
      %add3A_52 = arith.constant 1 : i32
      %add3A_53 = arith.addi %mul3A_36, %add3A_52 : i32
      %dma_start3A_54 = arith.constant 0 : i32
      %dma_start3A_55 = tpu.memref_slice %arg8[%add3A_53, %dma_start3A_54] : memref<42x128xi32, #tpu.memory_space<vmem>> -> memref<1x128xi32, #tpu.memory_space<vmem>>
      %dma_start3A_56 = tpu.memref_squeeze %dma_start3A_55 : memref<1x128xi32, #tpu.memory_space<vmem>> -> memref<128xi32, #tpu.memory_space<vmem>>
      %dma_start3A_57 = arith.constant 0 : i32
      %dma_start3A_58 = arith.constant 0 : i32
      %dma_start3A_59 = tpu.memref_slice %arg11[%dma_start3A_57, %dma_start3A_58] : memref<10240x128xf32, #tpu.memory_space<vmem_shared>> -> memref<10240x128xf32, #tpu.memory_space<vmem_shared>>
      tpu.enqueue_indirect_dma source(%arg10 : memref<128x128xf32, #tpu.memory_space<vmem>>) target(%dma_start3A_59 : memref<10240x128xf32, #tpu.memory_space<vmem_shared>>) offsets(%dma_start3A_56 : memref<128xi32, #tpu.memory_space<vmem>>) semaphore(%arg13 : memref<!tpu.dma_semaphore, #tpu.memory_space<semaphore_mem>>) {add = true}
    }
    %dma_wait3A = arith.constant 0 : i32
    %dma_wait3A_29 = arith.constant 0 : i32
    %dma_wait3A_30 = tpu.memref_slice %arg2[%dma_wait3A, %dma_wait3A_29] : memref<10240x128xf32, #tpu.memory_space<hbm>> -> memref<128x128xf32, #tpu.memory_space<hbm>>
    %dma_wait3A_31 = arith.constant 0 : i32
    %dma_wait3A_32 = tpu.memref_slice %arg2[%dma_wait3A, %dma_wait3A_31] : memref<10240x128xf32, #tpu.memory_space<hbm>> -> memref<128x128xf32, #tpu.memory_space<hbm>>
    tpu.wait_dma2 semaphore(%arg13 : memref<!tpu.dma_semaphore, #tpu.memory_space<semaphore_mem>>) src(%dma_wait3A_32 : memref<128x128xf32, #tpu.memory_space<hbm>>) dst(%arg10 : memref<128x128xf32, #tpu.memory_space<vmem>>)
    %barrier3A_33 = arith.constant 0 : index
    tpu.barrier barrier_id(%barrier3A_33)
    "tpu.region"() ({
      %run_scoped3A_34 = tpu.sem_alloc : memref<!tpu.dma_semaphore, #tpu.memory_space<semaphore_mem>>
      %dma_start3A = arith.constant 0 : i32
      %dma_start3A_35 = tpu.memref_slice %arg6[%arg0, %mul3A_2, %dma_start3A] : memref<2x10240x128xf32, #tpu.memory_space<hbm>> -> memref<1x640x128xf32, #tpu.memory_space<hbm>>
      %dma_start3A_36 = tpu.memref_squeeze %dma_start3A_35 : memref<1x640x128xf32, #tpu.memory_space<hbm>> -> memref<640x128xf32, #tpu.memory_space<hbm>>
      %dma_start3A_37 = arith.constant 0 : i32
      %dma_start3A_38 = tpu.memref_slice %arg11[%mul3A_2, %dma_start3A_37] : memref<10240x128xf32, #tpu.memory_space<vmem_shared>> -> memref<640x128xf32, #tpu.memory_space<vmem_shared>>
      tpu.enqueue_dma source(%dma_start3A_38 : memref<640x128xf32, #tpu.memory_space<vmem_shared>>) target(%dma_start3A_36 : memref<640x128xf32, #tpu.memory_space<hbm>>) target_semaphore(%run_scoped3A_34 : memref<!tpu.dma_semaphore, #tpu.memory_space<semaphore_mem>>)
      %dma_wait3A_39 = arith.constant 0 : i32
      %dma_wait3A_40 = tpu.memref_slice %arg6[%arg0, %mul3A_2, %dma_wait3A_39] : memref<2x10240x128xf32, #tpu.memory_space<hbm>> -> memref<1x640x128xf32, #tpu.memory_space<hbm>>
      %dma_wait3A_41 = tpu.memref_squeeze %dma_wait3A_40 : memref<1x640x128xf32, #tpu.memory_space<hbm>> -> memref<640x128xf32, #tpu.memory_space<hbm>>
      %dma_wait3A_42 = arith.constant 0 : i32
      %dma_wait3A_43 = tpu.memref_slice %arg11[%mul3A_2, %dma_wait3A_42] : memref<10240x128xf32, #tpu.memory_space<vmem_shared>> -> memref<640x128xf32, #tpu.memory_space<vmem_shared>>
      tpu.wait_dma2 semaphore(%run_scoped3A_34 : memref<!tpu.dma_semaphore, #tpu.memory_space<semaphore_mem>>) src(%dma_wait3A_43 : memref<640x128xf32, #tpu.memory_space<vmem_shared>>) dst(%dma_wait3A_41 : memref<640x128xf32, #tpu.memory_space<hbm>>)
      tpu.yield
    }) : () -> ()
    return
  }
}

module attributes {stable_mosaic.version = 14 : i64} {
  func.func @_l1_body(%arg0: i32, %arg1: memref<1024x128xf32, #tpu.memory_space<vmem>>, %arg2: memref<128x128xf32, #tpu.memory_space<vmem>>, %arg3: memref<2x8x128xf32, #tpu.memory_space<vmem>>, %arg4: memref<1024x128xf32, #tpu.memory_space<vmem>>) attributes {dimension_semantics = [#tpu.dimension_semantics<arbitrary>], iteration_bounds = array<i64: 10>, scalar_prefetch = 0 : i64, scratch_operands = 0 : i64, tpu.core_type = #tpu.core_type<tc>, window_params = [{transform_indices = @transform_0, window_bounds = array<i64: 1024, 128>}, {pipeline_mode = #tpu.pipeline_mode<synchronous>, transform_indices = @transform_1, window_bounds = array<i64: 128, 128>}, {transform_indices = @transform_2, window_bounds = array<i64: 2, 8, 128>}, {transform_indices = @transform_3, window_bounds = array<i64: 1024, 128>}]} {
    %get3A = arith.constant 0 : index
    %get3A_0 = arith.constant 0 : index
    %get3A_1 = vector.load %arg1[%get3A, %get3A_0] : memref<1024x128xf32, #tpu.memory_space<vmem>>, vector<1024x128xf32>
    %get3A_2 = arith.constant 0 : index
    %get3A_3 = arith.constant 0 : index
    %get3A_4 = vector.load %arg2[%get3A_2, %get3A_3] : memref<128x128xf32, #tpu.memory_space<vmem>>, vector<128x128xf32>
    %dot_general3A = arith.constant dense<0.000000e+00> : vector<1024x128xf32>
    %dot_general3A_5 = tpu.matmul %get3A_1, %get3A_4, %dot_general3A {dimension_numbers = #tpu.dot_dimension_numbers<[1], [0], [0], [1], [0, 0, 1, 1], [], []>, transpose_lhs_hint = false} : vector<1024x128xf32>, vector<128x128xf32>, vector<1024x128xf32> -> vector<1024x128xf32>
    %get3A_6 = arith.constant 0 : index
    %get3A_7 = arith.constant 0 : index
    %get3A_8 = arith.constant 0 : index
    %get3A_9 = vector.load %arg3[%get3A_6, %get3A_7, %get3A_8] : memref<2x8x128xf32, #tpu.memory_space<vmem>>, vector<1x8x128xf32>
    %get3A_10 = vector.shape_cast %get3A_9 : vector<1x8x128xf32> to vector<8x128xf32>
    %get3A_11 = arith.constant 1 : index
    %get3A_12 = arith.constant 0 : index
    %get3A_13 = arith.constant 0 : index
    %get3A_14 = vector.load %arg3[%get3A_11, %get3A_12, %get3A_13] : memref<2x8x128xf32, #tpu.memory_space<vmem>>, vector<1x8x128xf32>
    %get3A_15 = vector.shape_cast %get3A_14 : vector<1x8x128xf32> to vector<8x128xf32>
    %add3A = arith.addf %get3A_10, %get3A_15 : vector<8x128xf32>
    %max3A = arith.constant 1.000000e+00 : f32
    %max3A_16 = vector.broadcast %max3A : f32 to vector<8x128xf32>
    %max3A_17 = arith.maximumf %add3A, %max3A_16 : vector<8x128xf32>
    %rsqrt3A = math.rsqrt %max3A_17 : vector<8x128xf32>
    %reshape3A = vector.shape_cast %dot_general3A_5 : vector<1024x128xf32> to vector<8x128x128xf32>
    %broadcast_in_dim3A = vector.shape_cast %rsqrt3A : vector<8x128xf32> to vector<8x128x1xf32>
    %mul3A = vector.broadcast %broadcast_in_dim3A : vector<8x128x1xf32> to vector<8x128x128xf32>
    %mul3A_18 = arith.mulf %reshape3A, %mul3A : vector<8x128x128xf32>
    %reshape3A_19 = vector.shape_cast %mul3A_18 : vector<8x128x128xf32> to vector<1024x128xf32>
    %swap3A = arith.constant 0 : index
    %swap3A_20 = arith.constant 0 : index
    %swap3A_21 = vector.load %arg4[%swap3A, %swap3A_20] : memref<1024x128xf32, #tpu.memory_space<vmem>>, vector<1024x128xf32>
    tpu.vector_store %arg4[%swap3A, %swap3A_20], %reshape3A_19 {strides = array<i32>} : memref<1024x128xf32, #tpu.memory_space<vmem>>, vector<1024x128xf32>,
    return
  }
  func.func @transform_0(%arg0: i32) -> (i32, i32) {
    %c0_i32 = arith.constant 0 : i32
    %c0_i32_0 = arith.constant 0 : i32
    return %arg0, %c0_i32 : i32, i32
  }
  func.func @transform_1(%arg0: i32) -> (i32, i32) {
    %c0_i32 = arith.constant 0 : i32
    %c0_i32_0 = arith.constant 0 : i32
    %c0_i32_1 = arith.constant 0 : i32
    return %c0_i32, %c0_i32_0 : i32, i32
  }
  func.func @transform_2(%arg0: i32) -> (i32, i32, i32) {
    %c0_i32 = arith.constant 0 : i32
    %c0_i32_0 = arith.constant 0 : i32
    %c0_i32_1 = arith.constant 0 : i32
    return %c0_i32, %arg0, %c0_i32_0 : i32, i32, i32
  }
  func.func @transform_3(%arg0: i32) -> (i32, i32) {
    %c0_i32 = arith.constant 0 : i32
    %c0_i32_0 = arith.constant 0 : i32
    return %arg0, %c0_i32 : i32, i32
  }
}

module attributes {stable_mosaic.version = 14 : i64} {
  func.func @_mid_body(%arg0: i32, %arg1: memref<2x1024x128xf32, #tpu.memory_space<vmem>>, %arg2: memref<2x8x128xf32, #tpu.memory_space<vmem>>, %arg3: memref<1x128xf32, #tpu.memory_space<vmem>>, %arg4: memref<128x128xf32, #tpu.memory_space<vmem>>, %arg5: memref<2x8x128xf32, #tpu.memory_space<vmem>>, %arg6: memref<1024x128xf32, #tpu.memory_space<vmem>>) attributes {dimension_semantics = [#tpu.dimension_semantics<arbitrary>], iteration_bounds = array<i64: 10>, scalar_prefetch = 0 : i64, scratch_operands = 0 : i64, tpu.core_type = #tpu.core_type<tc>, window_params = [{transform_indices = @transform_0, window_bounds = array<i64: 2, 1024, 128>}, {transform_indices = @transform_1, window_bounds = array<i64: 2, 8, 128>}, {pipeline_mode = #tpu.pipeline_mode<synchronous>, transform_indices = @transform_2, window_bounds = array<i64: 1, 128>}, {pipeline_mode = #tpu.pipeline_mode<synchronous>, transform_indices = @transform_3, window_bounds = array<i64: 128, 128>}, {transform_indices = @transform_4, window_bounds = array<i64: 2, 8, 128>}, {transform_indices = @transform_5, window_bounds = array<i64: 1024, 128>}]} {
    %get3A = arith.constant 0 : index
    %get3A_0 = arith.constant 0 : index
    %get3A_1 = arith.constant 0 : index
    %get3A_2 = vector.load %arg1[%get3A, %get3A_0, %get3A_1] : memref<2x1024x128xf32, #tpu.memory_space<vmem>>, vector<1x1024x128xf32>
    %get3A_3 = vector.shape_cast %get3A_2 : vector<1x1024x128xf32> to vector<1024x128xf32>
    %get3A_4 = arith.constant 1 : index
    %get3A_5 = arith.constant 0 : index
    %get3A_6 = arith.constant 0 : index
    %get3A_7 = vector.load %arg1[%get3A_4, %get3A_5, %get3A_6] : memref<2x1024x128xf32, #tpu.memory_space<vmem>>, vector<1x1024x128xf32>
    %get3A_8 = vector.shape_cast %get3A_7 : vector<1x1024x128xf32> to vector<1024x128xf32>
    %add3A = arith.addf %get3A_3, %get3A_8 : vector<1024x128xf32>
    %get3A_9 = arith.constant 0 : index
    %get3A_10 = arith.constant 0 : index
    %get3A_11 = arith.constant 0 : index
    %get3A_12 = vector.load %arg2[%get3A_9, %get3A_10, %get3A_11] : memref<2x8x128xf32, #tpu.memory_space<vmem>>, vector<1x8x128xf32>
    %get3A_13 = vector.shape_cast %get3A_12 : vector<1x8x128xf32> to vector<8x128xf32>
    %get3A_14 = arith.constant 1 : index
    %get3A_15 = arith.constant 0 : index
    %get3A_16 = arith.constant 0 : index
    %get3A_17 = vector.load %arg2[%get3A_14, %get3A_15, %get3A_16] : memref<2x8x128xf32, #tpu.memory_space<vmem>>, vector<1x8x128xf32>
    %get3A_18 = vector.shape_cast %get3A_17 : vector<1x8x128xf32> to vector<8x128xf32>
    %add3A_19 = arith.addf %get3A_13, %get3A_18 : vector<8x128xf32>
    %max3A = arith.constant 1.000000e+00 : f32
    %max3A_20 = vector.broadcast %max3A : f32 to vector<8x128xf32>
    %max3A_21 = arith.maximumf %add3A_19, %max3A_20 : vector<8x128xf32>
    %rsqrt3A = math.rsqrt %max3A_21 : vector<8x128xf32>
    %reshape3A = vector.shape_cast %add3A : vector<1024x128xf32> to vector<8x128x128xf32>
    %broadcast_in_dim3A = vector.shape_cast %rsqrt3A : vector<8x128xf32> to vector<8x128x1xf32>
    %mul3A = vector.broadcast %broadcast_in_dim3A : vector<8x128x1xf32> to vector<8x128x128xf32>
    %mul3A_22 = arith.mulf %reshape3A, %mul3A : vector<8x128x128xf32>
    %reshape3A_23 = vector.shape_cast %mul3A_22 : vector<8x128x128xf32> to vector<1024x128xf32>
    %get3A_24 = arith.constant 0 : index
    %get3A_25 = arith.constant 0 : index
    %get3A_26 = vector.load %arg3[%get3A_24, %get3A_25] : memref<1x128xf32, #tpu.memory_space<vmem>>, vector<1x128xf32>
    %add3A_27 = vector.broadcast %get3A_26 : vector<1x128xf32> to vector<1024x128xf32>
    %add3A_28 = arith.addf %reshape3A_23, %add3A_27 : vector<1024x128xf32>
    %max3A_29 = arith.constant 0.000000e+00 : f32
    %max3A_30 = vector.broadcast %max3A_29 : f32 to vector<1024x128xf32>
    %max3A_31 = arith.maximumf %add3A_28, %max3A_30 : vector<1024x128xf32>
    %get3A_32 = arith.constant 0 : index
    %get3A_33 = arith.constant 0 : index
    %get3A_34 = vector.load %arg4[%get3A_32, %get3A_33] : memref<128x128xf32, #tpu.memory_space<vmem>>, vector<128x128xf32>
    %dot_general3A = arith.constant dense<0.000000e+00> : vector<1024x128xf32>
    %dot_general3A_35 = tpu.matmul %max3A_31, %get3A_34, %dot_general3A {dimension_numbers = #tpu.dot_dimension_numbers<[1], [0], [0], [1], [0, 0, 1, 1], [], []>, transpose_lhs_hint = false} : vector<1024x128xf32>, vector<128x128xf32>, vector<1024x128xf32> -> vector<1024x128xf32>
    %get3A_36 = arith.constant 0 : index
    %get3A_37 = arith.constant 0 : index
    %get3A_38 = arith.constant 0 : index
    %get3A_39 = vector.load %arg5[%get3A_36, %get3A_37, %get3A_38] : memref<2x8x128xf32, #tpu.memory_space<vmem>>, vector<1x8x128xf32>
    %get3A_40 = vector.shape_cast %get3A_39 : vector<1x8x128xf32> to vector<8x128xf32>
    %get3A_41 = arith.constant 1 : index
    %get3A_42 = arith.constant 0 : index
    %get3A_43 = arith.constant 0 : index
    %get3A_44 = vector.load %arg5[%get3A_41, %get3A_42, %get3A_43] : memref<2x8x128xf32, #tpu.memory_space<vmem>>, vector<1x8x128xf32>
    %get3A_45 = vector.shape_cast %get3A_44 : vector<1x8x128xf32> to vector<8x128xf32>
    %add3A_46 = arith.addf %get3A_40, %get3A_45 : vector<8x128xf32>
    %max3A_47 = arith.constant 1.000000e+00 : f32
    %max3A_48 = vector.broadcast %max3A_47 : f32 to vector<8x128xf32>
    %max3A_49 = arith.maximumf %add3A_46, %max3A_48 : vector<8x128xf32>
    %rsqrt3A_50 = math.rsqrt %max3A_49 : vector<8x128xf32>
    %reshape3A_51 = vector.shape_cast %dot_general3A_35 : vector<1024x128xf32> to vector<8x128x128xf32>
    %broadcast_in_dim3A_52 = vector.shape_cast %rsqrt3A_50 : vector<8x128xf32> to vector<8x128x1xf32>
    %mul3A_53 = vector.broadcast %broadcast_in_dim3A_52 : vector<8x128x1xf32> to vector<8x128x128xf32>
    %mul3A_54 = arith.mulf %reshape3A_51, %mul3A_53 : vector<8x128x128xf32>
    %reshape3A_55 = vector.shape_cast %mul3A_54 : vector<8x128x128xf32> to vector<1024x128xf32>
    %swap3A = arith.constant 0 : index
    %swap3A_56 = arith.constant 0 : index
    %swap3A_57 = vector.load %arg6[%swap3A, %swap3A_56] : memref<1024x128xf32, #tpu.memory_space<vmem>>, vector<1024x128xf32>
    tpu.vector_store %arg6[%swap3A, %swap3A_56], %reshape3A_55 {strides = array<i32>} : memref<1024x128xf32, #tpu.memory_space<vmem>>, vector<1024x128xf32>,
    return
  }
  func.func @transform_0(%arg0: i32) -> (i32, i32, i32) {
    %c0_i32 = arith.constant 0 : i32
    %c0_i32_0 = arith.constant 0 : i32
    %c0_i32_1 = arith.constant 0 : i32
    return %c0_i32, %arg0, %c0_i32_0 : i32, i32, i32
  }
  func.func @transform_1(%arg0: i32) -> (i32, i32, i32) {
    %c0_i32 = arith.constant 0 : i32
    %c0_i32_0 = arith.constant 0 : i32
    %c0_i32_1 = arith.constant 0 : i32
    return %c0_i32, %arg0, %c0_i32_0 : i32, i32, i32
  }
  func.func @transform_2(%arg0: i32) -> (i32, i32) {
    %c0_i32 = arith.constant 0 : i32
    %c0_i32_0 = arith.constant 0 : i32
    %c0_i32_1 = arith.constant 0 : i32
    return %c0_i32, %c0_i32_0 : i32, i32
  }
  func.func @transform_3(%arg0: i32) -> (i32, i32) {
    %c0_i32 = arith.constant 0 : i32
    %c0_i32_0 = arith.constant 0 : i32
    %c0_i32_1 = arith.constant 0 : i32
    return %c0_i32, %c0_i32_0 : i32, i32
  }
  func.func @transform_4(%arg0: i32) -> (i32, i32, i32) {
    %c0_i32 = arith.constant 0 : i32
    %c0_i32_0 = arith.constant 0 : i32
    %c0_i32_1 = arith.constant 0 : i32
    return %c0_i32, %arg0, %c0_i32_0 : i32, i32, i32
  }
  func.func @transform_5(%arg0: i32) -> (i32, i32) {
    %c0_i32 = arith.constant 0 : i32
    %c0_i32_0 = arith.constant 0 : i32
    return %arg0, %c0_i32 : i32, i32
  }
}

module attributes {stable_mosaic.version = 14 : i64} {
  func.func @_final_body(%arg0: i32, %arg1: memref<2x1024x128xf32, #tpu.memory_space<vmem>>, %arg2: memref<2x8x128xf32, #tpu.memory_space<vmem>>, %arg3: memref<1x128xf32, #tpu.memory_space<vmem>>, %arg4: memref<128x128xf32, #tpu.memory_space<vmem>>, %arg5: memref<1x128xf32, #tpu.memory_space<vmem>>, %arg6: memref<1024x128xf32, #tpu.memory_space<vmem>>) attributes {dimension_semantics = [#tpu.dimension_semantics<arbitrary>], iteration_bounds = array<i64: 10>, scalar_prefetch = 0 : i64, scratch_operands = 0 : i64, tpu.core_type = #tpu.core_type<tc>, window_params = [{transform_indices = @transform_0, window_bounds = array<i64: 2, 1024, 128>}, {transform_indices = @transform_1, window_bounds = array<i64: 2, 8, 128>}, {pipeline_mode = #tpu.pipeline_mode<synchronous>, transform_indices = @transform_2, window_bounds = array<i64: 1, 128>}, {pipeline_mode = #tpu.pipeline_mode<synchronous>, transform_indices = @transform_3, window_bounds = array<i64: 128, 128>}, {pipeline_mode = #tpu.pipeline_mode<synchronous>, transform_indices = @transform_4, window_bounds = array<i64: 1, 128>}, {transform_indices = @transform_5, window_bounds = array<i64: 1024, 128>}]} {
    %get3A = arith.constant 0 : index
    %get3A_0 = arith.constant 0 : index
    %get3A_1 = arith.constant 0 : index
    %get3A_2 = vector.load %arg1[%get3A, %get3A_0, %get3A_1] : memref<2x1024x128xf32, #tpu.memory_space<vmem>>, vector<1x1024x128xf32>
    %get3A_3 = vector.shape_cast %get3A_2 : vector<1x1024x128xf32> to vector<1024x128xf32>
    %get3A_4 = arith.constant 1 : index
    %get3A_5 = arith.constant 0 : index
    %get3A_6 = arith.constant 0 : index
    %get3A_7 = vector.load %arg1[%get3A_4, %get3A_5, %get3A_6] : memref<2x1024x128xf32, #tpu.memory_space<vmem>>, vector<1x1024x128xf32>
    %get3A_8 = vector.shape_cast %get3A_7 : vector<1x1024x128xf32> to vector<1024x128xf32>
    %add3A = arith.addf %get3A_3, %get3A_8 : vector<1024x128xf32>
    %get3A_9 = arith.constant 0 : index
    %get3A_10 = arith.constant 0 : index
    %get3A_11 = arith.constant 0 : index
    %get3A_12 = vector.load %arg2[%get3A_9, %get3A_10, %get3A_11] : memref<2x8x128xf32, #tpu.memory_space<vmem>>, vector<1x8x128xf32>
    %get3A_13 = vector.shape_cast %get3A_12 : vector<1x8x128xf32> to vector<8x128xf32>
    %get3A_14 = arith.constant 1 : index
    %get3A_15 = arith.constant 0 : index
    %get3A_16 = arith.constant 0 : index
    %get3A_17 = vector.load %arg2[%get3A_14, %get3A_15, %get3A_16] : memref<2x8x128xf32, #tpu.memory_space<vmem>>, vector<1x8x128xf32>
    %get3A_18 = vector.shape_cast %get3A_17 : vector<1x8x128xf32> to vector<8x128xf32>
    %add3A_19 = arith.addf %get3A_13, %get3A_18 : vector<8x128xf32>
    %max3A = arith.constant 1.000000e+00 : f32
    %max3A_20 = vector.broadcast %max3A : f32 to vector<8x128xf32>
    %max3A_21 = arith.maximumf %add3A_19, %max3A_20 : vector<8x128xf32>
    %rsqrt3A = math.rsqrt %max3A_21 : vector<8x128xf32>
    %reshape3A = vector.shape_cast %add3A : vector<1024x128xf32> to vector<8x128x128xf32>
    %broadcast_in_dim3A = vector.shape_cast %rsqrt3A : vector<8x128xf32> to vector<8x128x1xf32>
    %mul3A = vector.broadcast %broadcast_in_dim3A : vector<8x128x1xf32> to vector<8x128x128xf32>
    %mul3A_22 = arith.mulf %reshape3A, %mul3A : vector<8x128x128xf32>
    %reshape3A_23 = vector.shape_cast %mul3A_22 : vector<8x128x128xf32> to vector<1024x128xf32>
    %get3A_24 = arith.constant 0 : index
    %get3A_25 = arith.constant 0 : index
    %get3A_26 = vector.load %arg3[%get3A_24, %get3A_25] : memref<1x128xf32, #tpu.memory_space<vmem>>, vector<1x128xf32>
    %add3A_27 = vector.broadcast %get3A_26 : vector<1x128xf32> to vector<1024x128xf32>
    %add3A_28 = arith.addf %reshape3A_23, %add3A_27 : vector<1024x128xf32>
    %max3A_29 = arith.constant 0.000000e+00 : f32
    %max3A_30 = vector.broadcast %max3A_29 : f32 to vector<1024x128xf32>
    %max3A_31 = arith.maximumf %add3A_28, %max3A_30 : vector<1024x128xf32>
    %get3A_32 = arith.constant 0 : index
    %get3A_33 = arith.constant 0 : index
    %get3A_34 = vector.load %arg4[%get3A_32, %get3A_33] : memref<128x128xf32, #tpu.memory_space<vmem>>, vector<128x128xf32>
    %dot_general3A = arith.constant dense<0.000000e+00> : vector<1024x128xf32>
    %dot_general3A_35 = tpu.matmul %max3A_31, %get3A_34, %dot_general3A {dimension_numbers = #tpu.dot_dimension_numbers<[1], [0], [0], [1], [0, 0, 1, 1], [], []>, transpose_lhs_hint = false} : vector<1024x128xf32>, vector<128x128xf32>, vector<1024x128xf32> -> vector<1024x128xf32>
    %get3A_36 = arith.constant 0 : index
    %get3A_37 = arith.constant 0 : index
    %get3A_38 = vector.load %arg5[%get3A_36, %get3A_37] : memref<1x128xf32, #tpu.memory_space<vmem>>, vector<1x128xf32>
    %add3A_39 = vector.broadcast %get3A_38 : vector<1x128xf32> to vector<1024x128xf32>
    %add3A_40 = arith.addf %dot_general3A_35, %add3A_39 : vector<1024x128xf32>
    %reduce_max3A = arith.constant dense<0xFF800000> : vector<1024xf32>
    %reduce_max3A_41 = vector.multi_reduction <maximumf>, %add3A_40, %reduce_max3A [1] : vector<1024x128xf32> to vector<1024xf32>
    %broadcast_in_dim3A_42 = vector.shape_cast %reduce_max3A_41 : vector<1024xf32> to vector<1024x1xf32>
    %sub3A = vector.broadcast %broadcast_in_dim3A_42 : vector<1024x1xf32> to vector<1024x128xf32>
    %sub3A_43 = arith.subf %add3A_40, %sub3A : vector<1024x128xf32>
    %exp3A = math.exp %sub3A_43 : vector<1024x128xf32>
    %reduce_sum3A = arith.constant dense<0.000000e+00> : vector<1024xf32>
    %reduce_sum3A_44 = vector.multi_reduction <add>, %exp3A, %reduce_sum3A [1] : vector<1024x128xf32> to vector<1024xf32>
    %broadcast_in_dim3A_45 = vector.shape_cast %reduce_sum3A_44 : vector<1024xf32> to vector<1024x1xf32>
    %log3A = math.log %broadcast_in_dim3A_45 : vector<1024x1xf32>
    %sub3A_46 = vector.broadcast %broadcast_in_dim3A_42 : vector<1024x1xf32> to vector<1024x128xf32>
    %sub3A_47 = arith.subf %add3A_40, %sub3A_46 : vector<1024x128xf32>
    %sub3A_48 = vector.broadcast %log3A : vector<1024x1xf32> to vector<1024x128xf32>
    %sub3A_49 = arith.subf %sub3A_47, %sub3A_48 : vector<1024x128xf32>
    %swap3A = arith.constant 0 : index
    %swap3A_50 = arith.constant 0 : index
    %swap3A_51 = vector.load %arg6[%swap3A, %swap3A_50] : memref<1024x128xf32, #tpu.memory_space<vmem>>, vector<1024x128xf32>
    tpu.vector_store %arg6[%swap3A, %swap3A_50], %sub3A_49 {strides = array<i32>} : memref<1024x128xf32, #tpu.memory_space<vmem>>, vector<1024x128xf32>,
    return
  }
  func.func @transform_0(%arg0: i32) -> (i32, i32, i32) {
    %c0_i32 = arith.constant 0 : i32
    %c0_i32_0 = arith.constant 0 : i32
    %c0_i32_1 = arith.constant 0 : i32
    return %c0_i32, %arg0, %c0_i32_0 : i32, i32, i32
  }
  func.func @transform_1(%arg0: i32) -> (i32, i32, i32) {
    %c0_i32 = arith.constant 0 : i32
    %c0_i32_0 = arith.constant 0 : i32
    %c0_i32_1 = arith.constant 0 : i32
    return %c0_i32, %arg0, %c0_i32_0 : i32, i32, i32
  }
  func.func @transform_2(%arg0: i32) -> (i32, i32) {
    %c0_i32 = arith.constant 0 : i32
    %c0_i32_0 = arith.constant 0 : i32
    %c0_i32_1 = arith.constant 0 : i32
    return %c0_i32, %c0_i32_0 : i32, i32
  }
  func.func @transform_3(%arg0: i32) -> (i32, i32) {
    %c0_i32 = arith.constant 0 : i32
    %c0_i32_0 = arith.constant 0 : i32
    %c0_i32_1 = arith.constant 0 : i32
    return %c0_i32, %c0_i32_0 : i32, i32
  }
  func.func @transform_4(%arg0: i32) -> (i32, i32) {
    %c0_i32 = arith.constant 0 : i32
    %c0_i32_0 = arith.constant 0 : i32
    %c0_i32_1 = arith.constant 0 : i32
    return %c0_i32, %c0_i32_0 : i32, i32
  }
  func.func @transform_5(%arg0: i32) -> (i32, i32) {
    %c0_i32 = arith.constant 0 : i32
    %c0_i32_0 = arith.constant 0 : i32
    return %arg0, %c0_i32 : i32, i32
  }
}

</mosaic_0001>

<sc_bundles>
// kernel: kernel.11.cloned.1.call-start
scs
__scs_entry_jumppad:
0x0: {  	(pc) =	sbr.rel $0x88, $3  }
0x1: {  	(tag) =	ssettag $0x0;
	lr =	simm.s32 $0x1  }
0x2: {  	[smem:$0x3F99] =	sst lr;
	_ =	strace $0xD0000000  }
0x3: {  	_ = 	snop  }
0x4: {  	_ = 	snop  }
0x5: {  	_ = 	snop  }
0x6: {  	_ = 	snop  }
0x7: {  	_ = 	snop  }
__scs_overlays_trampoline_lowered:
0x8: {  	[smem:$0x3FA8] =	sst s0  }
0x9: {  	[smem:$0x3FA9] =	sst s1  }
0xa: {  	[smem:$0x3FAA] =	sst s2  }
0xb: {  	[smem:$0x3FAB] =	sst s3  }
0xc: {  	[smem:$0x3FAC] =	sst s4  }
0xd: {  	[smem:$0x3FAD] =	sst s5  }
0xe: {  	[smem:$0x3FAE] =	sst s6  }
0xf: {  	[smem:$0x3FAF] =	sst s7  }
0x10: {  	[smem:$0x3FB0] =	sst s8  }
0x11: {  	[smem:$0x3FB1] =	sst s9;
	s0 =	simm.s32 @!p0 $0x0  }
0x12: {  	s1 =	sld [smem:$0x3F97];
	s0 =	simm.s32 @p0 $0x1  }
0x13: {  	[smem:$0x3FB2] =	sst s0;
	s0 =	simm.s32 @!p1 $0x0  }
0x14: {  	s2 =	sld [smem:$0x3F96];
	s0 =	simm.s32 @p1 $0x1  }
0x15: {  	[smem:$0x3FB3] =	sst s0;
	s0 =	simm.s32 @!p2 $0x0  }
0x16: {  	s3 =	sld [smem:$0x3FDB];
	s0 =	simm.s32 @p2 $0x1  }
0x17: {  	s4 =	simm.s32 $0x1BF5;
	[smem:$0x3FB5] =	sst s0  }
0x18: {  	s0 =	sld [smem:$0x3F98];
	_ =	swait.ge [sflag:s4], $0x0  }
0x19: {  	s7 =	sld [smem:$0x3F99]  }
0x1a: {  	s8 =	sadd.s32 $0xFFFFE003, lr  }
0x1b: {  	s9 =	sadd.s32 $0xFFFFFEF7, lr;
	s5 =	simm.s32 $0xFFFFFFFF;
	p2 =	slt.u32 s8, $0xFFFFF086  }
0x1c: {  	p1 =	slt.u32 s9, $0xF7A;
	s5 =	simm.s32 @!p2 $0x0  }
0x1d: {  	s5 =	simm.s32 @p1 $0x1;
	p0 =	seq.s32 s7, s2  }
0x1e: {  	s7 =	smul.u32 @!p0 $0xF7A, s2;
	p2 =	seq.s32 @!p0 s5, $0x0  }
0x1f: {  	s9 =	smul.u32 $0xF7A, s1;
	s8 =	simm.s32 @!p0 $0x1BF5;
	p2 =	por !p2, p0  }
0x20: {  	[sflag:s8] =	ssyncset.s32 @!p0 $0xFFFFF086;
	s6 =	sadd.s32 @!p0 s3, s7;
	s7 =	simm.s32 @!p0 $0x108  }
0x21: {  	s3 =	sadd.s32 s3, s9;
	s6 =	sadd.s32 @!p0 $0x88, s6;
	s7 =	simm.s32 @p2 $0x1082  }
0x22: {  	[simem:s7], [sflag:s8] =	dma.local @!p0 [hbm:s6], $0xF7A  }
0x23: {  	s9 =	sor.u32 $0xD0000000, s2;
	s6 =	simm.s32 $0x108;
	_ =	swait.ge @!p0 [sflag:s8], $0x0  }
0x24: {  	s3 =	sadd.s32 $0x88, s3;
	s6 =	simm.s32 @!p1 $0x1082;
	[sflag:s4] =	ssyncset.s32 $0xFFFFF086  }
0x25: {  	[simem:s6], [sflag:s4] =	dma.local [hbm:s3], $0xF7A  }
0x26: {  	[smem:$0x3F99] =	sst s1;
	(tag) =	ssettag s2;
	_ =	strace s9  }
0x27: {  	s1 =	sld [smem:$0x3FA9]  }
0x28: {  	s2 =	sld [smem:$0x3FAA]  }
0x29: {  	s4 =	sld [smem:$0x3FAC]  }
0x2a: {  	p0 =	seq.s32 s5, $0x0;
	s5 =	sld [smem:$0x3FAD]  }
0x2b: {  	s6 =	sld [smem:$0x3FAE]  }
0x2c: {  	s7 =	sld [smem:$0x3FAF]  }
0x2d: {  	s3 =	simm.s32 $0x108;
	s8 =	sld [smem:$0x3FB0]  }
0x2e: {  	s3 =	simm.s32 @!p0 $0x1082;
	s9 =	sld [smem:$0x3FB1]  }
0x2f: {  	lr =	sadd.s32 s0, s3;
	s0 =	sld [smem:$0x3FA8]  }
0x30: {  	s3 =	sld [smem:$0x3FAB]  }
0x31: {  	[smem:$0x3FB4] =	sst s10  }
0x32: {  	s10 =	sld [smem:$0x3FB2];
	_ =	sdelay $0x3  }
0x33: {  	p0 =	seq.s32 s10, $0x1;
	s10 =	sld [smem:$0x3FB4];
	_ =	sdelay $0x3  }
0x34: {  	[smem:$0x3FB4] =	sst s10  }
0x35: {  	s10 =	sld [smem:$0x3FB3];
	_ =	sdelay $0x3  }
0x36: {  	p1 =	seq.s32 s10, $0x1;
	s10 =	sld [smem:$0x3FB4];
	_ =	sdelay $0x3  }
0x37: {  	[smem:$0x3FB4] =	sst s10  }
0x38: {  	s10 =	sld [smem:$0x3FB5]  }
0x39: {  	_ = 	snop;
	(pc) =	sbr.ind lr, $3  }
0x3a: {  	_ = 	snop  }
0x3b: {  	_ = 	snop  }
0x3c: {  	p2 =	seq.s32 s10, $0x1;
	s10 =	sld [smem:$0x3FB4]  }
0x3d: {  	_ =	shalt  }
0x3e: {  	_ =	shalt  }
0x3f: {  	_ =	shalt  }
0x40: {  	_ =	shalt  }
0x41: {  	_ =	shalt  }
0x42: {  	_ =	shalt  }
0x43: {  	_ =	shalt  }
0x44: {  	_ =	shalt  }
0x45: {  	_ =	shalt  }
0x46: {  	_ =	shalt  }
0x47: {  	_ =	shalt  }
0x48: {  	_ =	shalt  }
0x49: {  	_ =	shalt  }
0x4a: {  	_ =	shalt  }
0x4b: {  	_ =	shalt  }
0x4c: {  	_ =	shalt  }
0x4d: {  	_ =	shalt  }
0x4e: {  	_ =	shalt  }
0x4f: {  	_ =	shalt  }
0x50: {  	_ =	shalt  }
0x51: {  	_ =	shalt  }
0x52: {  	_ =	shalt  }
0x53: {  	_ =	shalt  }
0x54: {  	_ =	shalt  }
0x55: {  	_ =	shalt  }
0x56: {  	_ =	shalt  }
0x57: {  	_ =	shalt  }
0x58: {  	_ =	shalt  }
0x59: {  	_ =	shalt  }
0x5a: {  	_ =	shalt  }
0x5b: {  	_ =	shalt  }
0x5c: {  	_ =	shalt  }
0x5d: {  	_ =	shalt  }
0x5e: {  	_ =	shalt  }
0x5f: {  	_ =	shalt  }
0x60: {  	_ =	shalt  }
0x61: {  	_ =	shalt  }
0x62: {  	_ =	shalt  }
0x63: {  	_ =	shalt  }
0x64: {  	_ =	shalt  }
0x65: {  	_ =	shalt  }
0x66: {  	_ =	shalt  }
0x67: {  	_ =	shalt  }
0x68: {  	_ =	shalt  }
0x69: {  	_ =	shalt  }
0x6a: {  	_ =	shalt  }
0x6b: {  	_ =	shalt  }
0x6c: {  	_ =	shalt  }
0x6d: {  	_ =	shalt  }
0x6e: {  	_ =	shalt  }
0x6f: {  	_ =	shalt  }
0x70: {  	_ =	shalt  }
0x71: {  	_ =	shalt  }
0x72: {  	_ =	shalt  }
0x73: {  	_ =	shalt  }
0x74: {  	_ =	shalt  }
0x75: {  	_ =	shalt  }
0x76: {  	_ =	shalt  }
0x77: {  	_ =	shalt  }
0x78: {  	_ =	shalt  }
0x79: {  	_ =	shalt  }
0x7a: {  	_ =	shalt  }
0x7b: {  	_ =	shalt  }
0x7c: {  	_ =	shalt  }
0x7d: {  	_ =	shalt  }
0x7e: {  	_ =	shalt  }
0x7f: {  	_ =	shalt  }
0x80: {  	_ =	shalt  }
0x81: {  	_ =	shalt  }
0x82: {  	_ =	shalt  }
0x83: {  	_ =	shalt  }
0x84: {  	_ =	shalt  }
0x85: {  	_ =	shalt  }
0x86: {  	_ =	shalt  }
0x87: {  	_ =	shalt  }
.Lfunc_end0:
.L_simem_size_0:
called_computation.1_lowered:
.L_overlay_start_0:
0x88: {  	s2 =	sld [smem:$0x3FD9]  }
0x89: {  	s3 =	sld [smem:$0x3FFE];
	_ =	sdelay $0x1  }
0x8a: {  	s1 =	srdreg.scid  }
0x8b: {  	s0 =	sand.u32 $0x1, s1  }
0x8c: {  	s17 =	sshll.u32 s0, $0xA;
	s2 =	sadd.s32 s3, s2  }
0x8d: {  	s2 =	sadd.s32 s2, s17  }
0x8e: {  	[smem:$0x3FC0] =	sst s2  }
0x8f: {  	_ = 	snop  }
0x90: {  	s2 =	sld [smem:$0x3FD0];
	(tm) =	ssettm $0x1  }
0x91: {  	s18 =	sld [smem:$0x3FFB];
	_ =	sdelay $0x3  }
0x92: {  	_ =	strace s18  }
0x93: {  	s3 =	sld [smem:$0x3FFC];
	_ =	sdelay $0x3  }
0x94: {  	_ =	strace s3  }
0x95: {  	s3 =	sld [smem:$0x3FFD];
	_ =	sdelay $0x3  }
0x96: {  	_ =	strace s3  }
0x97: {  	_ =	strace $0x8FFFFFFF  }
0x98: {  	s19 =	sld [smem:$0x3FDB];
	_ =	sdelay $0x1  }
0x99: {  	s4 =	simm.s32 $_scs_section_size  }
0x9a: {  	s5 =	simm.s32 $_size__tile_overlayer_lowered;
	s6 =	simm.s32 $_tile_overlayer_lowered  }
0x9b: {  	s22 =	simm.s32 $0x1BFF;
	s21 =	sshll.u32 s6, $0x1;
	s3 =	sadd.s32 s4, s19  }
0x9c: {  	s7 =	simm.s32 $0x0;
	s20 =	sshll.u32 s5, $0x1;
	s5 =	sadd.s32 s21, s3  }
0x9d: {  	[timem:s7], [sflag:s22] =	dma.local [hbm:s5], s20  }
0x9e: {  	_ =	swait.ge [sflag:s22], s20  }
0x9f: {  	s4 =	ssub.s32 $0x0, s20;
	[sflag:s22] =	ssyncset.done $0x0  }
0xa0: {  	[sflag:s22] =	ssyncadd.s32 s4;
	_ =	sdelay $0x1  }
0xa1: {  	s23 =	simm.s32 $0x1B8B  }
0xa2: {  	_ =	swait.ge [sflag:s23], $0x1  }
0xa3: {  	[sflag:s23] =	ssyncset.done $0x0  }
0xa4: {  	s25 =	simm.s32 $0x1B8E;
	s24 =	sld [smem:$0x3FFE];
	[sflag:s23] =	ssyncadd.s32 $0xFFFFFFFF  }
0xa5: {  	s26 =	simm.s32 $execute0_lowered;
	[smem:$0x3FD2] =	sst s25  }
0xa6: {  	s5 =	sshll.u32 s26, $0x1;
	_ =	strace $0x80000049;
	[dreg:$0x1] =	wrdreg $0xFFFFFFFF  }
0xa7: {  	s28 =	simm.s32 $_size_execute0_lowered;
	s3 =	sadd.s32 s3, s5;
	[dreg:$0x0] =	wrdreg $0x0  }
0xa8: {  	s5 =	sshll.u32 s28, $0x1;
	[dreg:$0x2] =	wrdreg s3  }
0xa9: {  	[dreg:$0x3] =	wrdreg s5  }
0xaa: {  	[dreg:$0x4] =	wrdreg $0xC0  }
0xab: {  	_ =	task [dreg:s7], $0x5FFFF  }
0xac: {  	[dreg:$0x1] =	wrdreg $0xFFFFFFFF  }
0xad: {  	[dreg:$0x0] =	wrdreg $0x60  }
0xae: {  	[dreg:$0x2] =	wrdreg s24  }
0xaf: {  	[dreg:$0x3] =	wrdreg s2  }
0xb0: {  	[dreg:$0x4] =	wrdreg $0xB0000  }
0xb1: {  	[dreg:$0x5] =	wrdreg $0x9  }
0xb2: {  	_ =	task.clear_ibuf [dreg:s7], $0x6FFFF;
	_ =	strace $0x90000049  }
0xb3: {  	s29 =	simm.s32 $0x9;
	_ =	strace $0x8000004B  }
0xb4: {  	_ =	swait.ge [sflag:s29], $0x1  }
0xb5: {  	[sflag:s29] =	ssyncadd.s32 $0xFFFFFFFF  }
0xb6: {  	_ =	strace $0x9000004B  }
0xb7: {  	_ =	sfence  }
0xb8: {  	s30 =	sld [smem:$0x0];
	_ =	sdelay $0x2  }
0xb9: {  	s31 =	sshll.u32 s1, $0xD;
	s1 =	sshrl.u32 s1, $0x2  }
0xba: {  	s3 =	sand.u32 $0x4000, s31;
	s1 =	sadd.s32 s1, s30  }
0xbb: {  	s0 =	sor.u32 s3, s0;
	s1 =	sshll.u32 s1, $0x11  }
0xbc: {  	s0 =	sor.u32 s1, s0  }
0xbd: {  	s0 =	sadd.s32 $0x8F2B, s0  }
0xbe: {  	[sflag:s0] =	ssyncadd.remote.s32 $0x1  }
0xbf: {  	_ =	sfence.sel $0xFFFF  }
0xc0: {  	[dreg:$0x0] =	wrdreg $0xFFFFFFFF;
	(pc) =	sbr.abs _section_cstart, $3  }
0xc1: {  	[dreg:$0x1] =	wrdreg $0xFFFFFFFF  }
0xc2: {  	_ =	task.clear_ibuf [dreg:s7], $0x2FFFF;
	_ =	strace $0x9FFFFFFF  }
0xc3: {  	(tm) =	ssettm $0x7FFFFFFF  }
tec
execute0_lowered:
.L_overlay_start_1:
0x0: {  	(tag) =	ssettag $0x1  }
0x1: {  	s6 =	rddreg [dreg:$0x0]  }
0x2: {  	s9 =	rddreg [dreg:$0x1]  }
0x3: {  	s1 =	rddreg [dreg:$0x2]  }
0x4: {  	s2 =	srdreg.scid;
	s0 =	rddreg [dreg:$0x3]  }
0x5: {  	s3 =	simm.s32 $0x0;
	s15 =	simm.s32 $0x1800;
	s16 =	simm.s32 $0x80  }
0x6: {  	s17 =	simm.s32 $0x3000;
	s18 =	simm.s32 $0x7000;
	s19 =	simm.s32 $0x1  }
0x7: {  	s20 =	simm.s32 $0x1880;
	s21 =	simm.s32 $0x2;
	s22 =	simm.s32 $0x0  }
0x8: {  	s7 =	sand.u32 $0x1, s2;
	s2 =	stileid.u32;
	[smem:$0x7FF] =	sst s3  }
0x9: {  	s4 =	sadd.s32 $0x24A00, s6;
	s11 =	sadd.s32 $0x18A00, s6;
	s8 =	smul.u32 $0x140000, s7  }
0xa: {  	s5 =	sadd.s32 $0x1E00, s6;
	s10 =	smul.u32 $0x14000, s2;
	_ =	strace $0x8000004A  }
0xb: {  	s24 =	sshll.u32 s2, $0x1;
	s12 =	ssub.s32 $0x2, s7;
	s25 =	smul.u32 $0x50000, s2  }
0xc: {  	s29 =	sshll.u32 s2, $0x6;
	s7 =	sor.u32 s7, s24;
	s13 =	sshrl.u32 s12, $0x1  }
0xd: {  	s8 =	sadd.s32 s10, s8;
	s7 =	smul.u32 $0x3000, s7;
	s26 =	sshrl.u32 s25, $0x2  }
0xe: {  	s12 =	ssub.s32 s12, s13;
	s8 =	sshrl.u32 s8, $0x3;
	s28 =	sadd.s32 s26, s1  }
0xf: {  	s12 =	smax.u32 s12, $0x1;
	s14 =	sadd.s32 s8, s6;
	s30 =	sshrl.u32 s7, $0x3  }
0x10: {  	s6 =	sor.u32 $0x1C03, s29;
	s13 =	sshrl.u32 s28, $0x3;
	s31 =	sadd.s32 $0x300, s30  }
0x11: {  	s7 =	sadd.s32 s9, s30;
	s8 =	sadd.s32 s11, s30;
	s9 =	sadd.s32 s9, s31  }
0x12: {  	s10 =	sadd.s32 s11, s31;
	s11 =	sadd.s32 $0x4CA00, s14;
	s14 =	simm.s32 $0x3  }
.LBB2_1:
0x13: {  	[spmem:s13], [sflag:s6] =	dma.local [hbm:s5], $0x2800  }
0x14: {  	_ =	swait.ge [sflag:s14], $0x2800  }
0x15: {  	[sflag:s14] =	ssyncset.done $0x0  }
0x16: {  	[sflag:s14] =	ssyncadd.s32 $0xFFFFD800  }
0x17: {  	[bflag:$0x0] =	sbarrier.arrive $0xFFFF  }
0x18: {  	[tilespmem:s3], [sflag:$0x3] =	stream.linear.gather [hbm4b:s7+s3], $0x1500, $0x38;
	[tilespmem:$0x1F000] =	vst v63  }
0x19: {  	_ =	swait.ge [sflag:s14], $0x1500  }
0x1a: {  	[sflag:s14] =	ssyncset.done $0x0  }
0x1b: {  	[sflag:s14] =	ssyncadd.s32 $0xFFFFEB00  }
0x1c: {  	[tilespmem:s15], [sflag:$0x3] =	stream.linear.gather [hbm4b:s8+s3], $0x1500, $0x38;
	[tilespmem:$0x1F000] =	vst v63  }
0x1d: {  	_ =	swait.ge [sflag:s14], $0x1500  }
0x1e: {  	[sflag:s14] =	ssyncset.done $0x0  }
0x1f: {  	[sflag:s14] =	ssyncadd.s32 $0xFFFFEB00  }
0x20: {  	[tilespmem:s17], [sflag:$0x3] =	stream.indirect.gather [hbm4b:s4+s16], $0x80, s3, s16, $0xb8;
	[tilespmem:$0x1F000] =	vst v63  }
0x21: {  	_ =	swait.ge [sflag:s14], $0x4000  }
0x22: {  	[sflag:s14] =	ssyncset.done $0x0  }
0x23: {  	[sflag:s14] =	ssyncadd.s32 $0xFFFFC000  }
0x24: {  	[spmem:s1] =	stream.indirect.scatter.add.f32 [tilespmem:s17], [sflag:$0x1], $0x80, s15, s16, $0xb8;
	[tilespmem:$0x1F000] =	vst v63  }
0x25: {  	_ = 	snop  }
0x26: {  	[tilespmem:s18], [sflag:$0x3] =	stream.indirect.gather [hbm4b:s4+s16], $0x80, s16, s16, $0xb8;
	[tilespmem:$0x1F000] =	vst v63  }
0x27: {  	_ =	swait.ge [sflag:s14], $0x4000  }
0x28: {  	[sflag:s14] =	ssyncset.done $0x0  }
0x29: {  	[sflag:s14] =	ssyncadd.s32 $0xFFFFC000  }
0x2a: {  	_ =	swait.ge [sflag:s19], $0x4000  }
0x2b: {  	[sflag:s19] =	ssyncset.done $0x0  }
0x2c: {  	[sflag:s19] =	ssyncadd.s32 $0xFFFFC000  }
0x2d: {  	[spmem:s1] =	stream.indirect.scatter.add.f32 [tilespmem:s18], [sflag:$0x2], $0x80, s20, s16, $0xb8;
	[tilespmem:$0x1F000] =	vst v63  }
0x2e: {  	s23 =	simm.s32 $0x100  }
0x2f: {  	[tilespmem:s17], [sflag:$0x3] =	stream.indirect.gather [hbm4b:s4+s16], $0x80, s23, s16, $0xb8;
	[tilespmem:$0x1F000] =	vst v63  }
0x30: {  	_ =	swait.ge [sflag:s14], $0x4000  }
0x31: {  	[sflag:s14] =	ssyncset.done $0x0  }
0x32: {  	[sflag:s14] =	ssyncadd.s32 $0xFFFFC000  }
0x33: {  	_ =	swait.ge [sflag:s21], $0x4000  }
0x34: {  	[sflag:s21] =	ssyncset.done $0x0  }
0x35: {  	s30 =	simm.s32 $0x1900;
	[sflag:s21] =	ssyncadd.s32 $0xFFFFC000  }
0x36: {  	[spmem:s1] =	stream.indirect.scatter.add.f32 [tilespmem:s17], [sflag:$0x1], $0x80, s30, s16, $0xb8;
	[tilespmem:$0x1F000] =	vst v63  }
0x37: {  	s31 =	simm.s32 $0x180  }
0x38: {  	[tilespmem:s18], [sflag:$0x3] =	stream.indirect.gather [hbm4b:s4+s16], $0x80, s31, s16, $0xb8;
	[tilespmem:$0x1F000] =	vst v63  }
0x39: {  	_ =	swait.ge [sflag:s14], $0x4000  }
0x3a: {  	[sflag:s14] =	ssyncset.done $0x0  }
0x3b: {  	[sflag:s14] =	ssyncadd.s32 $0xFFFFC000  }
0x3c: {  	_ =	swait.ge [sflag:s19], $0x4000  }
0x3d: {  	s24 =	simm.s32 $0xFFFFB800;
	[sflag:s19] =	ssyncset.done $0x0  }
0x3e: {  	s25 =	simm.s32 $0x1980;
	s23 =	simm.s32 $0xFFFFED00;
	[sflag:s19] =	ssyncadd.s32 $0xFFFFC000  }
.LBB2_2:
0x3f: {  	[spmem:s1] =	stream.indirect.scatter.add.f32 [tilespmem:s18], [sflag:$0x2], $0x80, s25, s16, $0xb8;
	[tilespmem:$0x1F000] =	vst v63  }
0x40: {  	s25 =	smov.u32 s24  }
0x41: {  	s28 =	sadd.s32 $0x400, s24;
	s26 =	sshra.s32 s25, $0x2;
	s25 =	sadd.s32 $0x1500, s23  }
0x42: {  	[tilespmem:s17], [sflag:$0x3] =	stream.indirect.gather [hbm4b:s4+s16], $0x80, s25, s16, $0xb8;
	[tilespmem:$0x1F000] =	vst v63  }
0x43: {  	p0 =	sne.s32 s24, $0xFFFFFC00;
	_ =	swait.ge [sflag:s14], $0x4000  }
0x44: {  	[sflag:s14] =	ssyncset.done $0x0  }
0x45: {  	[sflag:s14] =	ssyncadd.s32 $0xFFFFC000  }
0x46: {  	_ =	swait.ge [sflag:s21], $0x4000  }
0x47: {  	[sflag:s21] =	ssyncset.done $0x0  }
0x48: {  	s24 =	sadd.s32 $0x2D00, s23;
	[sflag:s21] =	ssyncadd.s32 $0xFFFFC000  }
0x49: {  	[spmem:s1] =	stream.indirect.scatter.add.f32 [tilespmem:s17], [sflag:$0x1], $0x80, s24, s16, $0xb8;
	[tilespmem:$0x1F000] =	vst v63  }
0x4a: {  	s24 =	sadd.s32 $0x1580, s23  }
0x4b: {  	[tilespmem:s18], [sflag:$0x3] =	stream.indirect.gather [hbm4b:s4+s16], $0x80, s24, s16, $0xb8;
	[tilespmem:$0x1F000] =	vst v63  }
0x4c: {  	_ =	swait.ge [sflag:s14], $0x4000  }
.Ltmp0:
0x4d: {  	[sflag:s14] =	ssyncset.done $0x0;
	(pc) =	sbr.rel @p0 .LBB2_2-.Ltmp0, $4  }
0x4e: {  	[sflag:s14] =	ssyncadd.s32 $0xFFFFC000  }
0x4f: {  	_ =	swait.ge [sflag:s19], $0x4000  }
0x50: {  	s25 =	sadd.s32 $0x2D80, s23;
	[sflag:s19] =	ssyncset.done $0x0  }
0x51: {  	s23 =	smov.u32 s26;
	s24 =	smov.u32 s28;
	[sflag:s19] =	ssyncadd.s32 $0xFFFFC000  }
0x52: {  	[spmem:s1] =	stream.indirect.scatter.add.f32 [tilespmem:s18], [sflag:$0x2], $0x80, s25, s16, $0xb8;
	[tilespmem:$0x1F000] =	vst v63  }
0x53: {  	s24 =	sadd.s32 $0x1500, s23  }
0x54: {  	[tilespmem:s17], [sflag:$0x3] =	stream.indirect.gather [hbm4b:s4+s16], $0x80, s24, s16, $0xb8;
	[tilespmem:$0x1F000] =	vst v63  }
0x55: {  	_ =	swait.ge [sflag:s14], $0x4000  }
0x56: {  	[sflag:s14] =	ssyncset.done $0x0  }
0x57: {  	[sflag:s14] =	ssyncadd.s32 $0xFFFFC000  }
0x58: {  	_ =	swait.ge [sflag:s21], $0x4000  }
0x59: {  	[sflag:s21] =	ssyncset.done $0x0  }
0x5a: {  	s31 =	sadd.s32 $0x2D00, s23;
	[sflag:s21] =	ssyncadd.s32 $0xFFFFC000  }
0x5b: {  	[spmem:s1] =	stream.indirect.scatter.add.f32 [tilespmem:s17], [sflag:$0x1], $0x80, s31, s16, $0xb8;
	[tilespmem:$0x1F000] =	vst v63  }
0x5c: {  	s25 =	sadd.s32 $0x1580, s23  }
0x5d: {  	[tilespmem:s18], [sflag:$0x3] =	stream.indirect.gather [hbm4b:s4+s16], $0x80, s25, s16, $0xb8;
	[tilespmem:$0x1F000] =	vst v63  }
0x5e: {  	_ =	swait.ge [sflag:s14], $0x4000  }
0x5f: {  	[sflag:s14] =	ssyncset.done $0x0  }
0x60: {  	[sflag:s14] =	ssyncadd.s32 $0xFFFFC000  }
0x61: {  	_ =	swait.ge [sflag:s19], $0x4000  }
0x62: {  	[sflag:s19] =	ssyncset.done $0x0  }
0x63: {  	s26 =	sadd.s32 $0x2D80, s23;
	[sflag:s19] =	ssyncadd.s32 $0xFFFFC000  }
0x64: {  	[spmem:s1] =	stream.indirect.scatter.add.f32 [tilespmem:s18], [sflag:$0x2], $0x80, s26, s16, $0xb8;
	[tilespmem:$0x1F000] =	vst v63  }
0x65: {  	s28 =	simm.s32 $0x0  }
0x66: {  	[tilespmem:s28], [sflag:$0x3] =	stream.linear.gather [hbm4b:s9+s28], $0x1500, $0x38;
	[tilespmem:$0x1F000] =	vst v63  }
0x67: {  	_ =	swait.ge [sflag:s14], $0x1500  }
0x68: {  	[sflag:s14] =	ssyncset.done $0x0  }
0x69: {  	[sflag:s14] =	ssyncadd.s32 $0xFFFFEB00  }
0x6a: {  	[tilespmem:s15], [sflag:$0x3] =	stream.linear.gather [hbm4b:s10+s28], $0x1500, $0x38;
	[tilespmem:$0x1F000] =	vst v63  }
0x6b: {  	_ =	swait.ge [sflag:s14], $0x1500  }
0x6c: {  	[sflag:s14] =	ssyncset.done $0x0  }
0x6d: {  	s29 =	simm.s32 $0x0;
	[sflag:s14] =	ssyncadd.s32 $0xFFFFEB00  }
0x6e: {  	[tilespmem:s17], [sflag:$0x3] =	stream.indirect.gather [hbm4b:s4+s16], $0x80, s29, s16, $0xb8;
	[tilespmem:$0x1F000] =	vst v63  }
0x6f: {  	_ =	swait.ge [sflag:s14], $0x4000  }
0x70: {  	[sflag:s14] =	ssyncset.done $0x0  }
0x71: {  	[sflag:s14] =	ssyncadd.s32 $0xFFFFC000  }
0x72: {  	_ =	swait.ge [sflag:s21], $0x4000  }
0x73: {  	[sflag:s21] =	ssyncset.done $0x0  }
0x74: {  	s30 =	simm.s32 $0x1800;
	[sflag:s21] =	ssyncadd.s32 $0xFFFFC000  }
0x75: {  	[spmem:s1] =	stream.indirect.scatter.add.f32 [tilespmem:s17], [sflag:$0x1], $0x80, s30, s16, $0xb8;
	[tilespmem:$0x1F000] =	vst v63  }
0x76: {  	s31 =	simm.s32 $0x80  }
0x77: {  	[tilespmem:s18], [sflag:$0x3] =	stream.indirect.gather [hbm4b:s4+s16], $0x80, s31, s16, $0xb8;
	[tilespmem:$0x1F000] =	vst v63  }
0x78: {  	_ =	swait.ge [sflag:s14], $0x4000  }
0x79: {  	[sflag:s14] =	ssyncset.done $0x0  }
0x7a: {  	[sflag:s14] =	ssyncadd.s32 $0xFFFFC000  }
0x7b: {  	_ =	swait.ge [sflag:s19], $0x4000  }
0x7c: {  	[sflag:s19] =	ssyncset.done $0x0  }
0x7d: {  	s23 =	simm.s32 $0x400;
	s24 =	simm.s32 $0x1880;
	[sflag:s19] =	ssyncadd.s32 $0xFFFFC000  }
.LBB2_4:
0x7e: {  	[spmem:s1] =	stream.indirect.scatter.add.f32 [tilespmem:s18], [sflag:$0x2], $0x80, s24, s16, $0xb8;
	[tilespmem:$0x1F000] =	vst v63  }
0x7f: {  	s24 =	sshra.s32 s23, $0x2;
	p0 =	sne.s32 s23, $0x5000;
	s23 =	sadd.s32 $0x400, s23  }
0x80: {  	[tilespmem:s17], [sflag:$0x3] =	stream.indirect.gather [hbm4b:s4+s16], $0x80, s24, s16, $0xb8;
	[tilespmem:$0x1F000] =	vst v63  }
0x81: {  	_ =	swait.ge [sflag:s14], $0x4000  }
0x82: {  	[sflag:s14] =	ssyncset.done $0x0  }
0x83: {  	[sflag:s14] =	ssyncadd.s32 $0xFFFFC000  }
0x84: {  	_ =	swait.ge [sflag:s21], $0x4000  }
0x85: {  	[sflag:s21] =	ssyncset.done $0x0  }
0x86: {  	s25 =	sadd.s32 $0x1800, s24;
	[sflag:s21] =	ssyncadd.s32 $0xFFFFC000  }
0x87: {  	[spmem:s1] =	stream.indirect.scatter.add.f32 [tilespmem:s17], [sflag:$0x1], $0x80, s25, s16, $0xb8;
	[tilespmem:$0x1F000] =	vst v63  }
0x88: {  	s25 =	sadd.s32 $0x80, s24  }
0x89: {  	[tilespmem:s18], [sflag:$0x3] =	stream.indirect.gather [hbm4b:s4+s16], $0x80, s25, s16, $0xb8;
	[tilespmem:$0x1F000] =	vst v63  }
0x8a: {  	_ =	swait.ge [sflag:s14], $0x4000  }
.Ltmp1:
0x8b: {  	[sflag:s14] =	ssyncset.done $0x0;
	(pc) =	sbr.rel @p0 .LBB2_4-.Ltmp1, $4  }
0x8c: {  	[sflag:s14] =	ssyncadd.s32 $0xFFFFC000  }
0x8d: {  	_ =	swait.ge [sflag:s19], $0x4000  }
0x8e: {  	[sflag:s19] =	ssyncset.done $0x0  }
0x8f: {  	s24 =	sadd.s32 $0x1880, s24;
	[sflag:s19] =	ssyncadd.s32 $0xFFFFC000  }
0x90: {  	[spmem:s1] =	stream.indirect.scatter.add.f32 [tilespmem:s18], [sflag:$0x2], $0x80, s24, s16, $0xb8;
	[tilespmem:$0x1F000] =	vst v63  }
0x91: {  	_ =	swait.ge [sflag:s21], $0x4000  }
0x92: {  	s22 =	sadd.s32 $0x1, s22;
	[sflag:s21] =	ssyncset.done $0x0  }
0x93: {  	p0 =	sne.s32 s22, s12;
	[sflag:s21] =	ssyncadd.s32 $0xFFFFC000  }
.Ltmp2:
0x94: {  	[bflag:$0x0] =	sbarrier.arrive $0xFFFF;
	(pc) =	sbr.rel @p0 .LBB2_1-.Ltmp2, $4  }
0x95: {  	[hbm:s11], [sflag:s6] =	dma.local [spmem:s13], $0x2800  }
0x96: {  	_ =	swait.ge [sflag:s14], $0x2800  }
0x97: {  	[sflag:s14] =	ssyncset.done $0x0  }
0x98: {  	[sflag:s14] =	ssyncadd.s32 $0xFFFFD800  }
0x99: {  	_ =	sfence.sel $0x180000  }
0x9a: {  	[bflag:$0x0] =	sbarrier.arrive $0xFFFF  }
0x9b: {  	p0 =	sne.s32 s2, $0x0;
	_ =	strace $0x9000004A  }
0x9c: {  	s0 =	sadd.s32 @!p0 $0x100000, s0;
	[bflag:$0x2] =	sbarrier.arrive $0xFFFF  }
0x9d: {  	[sflag:s0] =	ssyncadd.tile.s32 @!p0 $0x1;
	_ =	shalt  }
.Lfunc_end2:
_tile_overlayer_lowered:
.L_overlay_start_2:
0x9e: {  	(tag) =	ssettag $0x2  }
0x9f: {  	s0 =	rddreg [dreg:$0x0];
	s2 =	stileid.u32  }
0xa0: {  	s1 =	rddreg [dreg:$0x1];
	p0 =	sne.s32 s2, $0x0  }
0xa1: {  	s3 =	rddreg [dreg:$0x2];
	[bflag:$0x3] =	sbarrier.arrive $0xFFFF;
	s2 =	simm.s32 @!p0 $0x1C03  }
0xa2: {  	[timem:s3], [sflag:s2] =	dma.local @!p0 [hbm:s0], s1  }
0xa3: {  	s0 =	simm.s32 @!p0 $0x3  }
0xa4: {  	_ =	swait.ge @!p0 [sflag:s0], s1  }
0xa5: {  	s1 =	ssub.s32 @!p0 $0x0, s1;
	[sflag:s0] =	ssyncset.done @!p0 $0x0  }
0xa6: {  	[sflag:s0] =	ssyncadd.s32 @!p0 s1  }
0xa7: {  	[bflag:$0x3] =	sbarrier.arrive $0xFFFF  }
0xa8: {  	_ =	shalt  }

// kernel: kernel.14.cloned.1.call-start
scs
__scs_entry_jumppad:
0x0: {  	(pc) =	sbr.rel $0x88, $3  }
0x1: {  	(tag) =	ssettag $0x0;
	lr =	simm.s32 $0x1  }
0x2: {  	[smem:$0x3F99] =	sst lr;
	_ =	strace $0xD0000000  }
0x3: {  	_ = 	snop  }
0x4: {  	_ = 	snop  }
0x5: {  	_ = 	snop  }
0x6: {  	_ = 	snop  }
0x7: {  	_ = 	snop  }
__scs_overlays_trampoline_lowered:
0x8: {  	[smem:$0x3FA8] =	sst s0  }
0x9: {  	[smem:$0x3FA9] =	sst s1  }
0xa: {  	[smem:$0x3FAA] =	sst s2  }
0xb: {  	[smem:$0x3FAB] =	sst s3  }
0xc: {  	[smem:$0x3FAC] =	sst s4  }
0xd: {  	[smem:$0x3FAD] =	sst s5  }
0xe: {  	[smem:$0x3FAE] =	sst s6  }
0xf: {  	[smem:$0x3FAF] =	sst s7  }
0x10: {  	[smem:$0x3FB0] =	sst s8  }
0x11: {  	[smem:$0x3FB1] =	sst s9;
	s0 =	simm.s32 @!p0 $0x0  }
0x12: {  	s1 =	sld [smem:$0x3F97];
	s0 =	simm.s32 @p0 $0x1  }
0x13: {  	[smem:$0x3FB2] =	sst s0;
	s0 =	simm.s32 @!p1 $0x0  }
0x14: {  	s2 =	sld [smem:$0x3F96];
	s0 =	simm.s32 @p1 $0x1  }
0x15: {  	[smem:$0x3FB3] =	sst s0;
	s0 =	simm.s32 @!p2 $0x0  }
0x16: {  	s3 =	sld [smem:$0x3FDB];
	s0 =	simm.s32 @p2 $0x1  }
0x17: {  	s4 =	simm.s32 $0x1BF5;
	[smem:$0x3FB5] =	sst s0  }
0x18: {  	s0 =	sld [smem:$0x3F98];
	_ =	swait.ge [sflag:s4], $0x0  }
0x19: {  	s7 =	sld [smem:$0x3F99]  }
0x1a: {  	s8 =	sadd.s32 $0xFFFFE003, lr  }
0x1b: {  	s9 =	sadd.s32 $0xFFFFFEF7, lr;
	s5 =	simm.s32 $0xFFFFFFFF;
	p2 =	slt.u32 s8, $0xFFFFF086  }
0x1c: {  	p1 =	slt.u32 s9, $0xF7A;
	s5 =	simm.s32 @!p2 $0x0  }
0x1d: {  	s5 =	simm.s32 @p1 $0x1;
	p0 =	seq.s32 s7, s2  }
0x1e: {  	s7 =	smul.u32 @!p0 $0xF7A, s2;
	p2 =	seq.s32 @!p0 s5, $0x0  }
0x1f: {  	s9 =	smul.u32 $0xF7A, s1;
	s8 =	simm.s32 @!p0 $0x1BF5;
	p2 =	por !p2, p0  }
0x20: {  	[sflag:s8] =	ssyncset.s32 @!p0 $0xFFFFF086;
	s6 =	sadd.s32 @!p0 s3, s7;
	s7 =	simm.s32 @!p0 $0x108  }
0x21: {  	s3 =	sadd.s32 s3, s9;
	s6 =	sadd.s32 @!p0 $0x88, s6;
	s7 =	simm.s32 @p2 $0x1082  }
0x22: {  	[simem:s7], [sflag:s8] =	dma.local @!p0 [hbm:s6], $0xF7A  }
0x23: {  	s9 =	sor.u32 $0xD0000000, s2;
	s6 =	simm.s32 $0x108;
	_ =	swait.ge @!p0 [sflag:s8], $0x0  }
0x24: {  	s3 =	sadd.s32 $0x88, s3;
	s6 =	simm.s32 @!p1 $0x1082;
	[sflag:s4] =	ssyncset.s32 $0xFFFFF086  }
0x25: {  	[simem:s6], [sflag:s4] =	dma.local [hbm:s3], $0xF7A  }
0x26: {  	[smem:$0x3F99] =	sst s1;
	(tag) =	ssettag s2;
	_ =	strace s9  }
0x27: {  	s1 =	sld [smem:$0x3FA9]  }
0x28: {  	s2 =	sld [smem:$0x3FAA]  }
0x29: {  	s4 =	sld [smem:$0x3FAC]  }
0x2a: {  	p0 =	seq.s32 s5, $0x0;
	s5 =	sld [smem:$0x3FAD]  }
0x2b: {  	s6 =	sld [smem:$0x3FAE]  }
0x2c: {  	s7 =	sld [smem:$0x3FAF]  }
0x2d: {  	s3 =	simm.s32 $0x108;
	s8 =	sld [smem:$0x3FB0]  }
0x2e: {  	s3 =	simm.s32 @!p0 $0x1082;
	s9 =	sld [smem:$0x3FB1]  }
0x2f: {  	lr =	sadd.s32 s0, s3;
	s0 =	sld [smem:$0x3FA8]  }
0x30: {  	s3 =	sld [smem:$0x3FAB]  }
0x31: {  	[smem:$0x3FB4] =	sst s10  }
0x32: {  	s10 =	sld [smem:$0x3FB2];
	_ =	sdelay $0x3  }
0x33: {  	p0 =	seq.s32 s10, $0x1;
	s10 =	sld [smem:$0x3FB4];
	_ =	sdelay $0x3  }
0x34: {  	[smem:$0x3FB4] =	sst s10  }
0x35: {  	s10 =	sld [smem:$0x3FB3];
	_ =	sdelay $0x3  }
0x36: {  	p1 =	seq.s32 s10, $0x1;
	s10 =	sld [smem:$0x3FB4];
	_ =	sdelay $0x3  }
0x37: {  	[smem:$0x3FB4] =	sst s10  }
0x38: {  	s10 =	sld [smem:$0x3FB5]  }
0x39: {  	_ = 	snop;
	(pc) =	sbr.ind lr, $3  }
0x3a: {  	_ = 	snop  }
0x3b: {  	_ = 	snop  }
0x3c: {  	p2 =	seq.s32 s10, $0x1;
	s10 =	sld [smem:$0x3FB4]  }
0x3d: {  	_ =	shalt  }
0x3e: {  	_ =	shalt  }
0x3f: {  	_ =	shalt  }
0x40: {  	_ =	shalt  }
0x41: {  	_ =	shalt  }
0x42: {  	_ =	shalt  }
0x43: {  	_ =	shalt  }
0x44: {  	_ =	shalt  }
0x45: {  	_ =	shalt  }
0x46: {  	_ =	shalt  }
0x47: {  	_ =	shalt  }
0x48: {  	_ =	shalt  }
0x49: {  	_ =	shalt  }
0x4a: {  	_ =	shalt  }
0x4b: {  	_ =	shalt  }
0x4c: {  	_ =	shalt  }
0x4d: {  	_ =	shalt  }
0x4e: {  	_ =	shalt  }
0x4f: {  	_ =	shalt  }
0x50: {  	_ =	shalt  }
0x51: {  	_ =	shalt  }
0x52: {  	_ =	shalt  }
0x53: {  	_ =	shalt  }
0x54: {  	_ =	shalt  }
0x55: {  	_ =	shalt  }
0x56: {  	_ =	shalt  }
0x57: {  	_ =	shalt  }
0x58: {  	_ =	shalt  }
0x59: {  	_ =	shalt  }
0x5a: {  	_ =	shalt  }
0x5b: {  	_ =	shalt  }
0x5c: {  	_ =	shalt  }
0x5d: {  	_ =	shalt  }
0x5e: {  	_ =	shalt  }
0x5f: {  	_ =	shalt  }
0x60: {  	_ =	shalt  }
0x61: {  	_ =	shalt  }
0x62: {  	_ =	shalt  }
0x63: {  	_ =	shalt  }
0x64: {  	_ =	shalt  }
0x65: {  	_ =	shalt  }
0x66: {  	_ =	shalt  }
0x67: {  	_ =	shalt  }
0x68: {  	_ =	shalt  }
0x69: {  	_ =	shalt  }
0x6a: {  	_ =	shalt  }
0x6b: {  	_ =	shalt  }
0x6c: {  	_ =	shalt  }
0x6d: {  	_ =	shalt  }
0x6e: {  	_ =	shalt  }
0x6f: {  	_ =	shalt  }
0x70: {  	_ =	shalt  }
0x71: {  	_ =	shalt  }
0x72: {  	_ =	shalt  }
0x73: {  	_ =	shalt  }
0x74: {  	_ =	shalt  }
0x75: {  	_ =	shalt  }
0x76: {  	_ =	shalt  }
0x77: {  	_ =	shalt  }
0x78: {  	_ =	shalt  }
0x79: {  	_ =	shalt  }
0x7a: {  	_ =	shalt  }
0x7b: {  	_ =	shalt  }
0x7c: {  	_ =	shalt  }
0x7d: {  	_ =	shalt  }
0x7e: {  	_ =	shalt  }
0x7f: {  	_ =	shalt  }
0x80: {  	_ =	shalt  }
0x81: {  	_ =	shalt  }
0x82: {  	_ =	shalt  }
0x83: {  	_ =	shalt  }
0x84: {  	_ =	shalt  }
0x85: {  	_ =	shalt  }
0x86: {  	_ =	shalt  }
0x87: {  	_ =	shalt  }
.Lfunc_end0:
.L_simem_size_0:
called_computation.2_lowered:
.L_overlay_start_0:
0x88: {  	s2 =	sld [smem:$0x3FD9]  }
0x89: {  	s3 =	sld [smem:$0x3FFE];
	_ =	sdelay $0x1  }
0x8a: {  	s1 =	srdreg.scid  }
0x8b: {  	s0 =	sand.u32 $0x1, s1  }
0x8c: {  	s17 =	sshll.u32 s0, $0xA;
	s2 =	sadd.s32 s3, s2  }
0x8d: {  	s2 =	sadd.s32 s2, s17  }
0x8e: {  	[smem:$0x3FC0] =	sst s2  }
0x8f: {  	_ = 	snop  }
0x90: {  	s2 =	sld [smem:$0x3FD0];
	(tm) =	ssettm $0x1  }
0x91: {  	s18 =	sld [smem:$0x3FFB];
	_ =	sdelay $0x3  }
0x92: {  	_ =	strace s18  }
0x93: {  	s3 =	sld [smem:$0x3FFC];
	_ =	sdelay $0x3  }
0x94: {  	_ =	strace s3  }
0x95: {  	s3 =	sld [smem:$0x3FFD];
	_ =	sdelay $0x3  }
0x96: {  	_ =	strace s3  }
0x97: {  	_ =	strace $0x8FFFFFFF  }
0x98: {  	s19 =	sld [smem:$0x3FDB];
	_ =	sdelay $0x1  }
0x99: {  	s4 =	simm.s32 $_scs_section_size  }
0x9a: {  	s5 =	simm.s32 $_size__tile_overlayer_lowered;
	s6 =	simm.s32 $_tile_overlayer_lowered  }
0x9b: {  	s22 =	simm.s32 $0x1BFF;
	s21 =	sshll.u32 s6, $0x1;
	s3 =	sadd.s32 s4, s19  }
0x9c: {  	s7 =	simm.s32 $0x0;
	s20 =	sshll.u32 s5, $0x1;
	s5 =	sadd.s32 s21, s3  }
0x9d: {  	[timem:s7], [sflag:s22] =	dma.local [hbm:s5], s20  }
0x9e: {  	_ =	swait.ge [sflag:s22], s20  }
0x9f: {  	s4 =	ssub.s32 $0x0, s20;
	[sflag:s22] =	ssyncset.done $0x0  }
0xa0: {  	[sflag:s22] =	ssyncadd.s32 s4;
	_ =	sdelay $0x1  }
0xa1: {  	s23 =	simm.s32 $0x1B8B  }
0xa2: {  	_ =	swait.ge [sflag:s23], $0x1  }
0xa3: {  	[sflag:s23] =	ssyncset.done $0x0  }
0xa4: {  	s25 =	simm.s32 $0x1B8E;
	s24 =	sld [smem:$0x3FFE];
	[sflag:s23] =	ssyncadd.s32 $0xFFFFFFFF  }
0xa5: {  	s26 =	simm.s32 $execute0_lowered;
	[smem:$0x3FD2] =	sst s25  }
0xa6: {  	s5 =	sshll.u32 s26, $0x1;
	_ =	strace $0x8000004C;
	[dreg:$0x1] =	wrdreg $0xFFFFFFFF  }
0xa7: {  	s28 =	simm.s32 $_size_execute0_lowered;
	s3 =	sadd.s32 s3, s5;
	[dreg:$0x0] =	wrdreg $0x0  }
0xa8: {  	s5 =	sshll.u32 s28, $0x1;
	[dreg:$0x2] =	wrdreg s3  }
0xa9: {  	[dreg:$0x3] =	wrdreg s5  }
0xaa: {  	[dreg:$0x4] =	wrdreg $0xC0  }
0xab: {  	_ =	task [dreg:s7], $0x5FFFF  }
0xac: {  	[dreg:$0x1] =	wrdreg $0xFFFFFFFF  }
0xad: {  	[dreg:$0x0] =	wrdreg $0x60  }
0xae: {  	[dreg:$0x2] =	wrdreg s24  }
0xaf: {  	[dreg:$0x3] =	wrdreg s2  }
0xb0: {  	[dreg:$0x4] =	wrdreg $0xB0000  }
0xb1: {  	[dreg:$0x5] =	wrdreg $0x9  }
0xb2: {  	_ =	task.clear_ibuf [dreg:s7], $0x6FFFF;
	_ =	strace $0x9000004C  }
0xb3: {  	s29 =	simm.s32 $0x9;
	_ =	strace $0x8000004E  }
0xb4: {  	_ =	swait.ge [sflag:s29], $0x1  }
0xb5: {  	[sflag:s29] =	ssyncadd.s32 $0xFFFFFFFF  }
0xb6: {  	_ =	strace $0x9000004E  }
0xb7: {  	_ =	sfence  }
0xb8: {  	s30 =	sld [smem:$0x0];
	_ =	sdelay $0x2  }
0xb9: {  	s31 =	sshll.u32 s1, $0xD;
	s1 =	sshrl.u32 s1, $0x2  }
0xba: {  	s3 =	sand.u32 $0x4000, s31;
	s1 =	sadd.s32 s1, s30  }
0xbb: {  	s0 =	sor.u32 s3, s0;
	s1 =	sshll.u32 s1, $0x11  }
0xbc: {  	s0 =	sor.u32 s1, s0  }
0xbd: {  	s0 =	sadd.s32 $0x8F2B, s0  }
0xbe: {  	[sflag:s0] =	ssyncadd.remote.s32 $0x1  }
0xbf: {  	_ =	sfence.sel $0xFFFF  }
0xc0: {  	[dreg:$0x0] =	wrdreg $0xFFFFFFFF;
	(pc) =	sbr.abs _section_cstart, $3  }
0xc1: {  	[dreg:$0x1] =	wrdreg $0xFFFFFFFF  }
0xc2: {  	_ =	task.clear_ibuf [dreg:s7], $0x2FFFF;
	_ =	strace $0x9FFFFFFF  }
0xc3: {  	(tm) =	ssettm $0x7FFFFFFF  }
tec
execute0_lowered:
.L_overlay_start_1:
0x0: {  	(tag) =	ssettag $0x1  }
0x1: {  	s6 =	rddreg [dreg:$0x0]  }
0x2: {  	s9 =	rddreg [dreg:$0x1]  }
0x3: {  	s1 =	rddreg [dreg:$0x2]  }
0x4: {  	s2 =	srdreg.scid;
	s0 =	rddreg [dreg:$0x3]  }
0x5: {  	s3 =	simm.s32 $0x0;
	s15 =	simm.s32 $0x1800;
	s16 =	simm.s32 $0x80  }
0x6: {  	s17 =	simm.s32 $0x3000;
	s18 =	simm.s32 $0x7000;
	s19 =	simm.s32 $0x1  }
0x7: {  	s20 =	simm.s32 $0x1880;
	s21 =	simm.s32 $0x2;
	s22 =	simm.s32 $0x0  }
0x8: {  	s7 =	sand.u32 $0x1, s2;
	s2 =	stileid.u32;
	[smem:$0x7FF] =	sst s3  }
0x9: {  	s4 =	sadd.s32 $0x24A00, s6;
	s11 =	sadd.s32 $0x18A00, s6;
	s8 =	smul.u32 $0x140000, s7  }
0xa: {  	s5 =	sadd.s32 $0x1E00, s6;
	s10 =	smul.u32 $0x14000, s2;
	_ =	strace $0x8000004D  }
0xb: {  	s24 =	sshll.u32 s2, $0x1;
	s12 =	ssub.s32 $0x2, s7;
	s25 =	smul.u32 $0x50000, s2  }
0xc: {  	s29 =	sshll.u32 s2, $0x6;
	s7 =	sor.u32 s7, s24;
	s13 =	sshrl.u32 s12, $0x1  }
0xd: {  	s8 =	sadd.s32 s10, s8;
	s7 =	smul.u32 $0x3000, s7;
	s26 =	sshrl.u32 s25, $0x2  }
0xe: {  	s12 =	ssub.s32 s12, s13;
	s8 =	sshrl.u32 s8, $0x3;
	s28 =	sadd.s32 s26, s1  }
0xf: {  	s12 =	smax.u32 s12, $0x1;
	s14 =	sadd.s32 s8, s6;
	s30 =	sshrl.u32 s7, $0x3  }
0x10: {  	s6 =	sor.u32 $0x1C03, s29;
	s13 =	sshrl.u32 s28, $0x3;
	s31 =	sadd.s32 $0x300, s30  }
0x11: {  	s7 =	sadd.s32 s9, s30;
	s8 =	sadd.s32 s11, s30;
	s9 =	sadd.s32 s9, s31  }
0x12: {  	s10 =	sadd.s32 s11, s31;
	s11 =	sadd.s32 $0x4CA00, s14;
	s14 =	simm.s32 $0x3  }
.LBB2_1:
0x13: {  	[spmem:s13], [sflag:s6] =	dma.local [hbm:s5], $0x2800  }
0x14: {  	_ =	swait.ge [sflag:s14], $0x2800  }
0x15: {  	[sflag:s14] =	ssyncset.done $0x0  }
0x16: {  	[sflag:s14] =	ssyncadd.s32 $0xFFFFD800  }
0x17: {  	[bflag:$0x0] =	sbarrier.arrive $0xFFFF  }
0x18: {  	[tilespmem:s3], [sflag:$0x3] =	stream.linear.gather [hbm4b:s7+s3], $0x1500, $0x38;
	[tilespmem:$0x1F000] =	vst v63  }
0x19: {  	_ =	swait.ge [sflag:s14], $0x1500  }
0x1a: {  	[sflag:s14] =	ssyncset.done $0x0  }
0x1b: {  	[sflag:s14] =	ssyncadd.s32 $0xFFFFEB00  }
0x1c: {  	[tilespmem:s15], [sflag:$0x3] =	stream.linear.gather [hbm4b:s8+s3], $0x1500, $0x38;
	[tilespmem:$0x1F000] =	vst v63  }
0x1d: {  	_ =	swait.ge [sflag:s14], $0x1500  }
0x1e: {  	[sflag:s14] =	ssyncset.done $0x0  }
0x1f: {  	[sflag:s14] =	ssyncadd.s32 $0xFFFFEB00  }
0x20: {  	[tilespmem:s17], [sflag:$0x3] =	stream.indirect.gather [hbm4b:s4+s16], $0x80, s3, s16, $0xb8;
	[tilespmem:$0x1F000] =	vst v63  }
0x21: {  	_ =	swait.ge [sflag:s14], $0x4000  }
0x22: {  	[sflag:s14] =	ssyncset.done $0x0  }
0x23: {  	[sflag:s14] =	ssyncadd.s32 $0xFFFFC000  }
0x24: {  	[spmem:s1] =	stream.indirect.scatter.add.f32 [tilespmem:s17], [sflag:$0x1], $0x80, s15, s16, $0xb8;
	[tilespmem:$0x1F000] =	vst v63  }
0x25: {  	_ = 	snop  }
0x26: {  	[tilespmem:s18], [sflag:$0x3] =	stream.indirect.gather [hbm4b:s4+s16], $0x80, s16, s16, $0xb8;
	[tilespmem:$0x1F000] =	vst v63  }
0x27: {  	_ =	swait.ge [sflag:s14], $0x4000  }
0x28: {  	[sflag:s14] =	ssyncset.done $0x0  }
0x29: {  	[sflag:s14] =	ssyncadd.s32 $0xFFFFC000  }
0x2a: {  	_ =	swait.ge [sflag:s19], $0x4000  }
0x2b: {  	[sflag:s19] =	ssyncset.done $0x0  }
0x2c: {  	[sflag:s19] =	ssyncadd.s32 $0xFFFFC000  }
0x2d: {  	[spmem:s1] =	stream.indirect.scatter.add.f32 [tilespmem:s18], [sflag:$0x2], $0x80, s20, s16, $0xb8;
	[tilespmem:$0x1F000] =	vst v63  }
0x2e: {  	s23 =	simm.s32 $0x100  }
0x2f: {  	[tilespmem:s17], [sflag:$0x3] =	stream.indirect.gather [hbm4b:s4+s16], $0x80, s23, s16, $0xb8;
	[tilespmem:$0x1F000] =	vst v63  }
0x30: {  	_ =	swait.ge [sflag:s14], $0x4000  }
0x31: {  	[sflag:s14] =	ssyncset.done $0x0  }
0x32: {  	[sflag:s14] =	ssyncadd.s32 $0xFFFFC000  }
0x33: {  	_ =	swait.ge [sflag:s21], $0x4000  }
0x34: {  	[sflag:s21] =	ssyncset.done $0x0  }
0x35: {  	s30 =	simm.s32 $0x1900;
	[sflag:s21] =	ssyncadd.s32 $0xFFFFC000  }
0x36: {  	[spmem:s1] =	stream.indirect.scatter.add.f32 [tilespmem:s17], [sflag:$0x1], $0x80, s30, s16, $0xb8;
	[tilespmem:$0x1F000] =	vst v63  }
0x37: {  	s31 =	simm.s32 $0x180  }
0x38: {  	[tilespmem:s18], [sflag:$0x3] =	stream.indirect.gather [hbm4b:s4+s16], $0x80, s31, s16, $0xb8;
	[tilespmem:$0x1F000] =	vst v63  }
0x39: {  	_ =	swait.ge [sflag:s14], $0x4000  }
0x3a: {  	[sflag:s14] =	ssyncset.done $0x0  }
0x3b: {  	[sflag:s14] =	ssyncadd.s32 $0xFFFFC000  }
0x3c: {  	_ =	swait.ge [sflag:s19], $0x4000  }
0x3d: {  	s24 =	simm.s32 $0xFFFFB800;
	[sflag:s19] =	ssyncset.done $0x0  }
0x3e: {  	s25 =	simm.s32 $0x1980;
	s23 =	simm.s32 $0xFFFFED00;
	[sflag:s19] =	ssyncadd.s32 $0xFFFFC000  }
.LBB2_2:
0x3f: {  	[spmem:s1] =	stream.indirect.scatter.add.f32 [tilespmem:s18], [sflag:$0x2], $0x80, s25, s16, $0xb8;
	[tilespmem:$0x1F000] =	vst v63  }
0x40: {  	s25 =	smov.u32 s24  }
0x41: {  	s28 =	sadd.s32 $0x400, s24;
	s26 =	sshra.s32 s25, $0x2;
	s25 =	sadd.s32 $0x1500, s23  }
0x42: {  	[tilespmem:s17], [sflag:$0x3] =	stream.indirect.gather [hbm4b:s4+s16], $0x80, s25, s16, $0xb8;
	[tilespmem:$0x1F000] =	vst v63  }
0x43: {  	p0 =	sne.s32 s24, $0xFFFFFC00;
	_ =	swait.ge [sflag:s14], $0x4000  }
0x44: {  	[sflag:s14] =	ssyncset.done $0x0  }
0x45: {  	[sflag:s14] =	ssyncadd.s32 $0xFFFFC000  }
0x46: {  	_ =	swait.ge [sflag:s21], $0x4000  }
0x47: {  	[sflag:s21] =	ssyncset.done $0x0  }
0x48: {  	s24 =	sadd.s32 $0x2D00, s23;
	[sflag:s21] =	ssyncadd.s32 $0xFFFFC000  }
0x49: {  	[spmem:s1] =	stream.indirect.scatter.add.f32 [tilespmem:s17], [sflag:$0x1], $0x80, s24, s16, $0xb8;
	[tilespmem:$0x1F000] =	vst v63  }
0x4a: {  	s24 =	sadd.s32 $0x1580, s23  }
0x4b: {  	[tilespmem:s18], [sflag:$0x3] =	stream.indirect.gather [hbm4b:s4+s16], $0x80, s24, s16, $0xb8;
	[tilespmem:$0x1F000] =	vst v63  }
0x4c: {  	_ =	swait.ge [sflag:s14], $0x4000  }
.Ltmp0:
0x4d: {  	[sflag:s14] =	ssyncset.done $0x0;
	(pc) =	sbr.rel @p0 .LBB2_2-.Ltmp0, $4  }
0x4e: {  	[sflag:s14] =	ssyncadd.s32 $0xFFFFC000  }
0x4f: {  	_ =	swait.ge [sflag:s19], $0x4000  }
0x50: {  	s25 =	sadd.s32 $0x2D80, s23;
	[sflag:s19] =	ssyncset.done $0x0  }
0x51: {  	s23 =	smov.u32 s26;
	s24 =	smov.u32 s28;
	[sflag:s19] =	ssyncadd.s32 $0xFFFFC000  }
0x52: {  	[spmem:s1] =	stream.indirect.scatter.add.f32 [tilespmem:s18], [sflag:$0x2], $0x80, s25, s16, $0xb8;
	[tilespmem:$0x1F000] =	vst v63  }
0x53: {  	s24 =	sadd.s32 $0x1500, s23  }
0x54: {  	[tilespmem:s17], [sflag:$0x3] =	stream.indirect.gather [hbm4b:s4+s16], $0x80, s24, s16, $0xb8;
	[tilespmem:$0x1F000] =	vst v63  }
0x55: {  	_ =	swait.ge [sflag:s14], $0x4000  }
0x56: {  	[sflag:s14] =	ssyncset.done $0x0  }
0x57: {  	[sflag:s14] =	ssyncadd.s32 $0xFFFFC000  }
0x58: {  	_ =	swait.ge [sflag:s21], $0x4000  }
0x59: {  	[sflag:s21] =	ssyncset.done $0x0  }
0x5a: {  	s31 =	sadd.s32 $0x2D00, s23;
	[sflag:s21] =	ssyncadd.s32 $0xFFFFC000  }
0x5b: {  	[spmem:s1] =	stream.indirect.scatter.add.f32 [tilespmem:s17], [sflag:$0x1], $0x80, s31, s16, $0xb8;
	[tilespmem:$0x1F000] =	vst v63  }
0x5c: {  	s25 =	sadd.s32 $0x1580, s23  }
0x5d: {  	[tilespmem:s18], [sflag:$0x3] =	stream.indirect.gather [hbm4b:s4+s16], $0x80, s25, s16, $0xb8;
	[tilespmem:$0x1F000] =	vst v63  }
0x5e: {  	_ =	swait.ge [sflag:s14], $0x4000  }
0x5f: {  	[sflag:s14] =	ssyncset.done $0x0  }
0x60: {  	[sflag:s14] =	ssyncadd.s32 $0xFFFFC000  }
0x61: {  	_ =	swait.ge [sflag:s19], $0x4000  }
0x62: {  	[sflag:s19] =	ssyncset.done $0x0  }
0x63: {  	s26 =	sadd.s32 $0x2D80, s23;
	[sflag:s19] =	ssyncadd.s32 $0xFFFFC000  }
0x64: {  	[spmem:s1] =	stream.indirect.scatter.add.f32 [tilespmem:s18], [sflag:$0x2], $0x80, s26, s16, $0xb8;
	[tilespmem:$0x1F000] =	vst v63  }
0x65: {  	s28 =	simm.s32 $0x0  }
0x66: {  	[tilespmem:s28], [sflag:$0x3] =	stream.linear.gather [hbm4b:s9+s28], $0x1500, $0x38;
	[tilespmem:$0x1F000] =	vst v63  }
0x67: {  	_ =	swait.ge [sflag:s14], $0x1500  }
0x68: {  	[sflag:s14] =	ssyncset.done $0x0  }
0x69: {  	[sflag:s14] =	ssyncadd.s32 $0xFFFFEB00  }
0x6a: {  	[tilespmem:s15], [sflag:$0x3] =	stream.linear.gather [hbm4b:s10+s28], $0x1500, $0x38;
	[tilespmem:$0x1F000] =	vst v63  }
0x6b: {  	_ =	swait.ge [sflag:s14], $0x1500  }
0x6c: {  	[sflag:s14] =	ssyncset.done $0x0  }
0x6d: {  	s29 =	simm.s32 $0x0;
	[sflag:s14] =	ssyncadd.s32 $0xFFFFEB00  }
0x6e: {  	[tilespmem:s17], [sflag:$0x3] =	stream.indirect.gather [hbm4b:s4+s16], $0x80, s29, s16, $0xb8;
	[tilespmem:$0x1F000] =	vst v63  }
0x6f: {  	_ =	swait.ge [sflag:s14], $0x4000  }
0x70: {  	[sflag:s14] =	ssyncset.done $0x0  }
0x71: {  	[sflag:s14] =	ssyncadd.s32 $0xFFFFC000  }
0x72: {  	_ =	swait.ge [sflag:s21], $0x4000  }
0x73: {  	[sflag:s21] =	ssyncset.done $0x0  }
0x74: {  	s30 =	simm.s32 $0x1800;
	[sflag:s21] =	ssyncadd.s32 $0xFFFFC000  }
0x75: {  	[spmem:s1] =	stream.indirect.scatter.add.f32 [tilespmem:s17], [sflag:$0x1], $0x80, s30, s16, $0xb8;
	[tilespmem:$0x1F000] =	vst v63  }
0x76: {  	s31 =	simm.s32 $0x80  }
0x77: {  	[tilespmem:s18], [sflag:$0x3] =	stream.indirect.gather [hbm4b:s4+s16], $0x80, s31, s16, $0xb8;
	[tilespmem:$0x1F000] =	vst v63  }
0x78: {  	_ =	swait.ge [sflag:s14], $0x4000  }
0x79: {  	[sflag:s14] =	ssyncset.done $0x0  }
0x7a: {  	[sflag:s14] =	ssyncadd.s32 $0xFFFFC000  }
0x7b: {  	_ =	swait.ge [sflag:s19], $0x4000  }
0x7c: {  	[sflag:s19] =	ssyncset.done $0x0  }
0x7d: {  	s23 =	simm.s32 $0x400;
	s24 =	simm.s32 $0x1880;
	[sflag:s19] =	ssyncadd.s32 $0xFFFFC000  }
.LBB2_4:
0x7e: {  	[spmem:s1] =	stream.indirect.scatter.add.f32 [tilespmem:s18], [sflag:$0x2], $0x80, s24, s16, $0xb8;
	[tilespmem:$0x1F000] =	vst v63  }
0x7f: {  	s24 =	sshra.s32 s23, $0x2;
	p0 =	sne.s32 s23, $0x5000;
	s23 =	sadd.s32 $0x400, s23  }
0x80: {  	[tilespmem:s17], [sflag:$0x3] =	stream.indirect.gather [hbm4b:s4+s16], $0x80, s24, s16, $0xb8;
	[tilespmem:$0x1F000] =	vst v63  }
0x81: {  	_ =	swait.ge [sflag:s14], $0x4000  }
0x82: {  	[sflag:s14] =	ssyncset.done $0x0  }
0x83: {  	[sflag:s14] =	ssyncadd.s32 $0xFFFFC000  }
0x84: {  	_ =	swait.ge [sflag:s21], $0x4000  }
0x85: {  	[sflag:s21] =	ssyncset.done $0x0  }
0x86: {  	s25 =	sadd.s32 $0x1800, s24;
	[sflag:s21] =	ssyncadd.s32 $0xFFFFC000  }
0x87: {  	[spmem:s1] =	stream.indirect.scatter.add.f32 [tilespmem:s17], [sflag:$0x1], $0x80, s25, s16, $0xb8;
	[tilespmem:$0x1F000] =	vst v63  }
0x88: {  	s25 =	sadd.s32 $0x80, s24  }
0x89: {  	[tilespmem:s18], [sflag:$0x3] =	stream.indirect.gather [hbm4b:s4+s16], $0x80, s25, s16, $0xb8;
	[tilespmem:$0x1F000] =	vst v63  }
0x8a: {  	_ =	swait.ge [sflag:s14], $0x4000  }
.Ltmp1:
0x8b: {  	[sflag:s14] =	ssyncset.done $0x0;
	(pc) =	sbr.rel @p0 .LBB2_4-.Ltmp1, $4  }
0x8c: {  	[sflag:s14] =	ssyncadd.s32 $0xFFFFC000  }
0x8d: {  	_ =	swait.ge [sflag:s19], $0x4000  }
0x8e: {  	[sflag:s19] =	ssyncset.done $0x0  }
0x8f: {  	s24 =	sadd.s32 $0x1880, s24;
	[sflag:s19] =	ssyncadd.s32 $0xFFFFC000  }
0x90: {  	[spmem:s1] =	stream.indirect.scatter.add.f32 [tilespmem:s18], [sflag:$0x2], $0x80, s24, s16, $0xb8;
	[tilespmem:$0x1F000] =	vst v63  }
0x91: {  	_ =	swait.ge [sflag:s21], $0x4000  }
0x92: {  	s22 =	sadd.s32 $0x1, s22;
	[sflag:s21] =	ssyncset.done $0x0  }
0x93: {  	p0 =	sne.s32 s22, s12;
	[sflag:s21] =	ssyncadd.s32 $0xFFFFC000  }
.Ltmp2:
0x94: {  	[bflag:$0x0] =	sbarrier.arrive $0xFFFF;
	(pc) =	sbr.rel @p0 .LBB2_1-.Ltmp2, $4  }
0x95: {  	[hbm:s11], [sflag:s6] =	dma.local [spmem:s13], $0x2800  }
0x96: {  	_ =	swait.ge [sflag:s14], $0x2800  }
0x97: {  	[sflag:s14] =	ssyncset.done $0x0  }
0x98: {  	[sflag:s14] =	ssyncadd.s32 $0xFFFFD800  }
0x99: {  	_ =	sfence.sel $0x180000  }
0x9a: {  	[bflag:$0x0] =	sbarrier.arrive $0xFFFF  }
0x9b: {  	p0 =	sne.s32 s2, $0x0;
	_ =	strace $0x9000004D  }
0x9c: {  	s0 =	sadd.s32 @!p0 $0x100000, s0;
	[bflag:$0x2] =	sbarrier.arrive $0xFFFF  }
0x9d: {  	[sflag:s0] =	ssyncadd.tile.s32 @!p0 $0x1;
	_ =	shalt  }
.Lfunc_end2:
_tile_overlayer_lowered:
.L_overlay_start_2:
0x9e: {  	(tag) =	ssettag $0x2  }
0x9f: {  	s0 =	rddreg [dreg:$0x0];
	s2 =	stileid.u32  }
0xa0: {  	s1 =	rddreg [dreg:$0x1];
	p0 =	sne.s32 s2, $0x0  }
0xa1: {  	s3 =	rddreg [dreg:$0x2];
	[bflag:$0x3] =	sbarrier.arrive $0xFFFF;
	s2 =	simm.s32 @!p0 $0x1C03  }
0xa2: {  	[timem:s3], [sflag:s2] =	dma.local @!p0 [hbm:s0], s1  }
0xa3: {  	s0 =	simm.s32 @!p0 $0x3  }
0xa4: {  	_ =	swait.ge @!p0 [sflag:s0], s1  }
0xa5: {  	s1 =	ssub.s32 @!p0 $0x0, s1;
	[sflag:s0] =	ssyncset.done @!p0 $0x0  }
0xa6: {  	[sflag:s0] =	ssyncadd.s32 @!p0 s1  }
0xa7: {  	[bflag:$0x3] =	sbarrier.arrive $0xFFFF  }
0xa8: {  	_ =	shalt  }

// kernel: kernel.8.cloned.1.call-start
scs
__scs_entry_jumppad:
0x0: {  	(pc) =	sbr.rel $0x88, $3  }
0x1: {  	(tag) =	ssettag $0x0;
	lr =	simm.s32 $0x1  }
0x2: {  	[smem:$0x3F99] =	sst lr;
	_ =	strace $0xD0000000  }
0x3: {  	_ = 	snop  }
0x4: {  	_ = 	snop  }
0x5: {  	_ = 	snop  }
0x6: {  	_ = 	snop  }
0x7: {  	_ = 	snop  }
__scs_overlays_trampoline_lowered:
0x8: {  	[smem:$0x3FA8] =	sst s0  }
0x9: {  	[smem:$0x3FA9] =	sst s1  }
0xa: {  	[smem:$0x3FAA] =	sst s2  }
0xb: {  	[smem:$0x3FAB] =	sst s3  }
0xc: {  	[smem:$0x3FAC] =	sst s4  }
0xd: {  	[smem:$0x3FAD] =	sst s5  }
0xe: {  	[smem:$0x3FAE] =	sst s6  }
0xf: {  	[smem:$0x3FAF] =	sst s7  }
0x10: {  	[smem:$0x3FB0] =	sst s8  }
0x11: {  	[smem:$0x3FB1] =	sst s9;
	s0 =	simm.s32 @!p0 $0x0  }
0x12: {  	s1 =	sld [smem:$0x3F97];
	s0 =	simm.s32 @p0 $0x1  }
0x13: {  	[smem:$0x3FB2] =	sst s0;
	s0 =	simm.s32 @!p1 $0x0  }
0x14: {  	s2 =	sld [smem:$0x3F96];
	s0 =	simm.s32 @p1 $0x1  }
0x15: {  	[smem:$0x3FB3] =	sst s0;
	s0 =	simm.s32 @!p2 $0x0  }
0x16: {  	s3 =	sld [smem:$0x3FDB];
	s0 =	simm.s32 @p2 $0x1  }
0x17: {  	s4 =	simm.s32 $0x1BF5;
	[smem:$0x3FB5] =	sst s0  }
0x18: {  	s0 =	sld [smem:$0x3F98];
	_ =	swait.ge [sflag:s4], $0x0  }
0x19: {  	s7 =	sld [smem:$0x3F99]  }
0x1a: {  	s8 =	sadd.s32 $0xFFFFE003, lr  }
0x1b: {  	s9 =	sadd.s32 $0xFFFFFEF7, lr;
	s5 =	simm.s32 $0xFFFFFFFF;
	p2 =	slt.u32 s8, $0xFFFFF086  }
0x1c: {  	p1 =	slt.u32 s9, $0xF7A;
	s5 =	simm.s32 @!p2 $0x0  }
0x1d: {  	s5 =	simm.s32 @p1 $0x1;
	p0 =	seq.s32 s7, s2  }
0x1e: {  	s7 =	smul.u32 @!p0 $0xF7A, s2;
	p2 =	seq.s32 @!p0 s5, $0x0  }
0x1f: {  	s9 =	smul.u32 $0xF7A, s1;
	s8 =	simm.s32 @!p0 $0x1BF5;
	p2 =	por !p2, p0  }
0x20: {  	[sflag:s8] =	ssyncset.s32 @!p0 $0xFFFFF086;
	s6 =	sadd.s32 @!p0 s3, s7;
	s7 =	simm.s32 @!p0 $0x108  }
0x21: {  	s3 =	sadd.s32 s3, s9;
	s6 =	sadd.s32 @!p0 $0x88, s6;
	s7 =	simm.s32 @p2 $0x1082  }
0x22: {  	[simem:s7], [sflag:s8] =	dma.local @!p0 [hbm:s6], $0xF7A  }
0x23: {  	s9 =	sor.u32 $0xD0000000, s2;
	s6 =	simm.s32 $0x108;
	_ =	swait.ge @!p0 [sflag:s8], $0x0  }
0x24: {  	s3 =	sadd.s32 $0x88, s3;
	s6 =	simm.s32 @!p1 $0x1082;
	[sflag:s4] =	ssyncset.s32 $0xFFFFF086  }
0x25: {  	[simem:s6], [sflag:s4] =	dma.local [hbm:s3], $0xF7A  }
0x26: {  	[smem:$0x3F99] =	sst s1;
	(tag) =	ssettag s2;
	_ =	strace s9  }
0x27: {  	s1 =	sld [smem:$0x3FA9]  }
0x28: {  	s2 =	sld [smem:$0x3FAA]  }
0x29: {  	s4 =	sld [smem:$0x3FAC]  }
0x2a: {  	p0 =	seq.s32 s5, $0x0;
	s5 =	sld [smem:$0x3FAD]  }
0x2b: {  	s6 =	sld [smem:$0x3FAE]  }
0x2c: {  	s7 =	sld [smem:$0x3FAF]  }
0x2d: {  	s3 =	simm.s32 $0x108;
	s8 =	sld [smem:$0x3FB0]  }
0x2e: {  	s3 =	simm.s32 @!p0 $0x1082;
	s9 =	sld [smem:$0x3FB1]  }
0x2f: {  	lr =	sadd.s32 s0, s3;
	s0 =	sld [smem:$0x3FA8]  }
0x30: {  	s3 =	sld [smem:$0x3FAB]  }
0x31: {  	[smem:$0x3FB4] =	sst s10  }
0x32: {  	s10 =	sld [smem:$0x3FB2];
	_ =	sdelay $0x3  }
0x33: {  	p0 =	seq.s32 s10, $0x1;
	s10 =	sld [smem:$0x3FB4];
	_ =	sdelay $0x3  }
0x34: {  	[smem:$0x3FB4] =	sst s10  }
0x35: {  	s10 =	sld [smem:$0x3FB3];
	_ =	sdelay $0x3  }
0x36: {  	p1 =	seq.s32 s10, $0x1;
	s10 =	sld [smem:$0x3FB4];
	_ =	sdelay $0x3  }
0x37: {  	[smem:$0x3FB4] =	sst s10  }
0x38: {  	s10 =	sld [smem:$0x3FB5]  }
0x39: {  	_ = 	snop;
	(pc) =	sbr.ind lr, $3  }
0x3a: {  	_ = 	snop  }
0x3b: {  	_ = 	snop  }
0x3c: {  	p2 =	seq.s32 s10, $0x1;
	s10 =	sld [smem:$0x3FB4]  }
0x3d: {  	_ =	shalt  }
0x3e: {  	_ =	shalt  }
0x3f: {  	_ =	shalt  }
0x40: {  	_ =	shalt  }
0x41: {  	_ =	shalt  }
0x42: {  	_ =	shalt  }
0x43: {  	_ =	shalt  }
0x44: {  	_ =	shalt  }
0x45: {  	_ =	shalt  }
0x46: {  	_ =	shalt  }
0x47: {  	_ =	shalt  }
0x48: {  	_ =	shalt  }
0x49: {  	_ =	shalt  }
0x4a: {  	_ =	shalt  }
0x4b: {  	_ =	shalt  }
0x4c: {  	_ =	shalt  }
0x4d: {  	_ =	shalt  }
0x4e: {  	_ =	shalt  }
0x4f: {  	_ =	shalt  }
0x50: {  	_ =	shalt  }
0x51: {  	_ =	shalt  }
0x52: {  	_ =	shalt  }
0x53: {  	_ =	shalt  }
0x54: {  	_ =	shalt  }
0x55: {  	_ =	shalt  }
0x56: {  	_ =	shalt  }
0x57: {  	_ =	shalt  }
0x58: {  	_ =	shalt  }
0x59: {  	_ =	shalt  }
0x5a: {  	_ =	shalt  }
0x5b: {  	_ =	shalt  }
0x5c: {  	_ =	shalt  }
0x5d: {  	_ =	shalt  }
0x5e: {  	_ =	shalt  }
0x5f: {  	_ =	shalt  }
0x60: {  	_ =	shalt  }
0x61: {  	_ =	shalt  }
0x62: {  	_ =	shalt  }
0x63: {  	_ =	shalt  }
0x64: {  	_ =	shalt  }
0x65: {  	_ =	shalt  }
0x66: {  	_ =	shalt  }
0x67: {  	_ =	shalt  }
0x68: {  	_ =	shalt  }
0x69: {  	_ =	shalt  }
0x6a: {  	_ =	shalt  }
0x6b: {  	_ =	shalt  }
0x6c: {  	_ =	shalt  }
0x6d: {  	_ =	shalt  }
0x6e: {  	_ =	shalt  }
0x6f: {  	_ =	shalt  }
0x70: {  	_ =	shalt  }
0x71: {  	_ =	shalt  }
0x72: {  	_ =	shalt  }
0x73: {  	_ =	shalt  }
0x74: {  	_ =	shalt  }
0x75: {  	_ =	shalt  }
0x76: {  	_ =	shalt  }
0x77: {  	_ =	shalt  }
0x78: {  	_ =	shalt  }
0x79: {  	_ =	shalt  }
0x7a: {  	_ =	shalt  }
0x7b: {  	_ =	shalt  }
0x7c: {  	_ =	shalt  }
0x7d: {  	_ =	shalt  }
0x7e: {  	_ =	shalt  }
0x7f: {  	_ =	shalt  }
0x80: {  	_ =	shalt  }
0x81: {  	_ =	shalt  }
0x82: {  	_ =	shalt  }
0x83: {  	_ =	shalt  }
0x84: {  	_ =	shalt  }
0x85: {  	_ =	shalt  }
0x86: {  	_ =	shalt  }
0x87: {  	_ =	shalt  }
.Lfunc_end0:
.L_simem_size_0:
called_computation_lowered:
.L_overlay_start_0:
0x88: {  	s2 =	sld [smem:$0x3FD9]  }
0x89: {  	s3 =	sld [smem:$0x3FFE];
	_ =	sdelay $0x1  }
0x8a: {  	s1 =	srdreg.scid  }
0x8b: {  	s0 =	sand.u32 $0x1, s1  }
0x8c: {  	s16 =	sshll.u32 s0, $0xA;
	s2 =	sadd.s32 s3, s2  }
0x8d: {  	s2 =	sadd.s32 s2, s16  }
0x8e: {  	[smem:$0x3FC0] =	sst s2  }
0x8f: {  	_ = 	snop  }
0x90: {  	(tm) =	ssettm $0x1  }
0x91: {  	s17 =	sld [smem:$0x3FFB];
	_ =	sdelay $0x3  }
0x92: {  	_ =	strace s17  }
0x93: {  	s2 =	sld [smem:$0x3FFC];
	_ =	sdelay $0x3  }
0x94: {  	_ =	strace s2  }
0x95: {  	s2 =	sld [smem:$0x3FFD];
	_ =	sdelay $0x3  }
0x96: {  	_ =	strace s2  }
0x97: {  	_ =	strace $0x8FFFFFFF  }
0x98: {  	s18 =	sld [smem:$0x3FDB];
	_ =	sdelay $0x1  }
0x99: {  	s19 =	simm.s32 $_scs_section_size  }
0x9a: {  	s4 =	simm.s32 $_size__tile_overlayer_lowered;
	s5 =	simm.s32 $_tile_overlayer_lowered  }
0x9b: {  	s22 =	simm.s32 $0x1BFF;
	s21 =	sshll.u32 s5, $0x1;
	s2 =	sadd.s32 s19, s18  }
0x9c: {  	s6 =	simm.s32 $0x0;
	s20 =	sshll.u32 s4, $0x1;
	s4 =	sadd.s32 s21, s2  }
0x9d: {  	[timem:s6], [sflag:s22] =	dma.local [hbm:s4], s20  }
0x9e: {  	_ =	swait.ge [sflag:s22], s20  }
0x9f: {  	s3 =	ssub.s32 $0x0, s20;
	[sflag:s22] =	ssyncset.done $0x0  }
0xa0: {  	[sflag:s22] =	ssyncadd.s32 s3;
	_ =	sdelay $0x1  }
0xa1: {  	s23 =	simm.s32 $0x1B8B  }
0xa2: {  	_ =	swait.ge [sflag:s23], $0x1  }
0xa3: {  	[sflag:s23] =	ssyncset.done $0x0  }
0xa4: {  	s25 =	simm.s32 $0x1B8E;
	s24 =	sld [smem:$0x3FFE];
	[sflag:s23] =	ssyncadd.s32 $0xFFFFFFFF  }
0xa5: {  	s26 =	simm.s32 $execute0_lowered;
	[smem:$0x3FD2] =	sst s25  }
0xa6: {  	s4 =	sshll.u32 s26, $0x1;
	_ =	strace $0x80000046;
	[dreg:$0x1] =	wrdreg $0xFFFFFFFF  }
0xa7: {  	s28 =	simm.s32 $_size_execute0_lowered;
	s2 =	sadd.s32 s2, s4;
	[dreg:$0x0] =	wrdreg $0x0  }
0xa8: {  	s4 =	sshll.u32 s28, $0x1;
	[dreg:$0x2] =	wrdreg s2  }
0xa9: {  	[dreg:$0x3] =	wrdreg s4  }
0xaa: {  	[dreg:$0x4] =	wrdreg $0xC0  }
0xab: {  	_ =	task [dreg:s6], $0x5FFFF  }
0xac: {  	[dreg:$0x1] =	wrdreg $0xFFFFFFFF  }
0xad: {  	[dreg:$0x0] =	wrdreg $0x60  }
0xae: {  	[dreg:$0x2] =	wrdreg s24  }
0xaf: {  	[dreg:$0x3] =	wrdreg $0xA4800  }
0xb0: {  	[dreg:$0x4] =	wrdreg $0xA7000  }
0xb1: {  	[dreg:$0x5] =	wrdreg $0x9  }
0xb2: {  	_ =	task.clear_ibuf [dreg:s6], $0x6FFFF;
	_ =	strace $0x90000046  }
0xb3: {  	s29 =	simm.s32 $0x9;
	_ =	strace $0x80000048  }
0xb4: {  	_ =	swait.ge [sflag:s29], $0x1  }
0xb5: {  	[sflag:s29] =	ssyncadd.s32 $0xFFFFFFFF  }
0xb6: {  	_ =	strace $0x90000048  }
0xb7: {  	_ =	sfence  }
0xb8: {  	s30 =	sld [smem:$0x0];
	_ =	sdelay $0x2  }
0xb9: {  	s31 =	sshll.u32 s1, $0xD;
	s1 =	sshrl.u32 s1, $0x2  }
0xba: {  	s3 =	sand.u32 $0x4000, s31;
	s1 =	sadd.s32 s1, s30  }
0xbb: {  	s0 =	sor.u32 s3, s0;
	s1 =	sshll.u32 s1, $0x11  }
0xbc: {  	s0 =	sor.u32 s1, s0  }
0xbd: {  	s0 =	sadd.s32 $0x8F2B, s0  }
0xbe: {  	[sflag:s0] =	ssyncadd.remote.s32 $0x1  }
0xbf: {  	_ =	sfence.sel $0xFFFF  }
0xc0: {  	[dreg:$0x0] =	wrdreg $0xFFFFFFFF;
	(pc) =	sbr.abs _section_cstart, $3  }
0xc1: {  	[dreg:$0x1] =	wrdreg $0xFFFFFFFF  }
0xc2: {  	_ =	task.clear_ibuf [dreg:s6], $0x2FFFF;
	_ =	strace $0x9FFFFFFF  }
0xc3: {  	(tm) =	ssettm $0x7FFFFFFF  }
tec
execute0_lowered:
.L_overlay_start_1:
0x0: {  	(tag) =	ssettag $0x1  }
0x1: {  	s7 =	rddreg [dreg:$0x0]  }
0x2: {  	s1 =	rddreg [dreg:$0x1]  }
0x3: {  	s2 =	rddreg [dreg:$0x2];
	s3 =	srdreg.scid  }
0x4: {  	s0 =	stileid.u32;
	s14 =	simm.s32 $0x1;
	s15 =	simm.s32 $0x7C00  }
0x5: {  	s16 =	simm.s32 $0xA400;
	s17 =	simm.s32 $0x80;
	s18 =	simm.s32 $0x400  }
0x6: {  	s19 =	simm.s32 $0x2A00;
	s23 =	simm.s32 $0x50;
	s24 =	simm.s32 $0x0  }
0x7: {  	s6 =	sand.u32 $0x1, s3;
	s28 =	sshrl.u32 s0, $0x2;
	s4 =	sshll.u32 s0, $0x8  }
0x8: {  	s3 =	rddreg [dreg:$0x3];
	s10 =	sshll.u32 s0, $0xA;
	s31 =	sshll.u32 s0, $0x7  }
0x9: {  	p0 =	sgt.u32 s0, $0x9;
	s5 =	smul.u32 $0x15000, s28;
	s8 =	sshll.u32 s6, $0x7  }
0xa: {  	s4 =	sand.u32 $0x300, s4;
	s29 =	smul.u32 $0x2800, s6;
	s11 =	ssub.s32 $0x2, s6  }
0xb: {  	s6 =	sadd.s32 $0x16E00, s7;
	s21 =	sadd.s32 s10, s1;
	s22 =	sadd.s32 s10, s2  }
0xc: {  	s20 =	sshll.u32 @!p0 s0, $0x6;
	s8 =	sor.u32 s8, s4;
	s4 =	simm.s32 $0x0  }
0xd: {  	s30 =	sshrl.u32 s11, $0x1;
	s20 =	sor.u32 @!p0 $0x1C01, s20;
	s21 =	sshrl.u32 @!p0 s21, $0x3  }
0xe: {  	s22 =	sshrl.u32 @!p0 s22, $0x3;
	s5 =	sor.u32 s5, s8;
	[smem:$0x7FF] =	sst s4  }
0xf: {  	s8 =	sadd.s32 s10, s29;
	s13 =	ssub.s32 s11, s30;
	s5 =	sshrl.u32 s5, $0x3  }
0x10: {  	_ =	strace $0x80000047;
	s8 =	sshrl.u32 s8, $0x3;
	s9 =	sadd.s32 s5, s7  }
0x11: {  	s5 =	sadd.s32 $0x17000, s7;
	s12 =	sadd.s32 s8, s7;
	s7 =	sadd.s32 $0xC600, s9  }
0x12: {  	s8 =	sadd.s32 $0x1E00, s9;
	s9 =	sadd.s32 s5, s31;
	s10 =	sadd.s32 $0x17600, s12  }
0x13: {  	v0 =	vimm.f32 $1.000000000e+00;
	s11 =	sadd.s32 $0x18000, s12;
	s12 =	smax.u32 s13, $0x1;
	s13 =	simm.s32 $0x5400  }
.LBB2_1:
0x14: {  	[tilespmem:s13], [sflag:$0x1] =	stream.linear.gather [hbm4b:s5+s4], $0x2800, $0x38;
	[tilespmem:$0xA980] =	vst v63  }
0x15: {  	_ =	swait.ge [sflag:s14], $0x2800  }
0x16: {  	[sflag:s14] =	ssyncset.done $0x0  }
0x17: {  	[sflag:s14] =	ssyncadd.s32 $0xFFFFD800  }
0x18: {  	[tilespmem:s15], [sflag:$0x1] =	stream.linear.gather [hbm4b:s5+s4], $0x2800, $0x38;
	[tilespmem:$0xA980] =	vst v63  }
0x19: {  	_ =	swait.ge [sflag:s14], $0x2800  }
0x1a: {  	[sflag:s14] =	ssyncset.done $0x0  }
0x1b: {  	[sflag:s14] =	ssyncadd.s32 $0xFFFFD800  }
0x1c: {  	[tilespmem:s16], [sflag:$0x1] =	stream.linear.gather [hbm4b:s6+s4], $0x80, $0x38;
	[tilespmem:$0xA980] =	vst v63  }
0x1d: {  	_ =	swait.ge [sflag:s14], $0x80  }
0x1e: {  	[sflag:s14] =	ssyncset.done $0x0  }
0x1f: {  	[sflag:s14] =	ssyncadd.s32 $0xFFFFFF80  }
0x20: {  	[tilespmem:s4], [sflag:$0x1] =	stream.strided.gather [hbm4b:s7+s17], $0x2A00, s18, s17, $0x38;
	[tilespmem:$0xA980] =	vst v63  }
0x21: {  	_ =	swait.ge [sflag:s14], $0x2A00  }
0x22: {  	[sflag:s14] =	ssyncset.done $0x0  }
0x23: {  	[sflag:s14] =	ssyncadd.s32 $0xFFFFD600  }
0x24: {  	[tilespmem:s19], [sflag:$0x1] =	stream.strided.gather [hbm4b:s8+s17], $0x2A00, s18, s17, $0x38;
	[tilespmem:$0xA980] =	vst v63  }
0x25: {  	_ =	swait.ge [sflag:s14], $0x2A00  }
0x26: {  	[sflag:s14] =	ssyncset.done $0x0  }
0x27: {  	s25 =	simm.s32 @!p0 $0x1;
	[sflag:s14] =	ssyncadd.s32 $0xFFFFD600  }
0x28: {  	[spmem:s21], [sflag:s20] =	dma.local @!p0 [hbm:s9], $0x80  }
0x29: {  	_ =	swait.ge @!p0 [sflag:s25], $0x80  }
0x2a: {  	[sflag:s25] =	ssyncset.done @!p0 $0x0  }
0x2b: {  	[sflag:s25] =	ssyncadd.s32 @!p0 $0xFFFFFF80  }
0x2c: {  	[spmem:s22], [sflag:s20] =	dma.local @!p0 [hbm:s9], $0x80  }
0x2d: {  	_ =	swait.ge @!p0 [sflag:s25], $0x80  }
0x2e: {  	[sflag:s25] =	ssyncset.done @!p0 $0x0  }
0x2f: {  	[sflag:s25] =	ssyncadd.s32 @!p0 $0xFFFFFF80  }
0x30: {  	s26 =	simm.s32 $0x0;
	s25 =	simm.s32 $0x40;
	[bflag:$0x0] =	sbarrier.arrive $0xFFFF  }
.LBB2_2:
0x31: {  	p1 =	sne.s32 s25, $0xA7C0;
	v1 =	vld [tilespmem:s26+$0x0];
	_ =	sdelay $0x7  }
0x32: {  	[tilespmem:v1+s13+$0x0] =	vst.idx.add.f32.msk $0xffff, v0  }
0x33: {  	v1 =	vld [tilespmem:s26+$0x2A00];
	_ =	sdelay $0x3  }
.Ltmp0:
0x34: {  	(pc) =	sbr.rel @p1 .LBB2_2-.Ltmp0, $2  }
0x35: {  	_ =	sdelay $0x2  }
0x36: {  	s26 =	sshra.s32 s25, $0x2;
	s25 =	sadd.s32 $0x40, s25;
	[tilespmem:v1+s15+$0x0] =	vst.idx.add.f32.msk $0xffff, v0  }
0x37: {  	v1 =	vld [tilespmem:s26+$0x0];
	_ =	sdelay $0x7  }
0x38: {  	[tilespmem:v1+s13+$0x0] =	vst.idx.add.f32.msk $0xffff, v0  }
0x39: {  	v1 =	vld [tilespmem:s26+$0x2A00];
	_ =	sdelay $0x7  }
0x3a: {  	[tilespmem:v1+s15+$0x0] =	vst.idx.add.f32.msk $0xffff, v0  }
0x3b: {  	[spmem:s1] =	stream.indirect.scatter.add.f32 [tilespmem:s13], [sflag:$0x1], $0x80, s16, s23, $0xb8;
	[tilespmem:$0xA980] =	vst v63  }
0x3c: {  	_ =	swait.ge [sflag:s14], $0x2800  }
0x3d: {  	[sflag:s14] =	ssyncset.done $0x0  }
0x3e: {  	[sflag:s14] =	ssyncadd.s32 $0xFFFFD800  }
0x3f: {  	[spmem:s2] =	stream.indirect.scatter.add.f32 [tilespmem:s15], [sflag:$0x1], $0x80, s16, s23, $0xb8;
	[tilespmem:$0xA980] =	vst v63  }
0x40: {  	_ =	swait.ge [sflag:s14], $0x2800  }
0x41: {  	[sflag:s14] =	ssyncset.done $0x0  }
0x42: {  	[sflag:s14] =	ssyncadd.s32 $0xFFFFD800  }
0x43: {  	s25 =	simm.s32 @!p0 $0x1;
	[bflag:$0x0] =	sbarrier.arrive $0xFFFF  }
0x44: {  	[hbm:s10], [sflag:s20] =	dma.local @!p0 [spmem:s21], $0x80  }
0x45: {  	s24 =	sadd.s32 $0x1, s24;
	_ =	swait.ge @!p0 [sflag:s25], $0x80  }
0x46: {  	p1 =	sne.s32 s24, s12;
	[sflag:s25] =	ssyncset.done @!p0 $0x0  }
.Ltmp1:
0x47: {  	[sflag:s25] =	ssyncadd.s32 @!p0 $0xFFFFFF80;
	(pc) =	sbr.rel @p1 .LBB2_1-.Ltmp1, $4  }
0x48: {  	[hbm:s11], [sflag:s20] =	dma.local @!p0 [spmem:s22], $0x80  }
0x49: {  	_ =	swait.ge @!p0 [sflag:s25], $0x80  }
0x4a: {  	[sflag:s25] =	ssyncset.done @!p0 $0x0  }
0x4b: {  	[sflag:s25] =	ssyncadd.s32 @!p0 $0xFFFFFF80  }
0x4c: {  	_ =	sfence.sel $0x180000  }
0x4d: {  	[bflag:$0x0] =	sbarrier.arrive $0xFFFF  }
0x4e: {  	p0 =	sne.s32 s0, $0x0;
	_ =	strace $0x90000047  }
0x4f: {  	s0 =	sadd.s32 @!p0 $0x100000, s3;
	[bflag:$0x2] =	sbarrier.arrive $0xFFFF  }
0x50: {  	[sflag:s0] =	ssyncadd.tile.s32 @!p0 $0x1;
	_ =	shalt  }
.Lfunc_end2:
_tile_overlayer_lowered:
.L_overlay_start_2:
0x51: {  	(tag) =	ssettag $0x2  }
0x52: {  	s0 =	rddreg [dreg:$0x0];
	s2 =	stileid.u32  }
0x53: {  	s1 =	rddreg [dreg:$0x1];
	p0 =	sne.s32 s2, $0x0  }
0x54: {  	s3 =	rddreg [dreg:$0x2];
	[bflag:$0x3] =	sbarrier.arrive $0xFFFF;
	s2 =	simm.s32 @!p0 $0x1C01  }
0x55: {  	[timem:s3], [sflag:s2] =	dma.local @!p0 [hbm:s0], s1  }
0x56: {  	s0 =	simm.s32 @!p0 $0x1  }
0x57: {  	_ =	swait.ge @!p0 [sflag:s0], s1  }
0x58: {  	s1 =	ssub.s32 @!p0 $0x0, s1;
	[sflag:s0] =	ssyncset.done @!p0 $0x0  }
0x59: {  	[sflag:s0] =	ssyncadd.s32 @!p0 s1  }
0x5a: {  	[bflag:$0x3] =	sbarrier.arrive $0xFFFF  }
0x5b: {  	_ =	shalt  }

</sc_bundles>
